<compile_context>
chip_gen: v7x
topology: tpu7x:2x2x1
jax: 0.10.2.dev20260603
libtpu: 0.0.44.dev20260713+nightly
codegen_flags: <defaults>
</compile_context>

<pallas_src>
import functools
import numpy as np
import jax
import jax.numpy as jnp
from jax import lax
from jax.experimental import pallas as pl
from jax.experimental.pallas import tpu as pltpu
from jax.experimental.pallas import tpu_sc as plsc

NN = 50000
ER = 1600000
EA = 800000
NA = 1600000
RETA = 16.0
AETA = 8.0
ZETA = 32.0
RSTART, RCUT = 0.8, 5.2
ASTART, ACUT = 0.8, 3.5

_DSCALE = 0.5 * np.sqrt(AETA)
_SWSCALE = np.sqrt(2.0 * 0.5 ** ZETA)
_DQ = 65536.0 / 5.0
_SQ = 16384.0

R_SPLIT = 100096
R_SPAN = R_SPLIT // 16
AP_ATOMS = 10112
AP_ROWS = AP_ATOMS * 10
A_SPAN = AP_ROWS // 16
ACC_ROWS = 102400
RAD_BASE = 512
A_BASE = RAD_BASE + 2 * R_SPLIT
OUT_ROWS = A_BASE + 5 * AP_ROWS

CHUNK = 2000
SCHUNK = 400
GROUPS = CHUNK // 16


def _sidx(sp):
    return (jnp.where(sp >= 6, 1, 0) + jnp.where(sp >= 7, 1, 0)
            + jnp.where(sp >= 8, 1, 0))


def _pre_body(ad_hbm, asw_hbm, adst_hbm, spec_hbm, cen_hbm, asrc_hbm,
              adst2_hbm, esrc_hbm, edst_hbm,
              d12_hbm, sp_hbm, aidx_hbm, ridx_hbm,
              tab,
              i0, i1, i2, i3, i4, i5, i6, i7, i8, i9, i10, i11,
              f0, f1, f2, f3,
              si0, si1, sg0, sg1, so0, so1):
    c = lax.axis_index("c")
    s = lax.axis_index("s")
    w = c * 16 + s
    IA, IB, IC = (i0, i1), (i2, i3), (i4, i5)
    ID, IE, IF = (i6, i7), (i8, i9), (i10, i11)
    FA, FB = (f0, f1), (f2, f3)
    isem, gsem, osem = (si0, si1), (sg0, sg1), (so0, so1)

    def pipe(nch, in_start, in_wait, g_start, g_wait, compute, o_start,
             o_wait):
        in_start(0, 0)
        in_wait(0, 0)
        g_start(0, 0)
        in_start(1, 1)

        def pair(p, _):
            for b in (0, 1):
                i = 2 * p + b

                @pl.when(i + 1 < nch)
                def _():
                    in_wait(i + 1, 1 - b)
                    g_start(i + 1, 1 - b)
                g_wait(i, b)

                @pl.when(i >= 2)
                def _():
                    o_wait(i - 2, b)
                compute(i, b)
                o_start(i, b)

                @pl.when(i + 2 < nch)
                def _():
                    in_start(i + 2, b)
            return _
        lax.fori_loop(0, nch // 2, pair, None)
        if nch % 2 == 1:
            i = nch - 1
            g_wait(i, 0)
            o_wait(i - 2, 0)
            compute(i, 0)
            o_start(i, 0)
        o_wait(nch - 2, (nch - 2) % 2)
        o_wait(nch - 1, (nch - 1) % 2)

    def r_eb(i):
        return w * (ER // 32) + i * CHUNK

    def r_in_start(i, b):
        pltpu.async_copy(esrc_hbm.at[pl.ds(r_eb(i), CHUNK)], IA[b], isem[b])
        pltpu.async_copy(edst_hbm.at[pl.ds(r_eb(i), CHUNK)], IB[b], isem[b])

    def r_in_wait(i, b):
        pltpu.make_async_copy(esrc_hbm.at[pl.ds(r_eb(i), CHUNK)], IA[b],
                              isem[b]).wait()
        pltpu.make_async_copy(edst_hbm.at[pl.ds(r_eb(i), CHUNK)], IB[b],
                              isem[b]).wait()

    def r_g_start(i, b):
        pltpu.async_copy(spec_hbm.at[IB[b]], IC[b], gsem[b])

    def r_g_wait(i, b):
        pltpu.make_async_copy(spec_hbm.at[IB[b]], IC[b], gsem[b]).wait()

    def r_compute(i, b):
        def grp(g, _):
            sl = pl.ds(g * 16, 16)
            si = _sidx(IC[b][sl])
            ID[b][sl] = IA[b][sl] * 4 + si
            return _
        lax.fori_loop(0, GROUPS, grp, None)

    def r_o_start(i, b):
        pltpu.async_copy(ID[b], ridx_hbm.at[pl.ds(r_eb(i), CHUNK)], osem[b])

    def r_o_wait(i, b):
        pltpu.make_async_copy(ID[b], ridx_hbm.at[pl.ds(r_eb(i), CHUNK)],
                              osem[b]).wait()

    pipe((ER // 32) // CHUNK, r_in_start, r_in_wait, r_g_start, r_g_wait,
         r_compute, r_o_start, r_o_wait)

    def t_eb(i):
        return s * (EA // 16) + i * CHUNK

    def t_in_start(i, b):
        pltpu.async_copy(ad_hbm.at[pl.ds(t_eb(i), CHUNK)], FA[b], isem[b])
        pltpu.async_copy(asw_hbm.at[pl.ds(t_eb(i), CHUNK)], FB[b], isem[b])
        pltpu.async_copy(adst_hbm.at[pl.ds(t_eb(i), CHUNK)], IA[b], isem[b])

    def t_in_wait(i, b):
        pltpu.make_async_copy(ad_hbm.at[pl.ds(t_eb(i), CHUNK)], FA[b],
                              isem[b]).wait()
        pltpu.make_async_copy(asw_hbm.at[pl.ds(t_eb(i), CHUNK)], FB[b],
                              isem[b]).wait()
        pltpu.make_async_copy(adst_hbm.at[pl.ds(t_eb(i), CHUNK)], IA[b],
                              isem[b]).wait()

    def t_g_start(i, b):
        pltpu.async_copy(spec_hbm.at[IA[b]], IB[b], gsem[b])

    def t_g_wait(i, b):
        pltpu.make_async_copy(spec_hbm.at[IA[b]], IB[b], gsem[b]).wait()

    def t_compute(i, b):
        def grp(g, _):
            sl = pl.ds(g * 16, 16)
            si = _sidx(IB[b][sl])
            dist = FA[b][sl] * np.float32(_DSCALE)
            q16 = jnp.minimum((dist * np.float32(_DQ) + 0.5)
                              .astype(jnp.int32), 65535)
            q14 = jnp.minimum((FB[b][sl] * np.float32(_SQ) + 0.5)
                              .astype(jnp.int32), 16383)
            IC[b][sl] = (q16 << 16) | (q14 << 2) | si
            return _
        lax.fori_loop(0, GROUPS, grp, None)

    def t_o_start(i, b):
        pltpu.async_copy(IC[b], tab.at[pl.ds(t_eb(i), CHUNK)], osem[b])

    def t_o_wait(i, b):
        pltpu.make_async_copy(IC[b], tab.at[pl.ds(t_eb(i), CHUNK)],
                              osem[b]).wait()

    pipe((EA // 16) // CHUNK, t_in_start, t_in_wait, t_g_start, t_g_wait,
         t_compute, t_o_start, t_o_wait)

    plsc.subcore_barrier()

    def a_eb(i):
        return c * (NA // 2) + s * (NA // 32) + i * CHUNK

    def a_in_start(i, b):
        pltpu.async_copy(asrc_hbm.at[pl.ds(a_eb(i), CHUNK)], IA[b], isem[b])
        pltpu.async_copy(adst2_hbm.at[pl.ds(a_eb(i), CHUNK)], IB[b], isem[b])
        pltpu.async_copy(cen_hbm.at[pl.ds(a_eb(i), CHUNK)], IC[b], isem[b])

    def a_in_wait(i, b):
        pltpu.make_async_copy(asrc_hbm.at[pl.ds(a_eb(i), CHUNK)], IA[b],
                              isem[b]).wait()
        pltpu.make_async_copy(adst2_hbm.at[pl.ds(a_eb(i), CHUNK)], IB[b],
                              isem[b]).wait()
        pltpu.make_async_copy(cen_hbm.at[pl.ds(a_eb(i), CHUNK)], IC[b],
                              isem[b]).wait()

    def a_g_start(i, b):
        pltpu.async_copy(tab.at[IA[b]], ID[b], gsem[b])
        pltpu.async_copy(tab.at[IB[b]], IE[b], gsem[b])

    def a_g_wait(i, b):
        pltpu.make_async_copy(tab.at[IA[b]], ID[b], gsem[b]).wait()
        pltpu.make_async_copy(tab.at[IB[b]], IE[b], gsem[b]).wait()

    def a_compute(i, b):
        def grp(g, _):
            sl = pl.ds(g * 16, 16)
            u1 = ID[b][sl]
            u2 = IE[b][sl]
            d1 = lax.shift_right_logical(u1, 16).astype(jnp.float32)
            d2 = lax.shift_right_logical(u2, 16).astype(jnp.float32)
            FA[b][sl] = (d1 + d2) * np.float32(5.0 / 65536.0)
            s1 = (lax.shift_right_logical(u1, 2) & 16383).astype(jnp.float32)
            s2 = (lax.shift_right_logical(u2, 2) & 16383).astype(jnp.float32)
            FB[b][sl] = s1 * s2 * np.float32((_SWSCALE / _SQ) ** 2)
            ia = u1 & 3
            ib2 = u2 & 3
            a = jnp.minimum(ia, ib2)
            b2 = jnp.maximum(ia, ib2)
            pair = ((a * (7 - a)) >> 1) + b2
            IF[b][sl] = IC[b][sl] * 10 + pair
            return _
        lax.fori_loop(0, GROUPS, grp, None)

    def a_o_start(i, b):
        pltpu.async_copy(FA[b], d12_hbm.at[pl.ds(a_eb(i), CHUNK)], osem[b])
        pltpu.async_copy(FB[b], sp_hbm.at[pl.ds(a_eb(i), CHUNK)], osem[b])
        pltpu.async_copy(IF[b], aidx_hbm.at[pl.ds(a_eb(i), CHUNK)], osem[b])

    def a_o_wait(i, b):
        pltpu.make_async_copy(FA[b], d12_hbm.at[pl.ds(a_eb(i), CHUNK)],
                              osem[b]).wait()
        pltpu.make_async_copy(FB[b], sp_hbm.at[pl.ds(a_eb(i), CHUNK)],
                              osem[b]).wait()
        pltpu.make_async_copy(IF[b], aidx_hbm.at[pl.ds(a_eb(i), CHUNK)],
                              osem[b]).wait()

    pipe((NA // 32) // CHUNK, a_in_start, a_in_wait, a_g_start, a_g_wait,
         a_compute, a_o_start, a_o_wait)


@jax.jit
def _pre(ad, asw, adst, spec, cen, asrc, adst2, esrc, edst):
    f32, i32 = jnp.float32, jnp.int32
    mesh = plsc.VectorSubcoreMesh(core_axis_name="c", subcore_axis_name="s")
    return pl.kernel(
        _pre_body,
        out_type=[
            jax.ShapeDtypeStruct((NA,), f32),
            jax.ShapeDtypeStruct((NA,), f32),
            jax.ShapeDtypeStruct((NA,), i32),
            jax.ShapeDtypeStruct((ER,), i32),
        ],
        mesh=mesh,
        scratch_types=(
            [pltpu.VMEM_SHARED((EA,), i32)]
            + [pltpu.VMEM((CHUNK,), i32) for _ in range(12)]
            + [pltpu.VMEM((CHUNK,), f32) for _ in range(4)]
            + [pltpu.SemaphoreType.DMA] * 6
        ),
        compiler_params=pltpu.CompilerParams(needs_layout_passes=False, use_tc_tiling_on_sc=False),
    )(ad, asw, adst, spec, cen, asrc, adst2, esrc, edst)


def _lane_mod(n, m):
    k = lax.broadcasted_iota(jnp.int32, (1, 128), 1)
    return (k % n).astype(jnp.float32) * np.float32(m)


def _rad_terms_body(d_ref, sw_ref, m_ref, o_ref):
    m = m_ref[...]
    dexp = jnp.dot(d_ref[...], m, preferred_element_type=jnp.float32, precision=lax.Precision.HIGHEST)
    swexp = jnp.dot(sw_ref[...], m, preferred_element_type=jnp.float32, precision=lax.Precision.HIGHEST)
    shift = -(np.float32(RSTART) + _lane_mod(16, (RCUT - RSTART) / 16.0))
    x = dexp + shift
    o_ref[...] = jnp.exp(-(np.float32(RETA) * x * x)) * (0.25 * swexp)


@jax.jit
def _rad_terms(d8, sw8, m8):
    br, grid = 2000, (ER // 8) // 2000
    return pl.pallas_call(
        _rad_terms_body,
        grid=(grid,),
        in_specs=[
            pl.BlockSpec((br, 8), lambda i: (i, 0)),
            pl.BlockSpec((br, 8), lambda i: (i, 0)),
            pl.BlockSpec((8, 128), lambda i: (0, 0)),
        ],
        out_specs=pl.BlockSpec((br, 128), lambda i: (i, 0)),
        out_shape=jax.ShapeDtypeStruct((ER // 8, 128), jnp.float32),
    )(d8, sw8, m8)


def _ang_factors_body(th_ref, sp_ref, dd_ref, m_ref, f1_ref, f2_ref):
    m = m_ref[...]
    th = jnp.dot(th_ref[...], m, preferred_element_type=jnp.float32, precision=lax.Precision.HIGHEST)
    spx = jnp.dot(sp_ref[...], m, preferred_element_type=jnp.float32, precision=lax.Precision.HIGHEST)
    ddx = jnp.dot(dd_ref[...], m, preferred_element_type=jnp.float32, precision=lax.Precision.HIGHEST)
    tz = -(np.float32(np.pi / 8.0) + _lane_mod(4, np.pi / 4.0))
    ta = -np.float32(np.sqrt(AETA)) * (np.float32(ASTART)
                                       + _lane_mod(4, (ACUT - ASTART) / 4.0))
    f = 1.0 + jnp.cos(th + tz)
    f = f * f
    f = f * f
    f = f * f
    f = f * f
    f = f * f
    f1_ref[...] = f * spx
    y = ddx + ta
    f2_ref[...] = jnp.exp(-(y * y))


@jax.jit
def _ang_factors(th32, sp32, dd32, m32):
    br, grid = 1000, (NA // 32) // 1000
    spec_in = pl.BlockSpec((br, 32), lambda i: (i, 0))
    spec_out = pl.BlockSpec((br, 128), lambda i: (i, 0))
    return pl.pallas_call(
        _ang_factors_body,
        grid=(grid,),
        in_specs=[spec_in, spec_in, spec_in,
                  pl.BlockSpec((32, 128), lambda i: (0, 0))],
        out_specs=[spec_out, spec_out],
        out_shape=[jax.ShapeDtypeStruct((NA // 32, 128), jnp.float32),
                   jax.ShapeDtypeStruct((NA // 32, 128), jnp.float32)],
    )(th32, sp32, dd32, m32)


def _ang_expand_body(f1_ref, f2_ref, mb_ref, ma_ref, o_ref):
    fz = jnp.dot(f1_ref[...], mb_ref[...], preferred_element_type=jnp.float32, precision=lax.Precision.HIGHEST)
    fa = jnp.dot(f2_ref[...], ma_ref[...], preferred_element_type=jnp.float32, precision=lax.Precision.HIGHEST)
    o_ref[...] = fa * fz


@jax.jit
def _ang_expand(f1v, f2v, mb, ma):
    br, grid = 2000, (NA // 8) // 2000
    spec_in = pl.BlockSpec((br, 32), lambda i: (i, 0))
    return pl.pallas_call(
        _ang_expand_body,
        grid=(grid,),
        in_specs=[spec_in, spec_in,
                  pl.BlockSpec((32, 128), lambda i: (0, 0)),
                  pl.BlockSpec((32, 128), lambda i: (0, 0))],
        out_specs=pl.BlockSpec((br, 128), lambda i: (i, 0)),
        out_shape=jax.ShapeDtypeStruct((NA // 8, 128), jnp.float32),
    )(f1v, f2v, mb, ma)


def _scatter_body(ridx_hbm, rt_hbm, aidx_hbm, at_hbm, zeros_hbm, out_hbm,
                  acc, zb, ib0, ib1, tb0, tb1, rb, d0, d1, sc0, sc1):
    c = lax.axis_index("c")
    s = lax.axis_index("s")
    ibs, tbs, sems = (ib0, ib1), (tb0, tb1), (d0, d1)
    ssems = (sc0, sc1)

    pltpu.sync_copy(zeros_hbm, zb)

    def zero_acc():
        def z(i, _):
            pltpu.sync_copy(
                zb, acc.at[pl.ds(s * (ACC_ROWS // 16) + i * 100, 100)])
            return _
        lax.fori_loop(0, ACC_ROWS // 16 // 100, z, None)

    def stream(idx_hbm, t_hbm, rows, base):
        nch = (ER // 16) // SCHUNK

        def start_in(i, b):
            eb = s * (ER // 16) + i * SCHUNK
            pltpu.async_copy(idx_hbm.at[pl.ds(eb, SCHUNK)], ibs[b], sems[b])
            pltpu.async_copy(t_hbm.at[pl.ds(eb, SCHUNK)], tbs[b], sems[b])

        def wait_in(i, b):
            eb = s * (ER // 16) + i * SCHUNK
            pltpu.make_async_copy(idx_hbm.at[pl.ds(eb, SCHUNK)], ibs[b],
                                  sems[b]).wait()
            pltpu.make_async_copy(t_hbm.at[pl.ds(eb, SCHUNK)], tbs[b],
                                  sems[b]).wait()

        start_in(0, 0)

        def pair(p, _):
            for b in (0, 1):
                i = 2 * p + b
                wait_in(i, b)

                def grp(g, _):
                    sl = pl.ds(g * 16, 16)
                    v = ibs[b][sl]
                    local = v - base
                    ok = (local >= 0) & (local < rows)
                    dump = rows + (v & 1023)
                    ibs[b][sl] = jnp.where(ok, local, dump)
                    return _
                lax.fori_loop(0, SCHUNK // 16, grp, None)
                pltpu.async_copy(tbs[b], acc.at[ibs[b]], ssems[b], add=True)

                @pl.when(i >= 1)
                def _():
                    pltpu.make_async_copy(tbs[1 - b], acc.at[ibs[1 - b]],
                                          ssems[1 - b]).wait()

                @pl.when(i + 1 < nch)
                def _():
                    start_in(i + 1, 1 - b)
            return _
        lax.fori_loop(0, nch // 2, pair, None)
        pltpu.make_async_copy(tbs[1], acc.at[ibs[1]], ssems[1]).wait()

    def readout(span, bounce, out_base):
        def ro(i, _):
            r0 = s * span + i * bounce
            pltpu.sync_copy(acc.at[pl.ds(r0, bounce)],
                            rb.at[pl.ds(0, bounce)])
            pltpu.sync_copy(rb.at[pl.ds(0, bounce)],
                            out_hbm.at[pl.ds(out_base + r0, bounce)])
            return _
        lax.fori_loop(0, span // bounce, ro, None)

    zero_acc()
    plsc.subcore_barrier()
    stream(ridx_hbm, rt_hbm, R_SPLIT - c * 192, c * R_SPLIT)
    plsc.subcore_barrier()
    readout(R_SPAN, 368, RAD_BASE + c * R_SPLIT)
    plsc.subcore_barrier()

    def ang_pass(p, _):
        q = 2 * p + c
        zero_acc()
        plsc.subcore_barrier()

        @pl.when(q <= 4)
        def _():
            stream(aidx_hbm, at_hbm, AP_ROWS, q * AP_ROWS)
        plsc.subcore_barrier()

        @pl.when(q <= 4)
        def _():
            readout(A_SPAN, 80, A_BASE + q * AP_ROWS)
        plsc.subcore_barrier()
        return _
    lax.fori_loop(0, 3, ang_pass, None)


@jax.jit
def _scatter(ridx, rt, aidx, at, zeros_in):
    f32 = jnp.float32
    mesh = plsc.VectorSubcoreMesh(core_axis_name="c", subcore_axis_name="s")
    return pl.kernel(
        _scatter_body,
        out_type=jax.ShapeDtypeStruct((OUT_ROWS, 16), f32),
        mesh=mesh,
        scratch_types=[
            pltpu.VMEM_SHARED((ACC_ROWS, 16), f32),
            pltpu.VMEM((100, 16), f32),
            pltpu.VMEM((SCHUNK,), jnp.int32), pltpu.VMEM((SCHUNK,), jnp.int32),
            pltpu.VMEM((SCHUNK, 16), f32), pltpu.VMEM((SCHUNK, 16), f32),
            pltpu.VMEM((368, 16), f32),
            pltpu.SemaphoreType.DMA, pltpu.SemaphoreType.DMA,
            pltpu.SemaphoreType.DMA, pltpu.SemaphoreType.DMA,
        ],
        compiler_params=pltpu.CompilerParams(needs_layout_passes=False, use_tc_tiling_on_sc=False),
    )(ridx, rt, aidx, at, zeros_in)


def _expand_mats():
    m8 = np.zeros((8, 128), np.float32)
    for e in range(8):
        m8[e, e * 16:(e + 1) * 16] = 1.0
    m32 = np.zeros((32, 128), np.float32)
    for m in range(32):
        m32[m, m * 4:(m + 1) * 4] = 1.0
    mb = np.zeros((32, 128), np.float32)
    ma = np.zeros((32, 128), np.float32)
    for e in range(8):
        for a in range(4):
            for z in range(4):
                mb[e * 4 + z, e * 16 + a * 4 + z] = 1.0
                ma[e * 4 + a, e * 16 + a * 4 + z] = 1.0
    return (jnp.asarray(m8), jnp.asarray(m32), jnp.asarray(mb),
            jnp.asarray(ma))


def kernel(species, rad_distances, rad_switch, edge_src, edge_dst,
           ang_distances, ang_switch, ang_edge_dst, angles, central_atom,
           angle_src, angle_dst):
    m8, m32, mb, ma = _expand_mats()
    d12, sprod, aidx, ridx = _pre(
        ang_distances, ang_switch, ang_edge_dst, species, central_atom,
        angle_src, angle_dst, edge_src, edge_dst)
    rt = _rad_terms(rad_distances.reshape(ER // 8, 8),
                    rad_switch.reshape(ER // 8, 8), m8)
    f1, f2 = _ang_factors(angles.reshape(NA // 32, 32),
                          sprod.reshape(NA // 32, 32),
                          d12.reshape(NA // 32, 32), m32)
    at = _ang_expand(f1.reshape(NA // 8, 32), f2.reshape(NA // 8, 32), mb, ma)
    zeros_in = jnp.zeros((100, 16), jnp.float32)
    out = _scatter(ridx, rt.reshape(ER, 16), aidx, at.reshape(NA, 16),
                   zeros_in)
    v128 = out.reshape(OUT_ROWS * 16 // 128, 128)
    r128 = lax.optimization_barrier(
        v128[RAD_BASE * 16 // 128:(RAD_BASE * 16 + 64 * NN) // 128])
    a128 = lax.optimization_barrier(
        v128[A_BASE * 16 // 128:(A_BASE * 16 + 160 * NN) // 128])
    radial = r128.reshape(NN, 64)
    angular = a128.reshape(NN, 160)
    return jnp.concatenate([radial, angular], axis=-1)

# --- scband reference (transcript-rebuilt; emitter-appended) ---
"""Pipeline reference for scband-aniaev-26955214749809 (READ-ONLY COPY).

The authoritative reference and input builder live on the scoring server;
editing this copy changes nothing except your own understanding.
"""

import jax
import jax.numpy as jnp
import numpy as np

N_NODES = 50000
E_RAD = 1600000
E_ANG = 800000
N_ANG = 1600000
NUM_SPECIES = 4
NUM_SPECIES_PAIR = NUM_SPECIES * (NUM_SPECIES + 1) // 2
RADIAL_ETA = 16.0
ANGULAR_ETA = 8.0
RADIAL_DIV = 16
ANGULAR_DIV = 4
ZETA = 32.0
ANGLE_SECTIONS = 4
RADIAL_START = 0.8
ANGULAR_START = 0.8
CUTOFF = 5.2
ANG_CUTOFF = 3.5
PERIODIC_TABLE = ["X", "H", "He", "Li", "Be", "B", "C", "N", "O", "F", "Ne"]
SPECIES_ORDER = ["H", "C", "N", "O"]


def setup_inputs(seed: int = 0) -> dict:
    key = jax.random.key(seed)
    ks = jax.random.split(key, 12)
    species_raw = jax.random.randint(ks[0], (N_NODES,), 0, NUM_SPECIES)
    species = jnp.asarray([1, 6, 7, 8], dtype=jnp.int32)[species_raw]
    rad_distances = RADIAL_START + jax.random.uniform(ks[1], (E_RAD,), dtype=jnp.float32) * (CUTOFF - RADIAL_START)
    rad_switch = jax.random.uniform(ks[2], (E_RAD,), dtype=jnp.float32)
    edge_src = jax.random.randint(ks[3], (E_RAD,), 0, N_NODES, dtype=jnp.int32)
    edge_dst = jax.random.randint(ks[4], (E_RAD,), 0, N_NODES, dtype=jnp.int32)
    ang_distances = ANGULAR_START + jax.random.uniform(ks[5], (E_ANG,), dtype=jnp.float32) * (ANG_CUTOFF - ANGULAR_START)
    ang_switch = jax.random.uniform(ks[6], (E_ANG,), dtype=jnp.float32)
    ang_edge_dst = jax.random.randint(ks[7], (E_ANG,), 0, N_NODES, dtype=jnp.int32)
    angles = jax.random.uniform(ks[8], (N_ANG,), dtype=jnp.float32) * np.pi
    central_atom = jax.random.randint(ks[9], (N_ANG,), 0, N_NODES, dtype=jnp.int32)
    angle_src = jax.random.randint(ks[10], (N_ANG,), 0, E_ANG, dtype=jnp.int32)
    angle_dst = jax.random.randint(ks[11], (N_ANG,), 0, E_ANG, dtype=jnp.int32)
    return {
        "species": species,
        "rad_distances": rad_distances,
        "rad_switch": rad_switch,
        "edge_src": edge_src,
        "edge_dst": edge_dst,
        "ang_distances": ang_distances,
        "ang_switch": ang_switch,
        "ang_edge_dst": ang_edge_dst,
        "angles": angles,
        "central_atom": central_atom,
        "angle_src": angle_src,
        "angle_dst": angle_dst,
    }


def _species_indices(species):
    rev_idx = {s: k for k, s in enumerate(PERIODIC_TABLE)}
    maxidx = max(rev_idx.values())
    conv_tensor = [0] * (maxidx + 2)
    for i, s in enumerate(SPECIES_ORDER):
        conv_tensor[rev_idx[s]] = i
    return jnp.asarray(conv_tensor, dtype=jnp.int32)[species]


def reference(species, rad_distances, rad_switch, edge_src, edge_dst, ang_distances, ang_switch, ang_edge_dst, angles, central_atom, angle_src, angle_dst):
    indices = _species_indices(species)
    n_atoms = species.shape[0]
    # radial AEV
    shiftR = jnp.asarray(-np.linspace(RADIAL_START, CUTOFF, RADIAL_DIV + 1)[None, :-1], dtype=rad_distances.dtype)
    x2 = RADIAL_ETA * (rad_distances[:, None] + shiftR) ** 2
    radial_terms = jnp.exp(-x2) * (0.25 * rad_switch)[:, None]
    radial_index = edge_src * NUM_SPECIES + indices[edge_dst]
    radial_aev = jax.ops.segment_sum(radial_terms, radial_index, NUM_SPECIES * n_atoms).reshape(n_atoms, NUM_SPECIES * radial_terms.shape[-1])
    # angular AEV
    dists = 0.5 * ANGULAR_ETA ** 0.5 * ang_distances
    d12 = (dists[angle_src] + dists[angle_dst])[:, None]
    angle_start = np.pi / (2 * ANGLE_SECTIONS)
    shiftZ = jnp.asarray(-(np.linspace(0, np.pi, ANGLE_SECTIONS + 1) + angle_start)[None, :-1], dtype=dists.dtype)
    shiftA = jnp.asarray(-ANGULAR_ETA ** 0.5 * np.linspace(ANGULAR_START, ANG_CUTOFF, ANGULAR_DIV + 1)[None, :-1], dtype=dists.dtype)
    sw = ang_switch * (2.0 * 0.5 ** ZETA) ** 0.5
    factor1 = sw[angle_src] * sw[angle_dst]
    factor1 = factor1[:, None] * (1 + jnp.cos(angles[:, None] + shiftZ)) ** ZETA
    factor2 = jnp.exp(-(d12 + shiftA) ** 2)
    angular_terms = (factor1[:, None, :] * factor2[:, :, None]).reshape(-1, ANGLE_SECTIONS * ANGULAR_DIV)
    index_dest = indices[ang_edge_dst]
    species1, species2 = np.triu_indices(NUM_SPECIES, 0)
    pair_index = np.arange(species1.shape[0], dtype=np.int32)
    triu_index = np.zeros((NUM_SPECIES, NUM_SPECIES), dtype=np.int32)
    triu_index[species1, species2] = pair_index
    triu_index[species2, species1] = pair_index
    triu_index = jnp.asarray(triu_index, dtype=jnp.int32)
    angular_index = central_atom * NUM_SPECIES_PAIR + triu_index[index_dest[angle_src], index_dest[angle_dst]]
    angular_aev = jax.ops.segment_sum(angular_terms, angular_index, NUM_SPECIES_PAIR * n_atoms).reshape(n_atoms, NUM_SPECIES_PAIR * angular_terms.shape[-1])
    embedding = jnp.concatenate((radial_aev, angular_aev), axis=-1)
    return embedding

if __name__ == "__main__":
    import jax
    _d = setup_inputs()
    print(jax.jit(kernel)(*tuple(_d.values())))

</pallas_src>

<mosaic_0001>
#map = affine_map<(d0, d1) -> (0)>
module attributes {stable_mosaic.version = 14 : i64} {
  func.func @_pre_body(%arg0: i32, %arg1: i32, %arg2: memref<800000xf32, #tpu.memory_space<hbm>>, %arg3: memref<800000xf32, #tpu.memory_space<hbm>>, %arg4: memref<800000xi32, #tpu.memory_space<hbm>>, %arg5: memref<50000xi32, #tpu.memory_space<hbm>>, %arg6: memref<1600000xi32, #tpu.memory_space<hbm>>, %arg7: memref<1600000xi32, #tpu.memory_space<hbm>>, %arg8: memref<1600000xi32, #tpu.memory_space<hbm>>, %arg9: memref<1600000xi32, #tpu.memory_space<hbm>>, %arg10: memref<1600000xi32, #tpu.memory_space<hbm>>, %arg11: memref<1600000xf32, #tpu.memory_space<hbm>>, %arg12: memref<1600000xf32, #tpu.memory_space<hbm>>, %arg13: memref<1600000xi32, #tpu.memory_space<hbm>>, %arg14: memref<1600000xi32, #tpu.memory_space<hbm>>, %arg15: memref<800000xi32, #tpu.memory_space<vmem_shared>>, %arg16: memref<2000xi32, #tpu.memory_space<vmem>>, %arg17: memref<2000xi32, #tpu.memory_space<vmem>>, %arg18: memref<2000xi32, #tpu.memory_space<vmem>>, %arg19: memref<2000xi32, #tpu.memory_space<vmem>>, %arg20: memref<2000xi32, #tpu.memory_space<vmem>>, %arg21: memref<2000xi32, #tpu.memory_space<vmem>>, %arg22: memref<2000xi32, #tpu.memory_space<vmem>>, %arg23: memref<2000xi32, #tpu.memory_space<vmem>>, %arg24: memref<2000xi32, #tpu.memory_space<vmem>>, %arg25: memref<2000xi32, #tpu.memory_space<vmem>>, %arg26: memref<2000xi32, #tpu.memory_space<vmem>>, %arg27: memref<2000xi32, #tpu.memory_space<vmem>>, %arg28: memref<2000xf32, #tpu.memory_space<vmem>>, %arg29: memref<2000xf32, #tpu.memory_space<vmem>>, %arg30: memref<2000xf32, #tpu.memory_space<vmem>>, %arg31: memref<2000xf32, #tpu.memory_space<vmem>>, %arg32: memref<!tpu.dma_semaphore, #tpu.memory_space<semaphore_mem>>, %arg33: memref<!tpu.dma_semaphore, #tpu.memory_space<semaphore_mem>>, %arg34: memref<!tpu.dma_semaphore, #tpu.memory_space<semaphore_mem>>, %arg35: memref<!tpu.dma_semaphore, #tpu.memory_space<semaphore_mem>>, %arg36: memref<!tpu.dma_semaphore, #tpu.memory_space<semaphore_mem>>, %arg37: memref<!tpu.dma_semaphore, #tpu.memory_space<semaphore_mem>>) attributes {dimension_semantics = [#tpu.dimension_semantics<core_parallel>, #tpu.dimension_semantics<subcore_parallel>], iteration_bounds = array<i64: 2, 16>, scalar_prefetch = 0 : i64, scratch_operands = 23 : i64, tpu.core_type = #tpu.core_type<sc_vector_subcore>, window_params = [{transform_indices = #map}, {transform_indices = #map}, {transform_indices = #map}, {transform_indices = #map}, {transform_indices = #map}, {transform_indices = #map}, {transform_indices = #map}, {transform_indices = #map}, {transform_indices = #map}, {transform_indices = #map}, {transform_indices = #map}, {transform_indices = #map}, {transform_indices = #map}]} {
    %mul3A = arith.constant 16 : i32
    %mul3A_0 = arith.muli %arg0, %mul3A : i32
    %add3A = arith.addi %mul3A_0, %arg1 : i32
    %mul3A_1 = arith.constant 50000 : i32
    %mul3A_2 = arith.muli %add3A, %mul3A_1 : i32
    %add3A_3 = arith.constant 0 : i32
    %add3A_4 = arith.addi %mul3A_2, %add3A_3 : i32
    %dma_start3A = tpu.memref_slice %arg9[%add3A_4] : memref<1600000xi32, #tpu.memory_space<hbm>> -> memref<2000xi32, #tpu.memory_space<hbm>>
    %dma_start3A_5 = tpu.memref_slice %arg9[%add3A_4] : memref<1600000xi32, #tpu.memory_space<hbm>> -> memref<2000xi32, #tpu.memory_space<hbm>>
    tpu.enqueue_dma source(%dma_start3A_5 : memref<2000xi32, #tpu.memory_space<hbm>>) target(%arg16 : memref<2000xi32, #tpu.memory_space<vmem>>) target_semaphore(%arg32 : memref<!tpu.dma_semaphore, #tpu.memory_space<semaphore_mem>>)
    %mul3A_6 = arith.constant 50000 : i32
    %mul3A_7 = arith.muli %add3A, %mul3A_6 : i32
    %add3A_8 = arith.constant 0 : i32
    %add3A_9 = arith.addi %mul3A_7, %add3A_8 : i32
    %dma_start3A_10 = tpu.memref_slice %arg10[%add3A_9] : memref<1600000xi32, #tpu.memory_space<hbm>> -> memref<2000xi32, #tpu.memory_space<hbm>>
    %dma_start3A_11 = tpu.memref_slice %arg10[%add3A_9] : memref<1600000xi32, #tpu.memory_space<hbm>> -> memref<2000xi32, #tpu.memory_space<hbm>>
    tpu.enqueue_dma source(%dma_start3A_11 : memref<2000xi32, #tpu.memory_space<hbm>>) target(%arg18 : memref<2000xi32, #tpu.memory_space<vmem>>) target_semaphore(%arg32 : memref<!tpu.dma_semaphore, #tpu.memory_space<semaphore_mem>>)
    %mul3A_12 = arith.constant 50000 : i32
    %mul3A_13 = arith.muli %add3A, %mul3A_12 : i32
    %add3A_14 = arith.constant 0 : i32
    %add3A_15 = arith.addi %mul3A_13, %add3A_14 : i32
    %dma_wait3A = tpu.memref_slice %arg9[%add3A_15] : memref<1600000xi32, #tpu.memory_space<hbm>> -> memref<2000xi32, #tpu.memory_space<hbm>>
    %dma_wait3A_16 = tpu.memref_slice %arg9[%add3A_15] : memref<1600000xi32, #tpu.memory_space<hbm>> -> memref<2000xi32, #tpu.memory_space<hbm>>
    tpu.wait_dma2 semaphore(%arg32 : memref<!tpu.dma_semaphore, #tpu.memory_space<semaphore_mem>>) src(%dma_wait3A_16 : memref<2000xi32, #tpu.memory_space<hbm>>) dst(%arg16 : memref<2000xi32, #tpu.memory_space<vmem>>)
    %mul3A_17 = arith.constant 50000 : i32
    %mul3A_18 = arith.muli %add3A, %mul3A_17 : i32
    %add3A_19 = arith.constant 0 : i32
    %add3A_20 = arith.addi %mul3A_18, %add3A_19 : i32
    %dma_wait3A_21 = tpu.memref_slice %arg10[%add3A_20] : memref<1600000xi32, #tpu.memory_space<hbm>> -> memref<2000xi32, #tpu.memory_space<hbm>>
    %dma_wait3A_22 = tpu.memref_slice %arg10[%add3A_20] : memref<1600000xi32, #tpu.memory_space<hbm>> -> memref<2000xi32, #tpu.memory_space<hbm>>
    tpu.wait_dma2 semaphore(%arg32 : memref<!tpu.dma_semaphore, #tpu.memory_space<semaphore_mem>>) src(%dma_wait3A_22 : memref<2000xi32, #tpu.memory_space<hbm>>) dst(%arg18 : memref<2000xi32, #tpu.memory_space<vmem>>)
    %dma_start3A_23 = arith.constant 0 : i32
    %dma_start3A_24 = tpu.memref_slice %arg5[%dma_start3A_23] : memref<50000xi32, #tpu.memory_space<hbm>> -> memref<50000xi32, #tpu.memory_space<hbm>>
    tpu.enqueue_indirect_dma source(%dma_start3A_24 : memref<50000xi32, #tpu.memory_space<hbm>>) target(%arg20 : memref<2000xi32, #tpu.memory_space<vmem>>) offsets(%arg18 : memref<2000xi32, #tpu.memory_space<vmem>>) semaphore(%arg34 : memref<!tpu.dma_semaphore, #tpu.memory_space<semaphore_mem>>)
    %mul3A_25 = arith.constant 50000 : i32
    %mul3A_26 = arith.muli %add3A, %mul3A_25 : i32
    %add3A_27 = arith.constant 2000 : i32
    %add3A_28 = arith.addi %mul3A_26, %add3A_27 : i32
    %dma_start3A_29 = tpu.memref_slice %arg9[%add3A_28] : memref<1600000xi32, #tpu.memory_space<hbm>> -> memref<2000xi32, #tpu.memory_space<hbm>>
    %dma_start3A_30 = tpu.memref_slice %arg9[%add3A_28] : memref<1600000xi32, #tpu.memory_space<hbm>> -> memref<2000xi32, #tpu.memory_space<hbm>>
    tpu.enqueue_dma source(%dma_start3A_30 : memref<2000xi32, #tpu.memory_space<hbm>>) target(%arg17 : memref<2000xi32, #tpu.memory_space<vmem>>) target_semaphore(%arg33 : memref<!tpu.dma_semaphore, #tpu.memory_space<semaphore_mem>>)
    %mul3A_31 = arith.constant 50000 : i32
    %mul3A_32 = arith.muli %add3A, %mul3A_31 : i32
    %add3A_33 = arith.constant 2000 : i32
    %add3A_34 = arith.addi %mul3A_32, %add3A_33 : i32
    %dma_start3A_35 = tpu.memref_slice %arg10[%add3A_34] : memref<1600000xi32, #tpu.memory_space<hbm>> -> memref<2000xi32, #tpu.memory_space<hbm>>
    %dma_start3A_36 = tpu.memref_slice %arg10[%add3A_34] : memref<1600000xi32, #tpu.memory_space<hbm>> -> memref<2000xi32, #tpu.memory_space<hbm>>
    tpu.enqueue_dma source(%dma_start3A_36 : memref<2000xi32, #tpu.memory_space<hbm>>) target(%arg19 : memref<2000xi32, #tpu.memory_space<vmem>>) target_semaphore(%arg33 : memref<!tpu.dma_semaphore, #tpu.memory_space<semaphore_mem>>)
    %scan3A = arith.constant 0 : i32
    %scan3A_37 = arith.constant 12 : i32
    %scan3A_38 = arith.addi %scan3A, %scan3A_37 : i32
    %scan3A_39 = arith.constant 1 : i32
    scf.for %scan3A_371 = %scan3A to %scan3A_38 step %scan3A_39  : i32 {
      %mul3A_372 = arith.constant 2 : i32
      %mul3A_373 = arith.muli %mul3A_372, %scan3A_371 : i32
      %add3A_374 = arith.constant 0 : i32
      %add3A_375 = arith.addi %mul3A_373, %add3A_374 : i32
      %add3A_376 = arith.constant 1 : i32
      %add3A_377 = arith.addi %add3A_375, %add3A_376 : i32
      %lt3A = arith.constant 25 : i32
      %lt3A_378 = arith.cmpi slt, %add3A_377, %lt3A : i32
      %convert_element_type3A = arith.extui %lt3A_378 : i1 to i32
      %cond3A = arith.constant 0 : i32
      %cond3A_379 = arith.cmpi ne, %convert_element_type3A, %cond3A : i32
      scf.if %cond3A_379 {
        %add3A_442 = arith.constant 1 : i32
        %add3A_443 = arith.addi %add3A_375, %add3A_442 : i32
        %mul3A_444 = arith.constant 50000 : i32
        %mul3A_445 = arith.muli %add3A, %mul3A_444 : i32
        %mul3A_446 = arith.constant 2000 : i32
        %mul3A_447 = arith.muli %add3A_443, %mul3A_446 : i32
        %add3A_448 = arith.addi %mul3A_445, %mul3A_447 : i32
        %dma_wait3A_449 = tpu.memref_slice %arg9[%add3A_448] : memref<1600000xi32, #tpu.memory_space<hbm>> -> memref<2000xi32, #tpu.memory_space<hbm>>
        %dma_wait3A_450 = tpu.memref_slice %arg9[%add3A_448] : memref<1600000xi32, #tpu.memory_space<hbm>> -> memref<2000xi32, #tpu.memory_space<hbm>>
        tpu.wait_dma2 semaphore(%arg33 : memref<!tpu.dma_semaphore, #tpu.memory_space<semaphore_mem>>) src(%dma_wait3A_450 : memref<2000xi32, #tpu.memory_space<hbm>>) dst(%arg17 : memref<2000xi32, #tpu.memory_space<vmem>>)
        %mul3A_451 = arith.constant 50000 : i32
        %mul3A_452 = arith.muli %add3A, %mul3A_451 : i32
        %mul3A_453 = arith.constant 2000 : i32
        %mul3A_454 = arith.muli %add3A_443, %mul3A_453 : i32
        %add3A_455 = arith.addi %mul3A_452, %mul3A_454 : i32
        %dma_wait3A_456 = tpu.memref_slice %arg10[%add3A_455] : memref<1600000xi32, #tpu.memory_space<hbm>> -> memref<2000xi32, #tpu.memory_space<hbm>>
        %dma_wait3A_457 = tpu.memref_slice %arg10[%add3A_455] : memref<1600000xi32, #tpu.memory_space<hbm>> -> memref<2000xi32, #tpu.memory_space<hbm>>
        tpu.wait_dma2 semaphore(%arg33 : memref<!tpu.dma_semaphore, #tpu.memory_space<semaphore_mem>>) src(%dma_wait3A_457 : memref<2000xi32, #tpu.memory_space<hbm>>) dst(%arg19 : memref<2000xi32, #tpu.memory_space<vmem>>)
        %add3A_458 = arith.constant 1 : i32
        %add3A_459 = arith.addi %add3A_375, %add3A_458 : i32
        %dma_start3A_460 = arith.constant 0 : i32
        %dma_start3A_461 = tpu.memref_slice %arg5[%dma_start3A_460] : memref<50000xi32, #tpu.memory_space<hbm>> -> memref<50000xi32, #tpu.memory_space<hbm>>
        tpu.enqueue_indirect_dma source(%dma_start3A_461 : memref<50000xi32, #tpu.memory_space<hbm>>) target(%arg21 : memref<2000xi32, #tpu.memory_space<vmem>>) offsets(%arg19 : memref<2000xi32, #tpu.memory_space<vmem>>) semaphore(%arg35 : memref<!tpu.dma_semaphore, #tpu.memory_space<semaphore_mem>>)
      } else {
      }
      %dma_wait3A_380 = arith.constant 0 : i32
      %dma_wait3A_381 = tpu.memref_slice %arg5[%dma_wait3A_380] : memref<50000xi32, #tpu.memory_space<hbm>> -> memref<50000xi32, #tpu.memory_space<hbm>>
      tpu.wait_indirect_dma semaphore(%arg34 : memref<!tpu.dma_semaphore, #tpu.memory_space<semaphore_mem>>) src(%dma_wait3A_381 : memref<50000xi32, #tpu.memory_space<hbm>>) dst(%arg20 : memref<2000xi32, #tpu.memory_space<vmem>>)
      %ge3A = arith.constant 2 : i32
      %ge3A_382 = arith.cmpi sge, %add3A_375, %ge3A : i32
      %convert_element_type3A_383 = arith.extui %ge3A_382 : i1 to i32
      %cond3A_384 = arith.constant 0 : i32
      %cond3A_385 = arith.cmpi ne, %convert_element_type3A_383, %cond3A_384 : i32
      scf.if %cond3A_385 {
        %sub3A = arith.constant 2 : i32
        %sub3A_442 = arith.subi %add3A_375, %sub3A : i32
        %mul3A_443 = arith.constant 50000 : i32
        %mul3A_444 = arith.muli %add3A, %mul3A_443 : i32
        %mul3A_445 = arith.constant 2000 : i32
        %mul3A_446 = arith.muli %sub3A_442, %mul3A_445 : i32
        %add3A_447 = arith.addi %mul3A_444, %mul3A_446 : i32
        %dma_wait3A_448 = tpu.memref_slice %arg14[%add3A_447] : memref<1600000xi32, #tpu.memory_space<hbm>> -> memref<2000xi32, #tpu.memory_space<hbm>>
        %dma_wait3A_449 = tpu.memref_slice %arg14[%add3A_447] : memref<1600000xi32, #tpu.memory_space<hbm>> -> memref<2000xi32, #tpu.memory_space<hbm>>
        tpu.wait_dma2 semaphore(%arg36 : memref<!tpu.dma_semaphore, #tpu.memory_space<semaphore_mem>>) src(%arg22 : memref<2000xi32, #tpu.memory_space<vmem>>) dst(%dma_wait3A_449 : memref<2000xi32, #tpu.memory_space<hbm>>)
      } else {
      }
      %scan3A_386 = arith.constant 0 : i32
      %scan3A_387 = arith.constant 125 : i32
      %scan3A_388 = arith.addi %scan3A_386, %scan3A_387 : i32
      %scan3A_389 = arith.constant 1 : i32
      scf.for %scan3A_442 = %scan3A_386 to %scan3A_388 step %scan3A_389  : i32 {
        %mul3A_443 = arith.constant 16 : i32
        %mul3A_444 = arith.muli %scan3A_442, %mul3A_443 : i32
        %get3A = arith.index_cast %mul3A_444 : i32 to index
        %get3A_445 = tpu.vector_load %arg20[%get3A] {strides = array<i32>} : memref<2000xi32, #tpu.memory_space<vmem>>, vector<16xi32>,
        %ge3A_446 = arith.constant 6 : i32
        %ge3A_447 = vector.broadcast %ge3A_446 : i32 to vector<16xi32>
        %ge3A_448 = arith.cmpi sge, %get3A_445, %ge3A_447 : vector<16xi32>
        %jit3A = arith.constant 1 : i32
        %jit3A_449 = arith.constant 0 : i32
        %broadcast_in_dim3A = vector.broadcast %jit3A : i32 to vector<16xi32>
        %broadcast_in_dim3A_450 = vector.broadcast %jit3A_449 : i32 to vector<16xi32>
        %select_n3A = arith.select %ge3A_448, %broadcast_in_dim3A, %broadcast_in_dim3A_450 : vector<16xi1>, vector<16xi32>
        %ge3A_451 = arith.constant 7 : i32
        %ge3A_452 = vector.broadcast %ge3A_451 : i32 to vector<16xi32>
        %ge3A_453 = arith.cmpi sge, %get3A_445, %ge3A_452 : vector<16xi32>
        %jit3A_454 = arith.constant 1 : i32
        %jit3A_455 = arith.constant 0 : i32
        %broadcast_in_dim3A_456 = vector.broadcast %jit3A_454 : i32 to vector<16xi32>
        %broadcast_in_dim3A_457 = vector.broadcast %jit3A_455 : i32 to vector<16xi32>
        %select_n3A_458 = arith.select %ge3A_453, %broadcast_in_dim3A_456, %broadcast_in_dim3A_457 : vector<16xi1>, vector<16xi32>
        %add3A_459 = arith.addi %select_n3A, %select_n3A_458 : vector<16xi32>
        %ge3A_460 = arith.constant 8 : i32
        %ge3A_461 = vector.broadcast %ge3A_460 : i32 to vector<16xi32>
        %ge3A_462 = arith.cmpi sge, %get3A_445, %ge3A_461 : vector<16xi32>
        %jit3A_463 = arith.constant 1 : i32
        %jit3A_464 = arith.constant 0 : i32
        %broadcast_in_dim3A_465 = vector.broadcast %jit3A_463 : i32 to vector<16xi32>
        %broadcast_in_dim3A_466 = vector.broadcast %jit3A_464 : i32 to vector<16xi32>
        %select_n3A_467 = arith.select %ge3A_462, %broadcast_in_dim3A_465, %broadcast_in_dim3A_466 : vector<16xi1>, vector<16xi32>
        %add3A_468 = arith.addi %add3A_459, %select_n3A_467 : vector<16xi32>
        %get3A_469 = arith.index_cast %mul3A_444 : i32 to index
        %get3A_470 = tpu.vector_load %arg16[%get3A_469] {strides = array<i32>} : memref<2000xi32, #tpu.memory_space<vmem>>, vector<16xi32>,
        %mul3A_471 = arith.constant 4 : i32
        %mul3A_472 = vector.broadcast %mul3A_471 : i32 to vector<16xi32>
        %mul3A_473 = arith.muli %get3A_470, %mul3A_472 : vector<16xi32>
        %add3A_474 = arith.addi %mul3A_473, %add3A_468 : vector<16xi32>
        %swap3A = arith.index_cast %mul3A_444 : i32 to index
        %swap3A_475 = tpu.vector_load %arg22[%swap3A] {strides = array<i32>} : memref<2000xi32, #tpu.memory_space<vmem>>, vector<16xi32>,
        tpu.vector_store %arg22[%swap3A], %add3A_474 {strides = array<i32>} : memref<2000xi32, #tpu.memory_space<vmem>>, vector<16xi32>,
      }
      %scan3A_390 = arith.constant 125 : i32
      %mul3A_391 = arith.constant 50000 : i32
      %mul3A_392 = arith.muli %add3A, %mul3A_391 : i32
      %mul3A_393 = arith.constant 2000 : i32
      %mul3A_394 = arith.muli %add3A_375, %mul3A_393 : i32
      %add3A_395 = arith.addi %mul3A_392, %mul3A_394 : i32
      %dma_start3A_396 = tpu.memref_slice %arg14[%add3A_395] : memref<1600000xi32, #tpu.memory_space<hbm>> -> memref<2000xi32, #tpu.memory_space<hbm>>
      %dma_start3A_397 = tpu.memref_slice %arg14[%add3A_395] : memref<1600000xi32, #tpu.memory_space<hbm>> -> memref<2000xi32, #tpu.memory_space<hbm>>
      tpu.enqueue_dma source(%arg22 : memref<2000xi32, #tpu.memory_space<vmem>>) target(%dma_start3A_397 : memref<2000xi32, #tpu.memory_space<hbm>>) target_semaphore(%arg36 : memref<!tpu.dma_semaphore, #tpu.memory_space<semaphore_mem>>)
      %add3A_398 = arith.constant 2 : i32
      %add3A_399 = arith.addi %add3A_375, %add3A_398 : i32
      %lt3A_400 = arith.constant 25 : i32
      %lt3A_401 = arith.cmpi slt, %add3A_399, %lt3A_400 : i32
      %convert_element_type3A_402 = arith.extui %lt3A_401 : i1 to i32
      %cond3A_403 = arith.constant 0 : i32
      %cond3A_404 = arith.cmpi ne, %convert_element_type3A_402, %cond3A_403 : i32
      scf.if %cond3A_404 {
        %add3A_442 = arith.constant 2 : i32
        %add3A_443 = arith.addi %add3A_375, %add3A_442 : i32
        %mul3A_444 = arith.constant 50000 : i32
        %mul3A_445 = arith.muli %add3A, %mul3A_444 : i32
        %mul3A_446 = arith.constant 2000 : i32
        %mul3A_447 = arith.muli %add3A_443, %mul3A_446 : i32
        %add3A_448 = arith.addi %mul3A_445, %mul3A_447 : i32
        %dma_start3A_449 = tpu.memref_slice %arg9[%add3A_448] : memref<1600000xi32, #tpu.memory_space<hbm>> -> memref<2000xi32, #tpu.memory_space<hbm>>
        %dma_start3A_450 = tpu.memref_slice %arg9[%add3A_448] : memref<1600000xi32, #tpu.memory_space<hbm>> -> memref<2000xi32, #tpu.memory_space<hbm>>
        tpu.enqueue_dma source(%dma_start3A_450 : memref<2000xi32, #tpu.memory_space<hbm>>) target(%arg16 : memref<2000xi32, #tpu.memory_space<vmem>>) target_semaphore(%arg32 : memref<!tpu.dma_semaphore, #tpu.memory_space<semaphore_mem>>)
        %mul3A_451 = arith.constant 50000 : i32
        %mul3A_452 = arith.muli %add3A, %mul3A_451 : i32
        %mul3A_453 = arith.constant 2000 : i32
        %mul3A_454 = arith.muli %add3A_443, %mul3A_453 : i32
        %add3A_455 = arith.addi %mul3A_452, %mul3A_454 : i32
        %dma_start3A_456 = tpu.memref_slice %arg10[%add3A_455] : memref<1600000xi32, #tpu.memory_space<hbm>> -> memref<2000xi32, #tpu.memory_space<hbm>>
        %dma_start3A_457 = tpu.memref_slice %arg10[%add3A_455] : memref<1600000xi32, #tpu.memory_space<hbm>> -> memref<2000xi32, #tpu.memory_space<hbm>>
        tpu.enqueue_dma source(%dma_start3A_457 : memref<2000xi32, #tpu.memory_space<hbm>>) target(%arg18 : memref<2000xi32, #tpu.memory_space<vmem>>) target_semaphore(%arg32 : memref<!tpu.dma_semaphore, #tpu.memory_space<semaphore_mem>>)
      } else {
      }
      %mul3A_405 = arith.constant 2 : i32
      %mul3A_406 = arith.muli %mul3A_405, %scan3A_371 : i32
      %add3A_407 = arith.constant 1 : i32
      %add3A_408 = arith.addi %mul3A_406, %add3A_407 : i32
      %add3A_409 = arith.constant 1 : i32
      %add3A_410 = arith.addi %add3A_408, %add3A_409 : i32
      %lt3A_411 = arith.constant 25 : i32
      %lt3A_412 = arith.cmpi slt, %add3A_410, %lt3A_411 : i32
      %convert_element_type3A_413 = arith.extui %lt3A_412 : i1 to i32
      %cond3A_414 = arith.constant 0 : i32
      %cond3A_415 = arith.cmpi ne, %convert_element_type3A_413, %cond3A_414 : i32
      scf.if %cond3A_415 {
        %add3A_442 = arith.constant 1 : i32
        %add3A_443 = arith.addi %add3A_408, %add3A_442 : i32
        %mul3A_444 = arith.constant 50000 : i32
        %mul3A_445 = arith.muli %add3A, %mul3A_444 : i32
        %mul3A_446 = arith.constant 2000 : i32
        %mul3A_447 = arith.muli %add3A_443, %mul3A_446 : i32
        %add3A_448 = arith.addi %mul3A_445, %mul3A_447 : i32
        %dma_wait3A_449 = tpu.memref_slice %arg9[%add3A_448] : memref<1600000xi32, #tpu.memory_space<hbm>> -> memref<2000xi32, #tpu.memory_space<hbm>>
        %dma_wait3A_450 = tpu.memref_slice %arg9[%add3A_448] : memref<1600000xi32, #tpu.memory_space<hbm>> -> memref<2000xi32, #tpu.memory_space<hbm>>
        tpu.wait_dma2 semaphore(%arg32 : memref<!tpu.dma_semaphore, #tpu.memory_space<semaphore_mem>>) src(%dma_wait3A_450 : memref<2000xi32, #tpu.memory_space<hbm>>) dst(%arg16 : memref<2000xi32, #tpu.memory_space<vmem>>)
        %mul3A_451 = arith.constant 50000 : i32
        %mul3A_452 = arith.muli %add3A, %mul3A_451 : i32
        %mul3A_453 = arith.constant 2000 : i32
        %mul3A_454 = arith.muli %add3A_443, %mul3A_453 : i32
        %add3A_455 = arith.addi %mul3A_452, %mul3A_454 : i32
        %dma_wait3A_456 = tpu.memref_slice %arg10[%add3A_455] : memref<1600000xi32, #tpu.memory_space<hbm>> -> memref<2000xi32, #tpu.memory_space<hbm>>
        %dma_wait3A_457 = tpu.memref_slice %arg10[%add3A_455] : memref<1600000xi32, #tpu.memory_space<hbm>> -> memref<2000xi32, #tpu.memory_space<hbm>>
        tpu.wait_dma2 semaphore(%arg32 : memref<!tpu.dma_semaphore, #tpu.memory_space<semaphore_mem>>) src(%dma_wait3A_457 : memref<2000xi32, #tpu.memory_space<hbm>>) dst(%arg18 : memref<2000xi32, #tpu.memory_space<vmem>>)
        %add3A_458 = arith.constant 1 : i32
        %add3A_459 = arith.addi %add3A_408, %add3A_458 : i32
        %dma_start3A_460 = arith.constant 0 : i32
        %dma_start3A_461 = tpu.memref_slice %arg5[%dma_start3A_460] : memref<50000xi32, #tpu.memory_space<hbm>> -> memref<50000xi32, #tpu.memory_space<hbm>>
        tpu.enqueue_indirect_dma source(%dma_start3A_461 : memref<50000xi32, #tpu.memory_space<hbm>>) target(%arg20 : memref<2000xi32, #tpu.memory_space<vmem>>) offsets(%arg18 : memref<2000xi32, #tpu.memory_space<vmem>>) semaphore(%arg34 : memref<!tpu.dma_semaphore, #tpu.memory_space<semaphore_mem>>)
      } else {
      }
      %dma_wait3A_416 = arith.constant 0 : i32
      %dma_wait3A_417 = tpu.memref_slice %arg5[%dma_wait3A_416] : memref<50000xi32, #tpu.memory_space<hbm>> -> memref<50000xi32, #tpu.memory_space<hbm>>
      tpu.wait_indirect_dma semaphore(%arg35 : memref<!tpu.dma_semaphore, #tpu.memory_space<semaphore_mem>>) src(%dma_wait3A_417 : memref<50000xi32, #tpu.memory_space<hbm>>) dst(%arg21 : memref<2000xi32, #tpu.memory_space<vmem>>)
      %ge3A_418 = arith.constant 2 : i32
      %ge3A_419 = arith.cmpi sge, %add3A_408, %ge3A_418 : i32
      %convert_element_type3A_420 = arith.extui %ge3A_419 : i1 to i32
      %cond3A_421 = arith.constant 0 : i32
      %cond3A_422 = arith.cmpi ne, %convert_element_type3A_420, %cond3A_421 : i32
      scf.if %cond3A_422 {
        %sub3A = arith.constant 2 : i32
        %sub3A_442 = arith.subi %add3A_408, %sub3A : i32
        %mul3A_443 = arith.constant 50000 : i32
        %mul3A_444 = arith.muli %add3A, %mul3A_443 : i32
        %mul3A_445 = arith.constant 2000 : i32
        %mul3A_446 = arith.muli %sub3A_442, %mul3A_445 : i32
        %add3A_447 = arith.addi %mul3A_444, %mul3A_446 : i32
        %dma_wait3A_448 = tpu.memref_slice %arg14[%add3A_447] : memref<1600000xi32, #tpu.memory_space<hbm>> -> memref<2000xi32, #tpu.memory_space<hbm>>
        %dma_wait3A_449 = tpu.memref_slice %arg14[%add3A_447] : memref<1600000xi32, #tpu.memory_space<hbm>> -> memref<2000xi32, #tpu.memory_space<hbm>>
        tpu.wait_dma2 semaphore(%arg37 : memref<!tpu.dma_semaphore, #tpu.memory_space<semaphore_mem>>) src(%arg23 : memref<2000xi32, #tpu.memory_space<vmem>>) dst(%dma_wait3A_449 : memref<2000xi32, #tpu.memory_space<hbm>>)
      } else {
      }
      %scan3A_423 = arith.constant 0 : i32
      %scan3A_424 = arith.constant 125 : i32
      %scan3A_425 = arith.addi %scan3A_423, %scan3A_424 : i32
      %scan3A_426 = arith.constant 1 : i32
      scf.for %scan3A_442 = %scan3A_423 to %scan3A_425 step %scan3A_426  : i32 {
        %mul3A_443 = arith.constant 16 : i32
        %mul3A_444 = arith.muli %scan3A_442, %mul3A_443 : i32
        %get3A = arith.index_cast %mul3A_444 : i32 to index
        %get3A_445 = tpu.vector_load %arg21[%get3A] {strides = array<i32>} : memref<2000xi32, #tpu.memory_space<vmem>>, vector<16xi32>,
        %ge3A_446 = arith.constant 6 : i32
        %ge3A_447 = vector.broadcast %ge3A_446 : i32 to vector<16xi32>
        %ge3A_448 = arith.cmpi sge, %get3A_445, %ge3A_447 : vector<16xi32>
        %jit3A = arith.constant 1 : i32
        %jit3A_449 = arith.constant 0 : i32
        %broadcast_in_dim3A = vector.broadcast %jit3A : i32 to vector<16xi32>
        %broadcast_in_dim3A_450 = vector.broadcast %jit3A_449 : i32 to vector<16xi32>
        %select_n3A = arith.select %ge3A_448, %broadcast_in_dim3A, %broadcast_in_dim3A_450 : vector<16xi1>, vector<16xi32>
        %ge3A_451 = arith.constant 7 : i32
        %ge3A_452 = vector.broadcast %ge3A_451 : i32 to vector<16xi32>
        %ge3A_453 = arith.cmpi sge, %get3A_445, %ge3A_452 : vector<16xi32>
        %jit3A_454 = arith.constant 1 : i32
        %jit3A_455 = arith.constant 0 : i32
        %broadcast_in_dim3A_456 = vector.broadcast %jit3A_454 : i32 to vector<16xi32>
        %broadcast_in_dim3A_457 = vector.broadcast %jit3A_455 : i32 to vector<16xi32>
        %select_n3A_458 = arith.select %ge3A_453, %broadcast_in_dim3A_456, %broadcast_in_dim3A_457 : vector<16xi1>, vector<16xi32>
        %add3A_459 = arith.addi %select_n3A, %select_n3A_458 : vector<16xi32>
        %ge3A_460 = arith.constant 8 : i32
        %ge3A_461 = vector.broadcast %ge3A_460 : i32 to vector<16xi32>
        %ge3A_462 = arith.cmpi sge, %get3A_445, %ge3A_461 : vector<16xi32>
        %jit3A_463 = arith.constant 1 : i32
        %jit3A_464 = arith.constant 0 : i32
        %broadcast_in_dim3A_465 = vector.broadcast %jit3A_463 : i32 to vector<16xi32>
        %broadcast_in_dim3A_466 = vector.broadcast %jit3A_464 : i32 to vector<16xi32>
        %select_n3A_467 = arith.select %ge3A_462, %broadcast_in_dim3A_465, %broadcast_in_dim3A_466 : vector<16xi1>, vector<16xi32>
        %add3A_468 = arith.addi %add3A_459, %select_n3A_467 : vector<16xi32>
        %get3A_469 = arith.index_cast %mul3A_444 : i32 to index
        %get3A_470 = tpu.vector_load %arg17[%get3A_469] {strides = array<i32>} : memref<2000xi32, #tpu.memory_space<vmem>>, vector<16xi32>,
        %mul3A_471 = arith.constant 4 : i32
        %mul3A_472 = vector.broadcast %mul3A_471 : i32 to vector<16xi32>
        %mul3A_473 = arith.muli %get3A_470, %mul3A_472 : vector<16xi32>
        %add3A_474 = arith.addi %mul3A_473, %add3A_468 : vector<16xi32>
        %swap3A = arith.index_cast %mul3A_444 : i32 to index
        %swap3A_475 = tpu.vector_load %arg23[%swap3A] {strides = array<i32>} : memref<2000xi32, #tpu.memory_space<vmem>>, vector<16xi32>,
        tpu.vector_store %arg23[%swap3A], %add3A_474 {strides = array<i32>} : memref<2000xi32, #tpu.memory_space<vmem>>, vector<16xi32>,
      }
      %scan3A_427 = arith.constant 125 : i32
      %mul3A_428 = arith.constant 50000 : i32
      %mul3A_429 = arith.muli %add3A, %mul3A_428 : i32
      %mul3A_430 = arith.constant 2000 : i32
      %mul3A_431 = arith.muli %add3A_408, %mul3A_430 : i32
      %add3A_432 = arith.addi %mul3A_429, %mul3A_431 : i32
      %dma_start3A_433 = tpu.memref_slice %arg14[%add3A_432] : memref<1600000xi32, #tpu.memory_space<hbm>> -> memref<2000xi32, #tpu.memory_space<hbm>>
      %dma_start3A_434 = tpu.memref_slice %arg14[%add3A_432] : memref<1600000xi32, #tpu.memory_space<hbm>> -> memref<2000xi32, #tpu.memory_space<hbm>>
      tpu.enqueue_dma source(%arg23 : memref<2000xi32, #tpu.memory_space<vmem>>) target(%dma_start3A_434 : memref<2000xi32, #tpu.memory_space<hbm>>) target_semaphore(%arg37 : memref<!tpu.dma_semaphore, #tpu.memory_space<semaphore_mem>>)
      %add3A_435 = arith.constant 2 : i32
      %add3A_436 = arith.addi %add3A_408, %add3A_435 : i32
      %lt3A_437 = arith.constant 25 : i32
      %lt3A_438 = arith.cmpi slt, %add3A_436, %lt3A_437 : i32
      %convert_element_type3A_439 = arith.extui %lt3A_438 : i1 to i32
      %cond3A_440 = arith.constant 0 : i32
      %cond3A_441 = arith.cmpi ne, %convert_element_type3A_439, %cond3A_440 : i32
      scf.if %cond3A_441 {
        %add3A_442 = arith.constant 2 : i32
        %add3A_443 = arith.addi %add3A_408, %add3A_442 : i32
        %mul3A_444 = arith.constant 50000 : i32
        %mul3A_445 = arith.muli %add3A, %mul3A_444 : i32
        %mul3A_446 = arith.constant 2000 : i32
        %mul3A_447 = arith.muli %add3A_443, %mul3A_446 : i32
        %add3A_448 = arith.addi %mul3A_445, %mul3A_447 : i32
        %dma_start3A_449 = tpu.memref_slice %arg9[%add3A_448] : memref<1600000xi32, #tpu.memory_space<hbm>> -> memref<2000xi32, #tpu.memory_space<hbm>>
        %dma_start3A_450 = tpu.memref_slice %arg9[%add3A_448] : memref<1600000xi32, #tpu.memory_space<hbm>> -> memref<2000xi32, #tpu.memory_space<hbm>>
        tpu.enqueue_dma source(%dma_start3A_450 : memref<2000xi32, #tpu.memory_space<hbm>>) target(%arg17 : memref<2000xi32, #tpu.memory_space<vmem>>) target_semaphore(%arg33 : memref<!tpu.dma_semaphore, #tpu.memory_space<semaphore_mem>>)
        %mul3A_451 = arith.constant 50000 : i32
        %mul3A_452 = arith.muli %add3A, %mul3A_451 : i32
        %mul3A_453 = arith.constant 2000 : i32
        %mul3A_454 = arith.muli %add3A_443, %mul3A_453 : i32
        %add3A_455 = arith.addi %mul3A_452, %mul3A_454 : i32
        %dma_start3A_456 = tpu.memref_slice %arg10[%add3A_455] : memref<1600000xi32, #tpu.memory_space<hbm>> -> memref<2000xi32, #tpu.memory_space<hbm>>
        %dma_start3A_457 = tpu.memref_slice %arg10[%add3A_455] : memref<1600000xi32, #tpu.memory_space<hbm>> -> memref<2000xi32, #tpu.memory_space<hbm>>
        tpu.enqueue_dma source(%dma_start3A_457 : memref<2000xi32, #tpu.memory_space<hbm>>) target(%arg19 : memref<2000xi32, #tpu.memory_space<vmem>>) target_semaphore(%arg33 : memref<!tpu.dma_semaphore, #tpu.memory_space<semaphore_mem>>)
      } else {
      }
    }
    %scan3A_40 = arith.constant 12 : i32
    %dma_wait3A_41 = arith.constant 0 : i32
    %dma_wait3A_42 = tpu.memref_slice %arg5[%dma_wait3A_41] : memref<50000xi32, #tpu.memory_space<hbm>> -> memref<50000xi32, #tpu.memory_space<hbm>>
    tpu.wait_indirect_dma semaphore(%arg34 : memref<!tpu.dma_semaphore, #tpu.memory_space<semaphore_mem>>) src(%dma_wait3A_42 : memref<50000xi32, #tpu.memory_space<hbm>>) dst(%arg20 : memref<2000xi32, #tpu.memory_space<vmem>>)
    %mul3A_43 = arith.constant 50000 : i32
    %mul3A_44 = arith.muli %add3A, %mul3A_43 : i32
    %add3A_45 = arith.constant 44000 : i32
    %add3A_46 = arith.addi %mul3A_44, %add3A_45 : i32
    %dma_wait3A_47 = tpu.memref_slice %arg14[%add3A_46] : memref<1600000xi32, #tpu.memory_space<hbm>> -> memref<2000xi32, #tpu.memory_space<hbm>>
    %dma_wait3A_48 = tpu.memref_slice %arg14[%add3A_46] : memref<1600000xi32, #tpu.memory_space<hbm>> -> memref<2000xi32, #tpu.memory_space<hbm>>
    tpu.wait_dma2 semaphore(%arg36 : memref<!tpu.dma_semaphore, #tpu.memory_space<semaphore_mem>>) src(%arg22 : memref<2000xi32, #tpu.memory_space<vmem>>) dst(%dma_wait3A_48 : memref<2000xi32, #tpu.memory_space<hbm>>)
    %scan3A_49 = arith.constant 0 : i32
    %scan3A_50 = arith.constant 125 : i32
    %scan3A_51 = arith.addi %scan3A_49, %scan3A_50 : i32
    %scan3A_52 = arith.constant 1 : i32
    scf.for %scan3A_371 = %scan3A_49 to %scan3A_51 step %scan3A_52  : i32 {
      %mul3A_372 = arith.constant 16 : i32
      %mul3A_373 = arith.muli %scan3A_371, %mul3A_372 : i32
      %get3A = arith.index_cast %mul3A_373 : i32 to index
      %get3A_374 = tpu.vector_load %arg20[%get3A] {strides = array<i32>} : memref<2000xi32, #tpu.memory_space<vmem>>, vector<16xi32>,
      %ge3A = arith.constant 6 : i32
      %ge3A_375 = vector.broadcast %ge3A : i32 to vector<16xi32>
      %ge3A_376 = arith.cmpi sge, %get3A_374, %ge3A_375 : vector<16xi32>
      %jit3A = arith.constant 1 : i32
      %jit3A_377 = arith.constant 0 : i32
      %broadcast_in_dim3A = vector.broadcast %jit3A : i32 to vector<16xi32>
      %broadcast_in_dim3A_378 = vector.broadcast %jit3A_377 : i32 to vector<16xi32>
      %select_n3A = arith.select %ge3A_376, %broadcast_in_dim3A, %broadcast_in_dim3A_378 : vector<16xi1>, vector<16xi32>
      %ge3A_379 = arith.constant 7 : i32
      %ge3A_380 = vector.broadcast %ge3A_379 : i32 to vector<16xi32>
      %ge3A_381 = arith.cmpi sge, %get3A_374, %ge3A_380 : vector<16xi32>
      %jit3A_382 = arith.constant 1 : i32
      %jit3A_383 = arith.constant 0 : i32
      %broadcast_in_dim3A_384 = vector.broadcast %jit3A_382 : i32 to vector<16xi32>
      %broadcast_in_dim3A_385 = vector.broadcast %jit3A_383 : i32 to vector<16xi32>
      %select_n3A_386 = arith.select %ge3A_381, %broadcast_in_dim3A_384, %broadcast_in_dim3A_385 : vector<16xi1>, vector<16xi32>
      %add3A_387 = arith.addi %select_n3A, %select_n3A_386 : vector<16xi32>
      %ge3A_388 = arith.constant 8 : i32
      %ge3A_389 = vector.broadcast %ge3A_388 : i32 to vector<16xi32>
      %ge3A_390 = arith.cmpi sge, %get3A_374, %ge3A_389 : vector<16xi32>
      %jit3A_391 = arith.constant 1 : i32
      %jit3A_392 = arith.constant 0 : i32
      %broadcast_in_dim3A_393 = vector.broadcast %jit3A_391 : i32 to vector<16xi32>
      %broadcast_in_dim3A_394 = vector.broadcast %jit3A_392 : i32 to vector<16xi32>
      %select_n3A_395 = arith.select %ge3A_390, %broadcast_in_dim3A_393, %broadcast_in_dim3A_394 : vector<16xi1>, vector<16xi32>
      %add3A_396 = arith.addi %add3A_387, %select_n3A_395 : vector<16xi32>
      %get3A_397 = arith.index_cast %mul3A_373 : i32 to index
      %get3A_398 = tpu.vector_load %arg16[%get3A_397] {strides = array<i32>} : memref<2000xi32, #tpu.memory_space<vmem>>, vector<16xi32>,
      %mul3A_399 = arith.constant 4 : i32
      %mul3A_400 = vector.broadcast %mul3A_399 : i32 to vector<16xi32>
      %mul3A_401 = arith.muli %get3A_398, %mul3A_400 : vector<16xi32>
      %add3A_402 = arith.addi %mul3A_401, %add3A_396 : vector<16xi32>
      %swap3A = arith.index_cast %mul3A_373 : i32 to index
      %swap3A_403 = tpu.vector_load %arg22[%swap3A] {strides = array<i32>} : memref<2000xi32, #tpu.memory_space<vmem>>, vector<16xi32>,
      tpu.vector_store %arg22[%swap3A], %add3A_402 {strides = array<i32>} : memref<2000xi32, #tpu.memory_space<vmem>>, vector<16xi32>,
    }
    %scan3A_53 = arith.constant 125 : i32
    %mul3A_54 = arith.constant 50000 : i32
    %mul3A_55 = arith.muli %add3A, %mul3A_54 : i32
    %add3A_56 = arith.constant 48000 : i32
    %add3A_57 = arith.addi %mul3A_55, %add3A_56 : i32
    %dma_start3A_58 = tpu.memref_slice %arg14[%add3A_57] : memref<1600000xi32, #tpu.memory_space<hbm>> -> memref<2000xi32, #tpu.memory_space<hbm>>
    %dma_start3A_59 = tpu.memref_slice %arg14[%add3A_57] : memref<1600000xi32, #tpu.memory_space<hbm>> -> memref<2000xi32, #tpu.memory_space<hbm>>
    tpu.enqueue_dma source(%arg22 : memref<2000xi32, #tpu.memory_space<vmem>>) target(%dma_start3A_59 : memref<2000xi32, #tpu.memory_space<hbm>>) target_semaphore(%arg36 : memref<!tpu.dma_semaphore, #tpu.memory_space<semaphore_mem>>)
    %mul3A_60 = arith.constant 50000 : i32
    %mul3A_61 = arith.muli %add3A, %mul3A_60 : i32
    %add3A_62 = arith.constant 46000 : i32
    %add3A_63 = arith.addi %mul3A_61, %add3A_62 : i32
    %dma_wait3A_64 = tpu.memref_slice %arg14[%add3A_63] : memref<1600000xi32, #tpu.memory_space<hbm>> -> memref<2000xi32, #tpu.memory_space<hbm>>
    %dma_wait3A_65 = tpu.memref_slice %arg14[%add3A_63] : memref<1600000xi32, #tpu.memory_space<hbm>> -> memref<2000xi32, #tpu.memory_space<hbm>>
    tpu.wait_dma2 semaphore(%arg37 : memref<!tpu.dma_semaphore, #tpu.memory_space<semaphore_mem>>) src(%arg23 : memref<2000xi32, #tpu.memory_space<vmem>>) dst(%dma_wait3A_65 : memref<2000xi32, #tpu.memory_space<hbm>>)
    %mul3A_66 = arith.constant 50000 : i32
    %mul3A_67 = arith.muli %add3A, %mul3A_66 : i32
    %add3A_68 = arith.constant 48000 : i32
    %add3A_69 = arith.addi %mul3A_67, %add3A_68 : i32
    %dma_wait3A_70 = tpu.memref_slice %arg14[%add3A_69] : memref<1600000xi32, #tpu.memory_space<hbm>> -> memref<2000xi32, #tpu.memory_space<hbm>>
    %dma_wait3A_71 = tpu.memref_slice %arg14[%add3A_69] : memref<1600000xi32, #tpu.memory_space<hbm>> -> memref<2000xi32, #tpu.memory_space<hbm>>
    tpu.wait_dma2 semaphore(%arg36 : memref<!tpu.dma_semaphore, #tpu.memory_space<semaphore_mem>>) src(%arg22 : memref<2000xi32, #tpu.memory_space<vmem>>) dst(%dma_wait3A_71 : memref<2000xi32, #tpu.memory_space<hbm>>)
    %mul3A_72 = arith.constant 50000 : i32
    %mul3A_73 = arith.muli %arg1, %mul3A_72 : i32
    %add3A_74 = arith.constant 0 : i32
    %add3A_75 = arith.addi %mul3A_73, %add3A_74 : i32
    %dma_start3A_76 = tpu.memref_slice %arg2[%add3A_75] : memref<800000xf32, #tpu.memory_space<hbm>> -> memref<2000xf32, #tpu.memory_space<hbm>>
    %dma_start3A_77 = tpu.memref_slice %arg2[%add3A_75] : memref<800000xf32, #tpu.memory_space<hbm>> -> memref<2000xf32, #tpu.memory_space<hbm>>
    tpu.enqueue_dma source(%dma_start3A_77 : memref<2000xf32, #tpu.memory_space<hbm>>) target(%arg28 : memref<2000xf32, #tpu.memory_space<vmem>>) target_semaphore(%arg32 : memref<!tpu.dma_semaphore, #tpu.memory_space<semaphore_mem>>)
    %mul3A_78 = arith.constant 50000 : i32
    %mul3A_79 = arith.muli %arg1, %mul3A_78 : i32
    %add3A_80 = arith.constant 0 : i32
    %add3A_81 = arith.addi %mul3A_79, %add3A_80 : i32
    %dma_start3A_82 = tpu.memref_slice %arg3[%add3A_81] : memref<800000xf32, #tpu.memory_space<hbm>> -> memref<2000xf32, #tpu.memory_space<hbm>>
    %dma_start3A_83 = tpu.memref_slice %arg3[%add3A_81] : memref<800000xf32, #tpu.memory_space<hbm>> -> memref<2000xf32, #tpu.memory_space<hbm>>
    tpu.enqueue_dma source(%dma_start3A_83 : memref<2000xf32, #tpu.memory_space<hbm>>) target(%arg30 : memref<2000xf32, #tpu.memory_space<vmem>>) target_semaphore(%arg32 : memref<!tpu.dma_semaphore, #tpu.memory_space<semaphore_mem>>)
    %mul3A_84 = arith.constant 50000 : i32
    %mul3A_85 = arith.muli %arg1, %mul3A_84 : i32
    %add3A_86 = arith.constant 0 : i32
    %add3A_87 = arith.addi %mul3A_85, %add3A_86 : i32
    %dma_start3A_88 = tpu.memref_slice %arg4[%add3A_87] : memref<800000xi32, #tpu.memory_space<hbm>> -> memref<2000xi32, #tpu.memory_space<hbm>>
    %dma_start3A_89 = tpu.memref_slice %arg4[%add3A_87] : memref<800000xi32, #tpu.memory_space<hbm>> -> memref<2000xi32, #tpu.memory_space<hbm>>
    tpu.enqueue_dma source(%dma_start3A_89 : memref<2000xi32, #tpu.memory_space<hbm>>) target(%arg16 : memref<2000xi32, #tpu.memory_space<vmem>>) target_semaphore(%arg32 : memref<!tpu.dma_semaphore, #tpu.memory_space<semaphore_mem>>)
    %mul3A_90 = arith.constant 50000 : i32
    %mul3A_91 = arith.muli %arg1, %mul3A_90 : i32
    %add3A_92 = arith.constant 0 : i32
    %add3A_93 = arith.addi %mul3A_91, %add3A_92 : i32
    %dma_wait3A_94 = tpu.memref_slice %arg2[%add3A_93] : memref<800000xf32, #tpu.memory_space<hbm>> -> memref<2000xf32, #tpu.memory_space<hbm>>
    %dma_wait3A_95 = tpu.memref_slice %arg2[%add3A_93] : memref<800000xf32, #tpu.memory_space<hbm>> -> memref<2000xf32, #tpu.memory_space<hbm>>
    tpu.wait_dma2 semaphore(%arg32 : memref<!tpu.dma_semaphore, #tpu.memory_space<semaphore_mem>>) src(%dma_wait3A_95 : memref<2000xf32, #tpu.memory_space<hbm>>) dst(%arg28 : memref<2000xf32, #tpu.memory_space<vmem>>)
    %mul3A_96 = arith.constant 50000 : i32
    %mul3A_97 = arith.muli %arg1, %mul3A_96 : i32
    %add3A_98 = arith.constant 0 : i32
    %add3A_99 = arith.addi %mul3A_97, %add3A_98 : i32
    %dma_wait3A_100 = tpu.memref_slice %arg3[%add3A_99] : memref<800000xf32, #tpu.memory_space<hbm>> -> memref<2000xf32, #tpu.memory_space<hbm>>
    %dma_wait3A_101 = tpu.memref_slice %arg3[%add3A_99] : memref<800000xf32, #tpu.memory_space<hbm>> -> memref<2000xf32, #tpu.memory_space<hbm>>
    tpu.wait_dma2 semaphore(%arg32 : memref<!tpu.dma_semaphore, #tpu.memory_space<semaphore_mem>>) src(%dma_wait3A_101 : memref<2000xf32, #tpu.memory_space<hbm>>) dst(%arg30 : memref<2000xf32, #tpu.memory_space<vmem>>)
    %mul3A_102 = arith.constant 50000 : i32
    %mul3A_103 = arith.muli %arg1, %mul3A_102 : i32
    %add3A_104 = arith.constant 0 : i32
    %add3A_105 = arith.addi %mul3A_103, %add3A_104 : i32
    %dma_wait3A_106 = tpu.memref_slice %arg4[%add3A_105] : memref<800000xi32, #tpu.memory_space<hbm>> -> memref<2000xi32, #tpu.memory_space<hbm>>
    %dma_wait3A_107 = tpu.memref_slice %arg4[%add3A_105] : memref<800000xi32, #tpu.memory_space<hbm>> -> memref<2000xi32, #tpu.memory_space<hbm>>
    tpu.wait_dma2 semaphore(%arg32 : memref<!tpu.dma_semaphore, #tpu.memory_space<semaphore_mem>>) src(%dma_wait3A_107 : memref<2000xi32, #tpu.memory_space<hbm>>) dst(%arg16 : memref<2000xi32, #tpu.memory_space<vmem>>)
    %dma_start3A_108 = arith.constant 0 : i32
    %dma_start3A_109 = tpu.memref_slice %arg5[%dma_start3A_108] : memref<50000xi32, #tpu.memory_space<hbm>> -> memref<50000xi32, #tpu.memory_space<hbm>>
    tpu.enqueue_indirect_dma source(%dma_start3A_109 : memref<50000xi32, #tpu.memory_space<hbm>>) target(%arg18 : memref<2000xi32, #tpu.memory_space<vmem>>) offsets(%arg16 : memref<2000xi32, #tpu.memory_space<vmem>>) semaphore(%arg34 : memref<!tpu.dma_semaphore, #tpu.memory_space<semaphore_mem>>)
    %mul3A_110 = arith.constant 50000 : i32
    %mul3A_111 = arith.muli %arg1, %mul3A_110 : i32
    %add3A_112 = arith.constant 2000 : i32
    %add3A_113 = arith.addi %mul3A_111, %add3A_112 : i32
    %dma_start3A_114 = tpu.memref_slice %arg2[%add3A_113] : memref<800000xf32, #tpu.memory_space<hbm>> -> memref<2000xf32, #tpu.memory_space<hbm>>
    %dma_start3A_115 = tpu.memref_slice %arg2[%add3A_113] : memref<800000xf32, #tpu.memory_space<hbm>> -> memref<2000xf32, #tpu.memory_space<hbm>>
    tpu.enqueue_dma source(%dma_start3A_115 : memref<2000xf32, #tpu.memory_space<hbm>>) target(%arg29 : memref<2000xf32, #tpu.memory_space<vmem>>) target_semaphore(%arg33 : memref<!tpu.dma_semaphore, #tpu.memory_space<semaphore_mem>>)
    %mul3A_116 = arith.constant 50000 : i32
    %mul3A_117 = arith.muli %arg1, %mul3A_116 : i32
    %add3A_118 = arith.constant 2000 : i32
    %add3A_119 = arith.addi %mul3A_117, %add3A_118 : i32
    %dma_start3A_120 = tpu.memref_slice %arg3[%add3A_119] : memref<800000xf32, #tpu.memory_space<hbm>> -> memref<2000xf32, #tpu.memory_space<hbm>>
    %dma_start3A_121 = tpu.memref_slice %arg3[%add3A_119] : memref<800000xf32, #tpu.memory_space<hbm>> -> memref<2000xf32, #tpu.memory_space<hbm>>
    tpu.enqueue_dma source(%dma_start3A_121 : memref<2000xf32, #tpu.memory_space<hbm>>) target(%arg31 : memref<2000xf32, #tpu.memory_space<vmem>>) target_semaphore(%arg33 : memref<!tpu.dma_semaphore, #tpu.memory_space<semaphore_mem>>)
    %mul3A_122 = arith.constant 50000 : i32
    %mul3A_123 = arith.muli %arg1, %mul3A_122 : i32
    %add3A_124 = arith.constant 2000 : i32
    %add3A_125 = arith.addi %mul3A_123, %add3A_124 : i32
    %dma_start3A_126 = tpu.memref_slice %arg4[%add3A_125] : memref<800000xi32, #tpu.memory_space<hbm>> -> memref<2000xi32, #tpu.memory_space<hbm>>
    %dma_start3A_127 = tpu.memref_slice %arg4[%add3A_125] : memref<800000xi32, #tpu.memory_space<hbm>> -> memref<2000xi32, #tpu.memory_space<hbm>>
    tpu.enqueue_dma source(%dma_start3A_127 : memref<2000xi32, #tpu.memory_space<hbm>>) target(%arg17 : memref<2000xi32, #tpu.memory_space<vmem>>) target_semaphore(%arg33 : memref<!tpu.dma_semaphore, #tpu.memory_space<semaphore_mem>>)
    %scan3A_128 = arith.constant 0 : i32
    %scan3A_129 = arith.constant 12 : i32
    %scan3A_130 = arith.addi %scan3A_128, %scan3A_129 : i32
    %scan3A_131 = arith.constant 1 : i32
    scf.for %scan3A_371 = %scan3A_128 to %scan3A_130 step %scan3A_131  : i32 {
      %mul3A_372 = arith.constant 2 : i32
      %mul3A_373 = arith.muli %mul3A_372, %scan3A_371 : i32
      %add3A_374 = arith.constant 0 : i32
      %add3A_375 = arith.addi %mul3A_373, %add3A_374 : i32
      %add3A_376 = arith.constant 1 : i32
      %add3A_377 = arith.addi %add3A_375, %add3A_376 : i32
      %lt3A = arith.constant 25 : i32
      %lt3A_378 = arith.cmpi slt, %add3A_377, %lt3A : i32
      %convert_element_type3A = arith.extui %lt3A_378 : i1 to i32
      %cond3A = arith.constant 0 : i32
      %cond3A_379 = arith.cmpi ne, %convert_element_type3A, %cond3A : i32
      scf.if %cond3A_379 {
        %add3A_442 = arith.constant 1 : i32
        %add3A_443 = arith.addi %add3A_375, %add3A_442 : i32
        %mul3A_444 = arith.constant 50000 : i32
        %mul3A_445 = arith.muli %arg1, %mul3A_444 : i32
        %mul3A_446 = arith.constant 2000 : i32
        %mul3A_447 = arith.muli %add3A_443, %mul3A_446 : i32
        %add3A_448 = arith.addi %mul3A_445, %mul3A_447 : i32
        %dma_wait3A_449 = tpu.memref_slice %arg2[%add3A_448] : memref<800000xf32, #tpu.memory_space<hbm>> -> memref<2000xf32, #tpu.memory_space<hbm>>
        %dma_wait3A_450 = tpu.memref_slice %arg2[%add3A_448] : memref<800000xf32, #tpu.memory_space<hbm>> -> memref<2000xf32, #tpu.memory_space<hbm>>
        tpu.wait_dma2 semaphore(%arg33 : memref<!tpu.dma_semaphore, #tpu.memory_space<semaphore_mem>>) src(%dma_wait3A_450 : memref<2000xf32, #tpu.memory_space<hbm>>) dst(%arg29 : memref<2000xf32, #tpu.memory_space<vmem>>)
        %mul3A_451 = arith.constant 50000 : i32
        %mul3A_452 = arith.muli %arg1, %mul3A_451 : i32
        %mul3A_453 = arith.constant 2000 : i32
        %mul3A_454 = arith.muli %add3A_443, %mul3A_453 : i32
        %add3A_455 = arith.addi %mul3A_452, %mul3A_454 : i32
        %dma_wait3A_456 = tpu.memref_slice %arg3[%add3A_455] : memref<800000xf32, #tpu.memory_space<hbm>> -> memref<2000xf32, #tpu.memory_space<hbm>>
        %dma_wait3A_457 = tpu.memref_slice %arg3[%add3A_455] : memref<800000xf32, #tpu.memory_space<hbm>> -> memref<2000xf32, #tpu.memory_space<hbm>>
        tpu.wait_dma2 semaphore(%arg33 : memref<!tpu.dma_semaphore, #tpu.memory_space<semaphore_mem>>) src(%dma_wait3A_457 : memref<2000xf32, #tpu.memory_space<hbm>>) dst(%arg31 : memref<2000xf32, #tpu.memory_space<vmem>>)
        %mul3A_458 = arith.constant 50000 : i32
        %mul3A_459 = arith.muli %arg1, %mul3A_458 : i32
        %mul3A_460 = arith.constant 2000 : i32
        %mul3A_461 = arith.muli %add3A_443, %mul3A_460 : i32
        %add3A_462 = arith.addi %mul3A_459, %mul3A_461 : i32
        %dma_wait3A_463 = tpu.memref_slice %arg4[%add3A_462] : memref<800000xi32, #tpu.memory_space<hbm>> -> memref<2000xi32, #tpu.memory_space<hbm>>
        %dma_wait3A_464 = tpu.memref_slice %arg4[%add3A_462] : memref<800000xi32, #tpu.memory_space<hbm>> -> memref<2000xi32, #tpu.memory_space<hbm>>
        tpu.wait_dma2 semaphore(%arg33 : memref<!tpu.dma_semaphore, #tpu.memory_space<semaphore_mem>>) src(%dma_wait3A_464 : memref<2000xi32, #tpu.memory_space<hbm>>) dst(%arg17 : memref<2000xi32, #tpu.memory_space<vmem>>)
        %add3A_465 = arith.constant 1 : i32
        %add3A_466 = arith.addi %add3A_375, %add3A_465 : i32
        %dma_start3A_467 = arith.constant 0 : i32
        %dma_start3A_468 = tpu.memref_slice %arg5[%dma_start3A_467] : memref<50000xi32, #tpu.memory_space<hbm>> -> memref<50000xi32, #tpu.memory_space<hbm>>
        tpu.enqueue_indirect_dma source(%dma_start3A_468 : memref<50000xi32, #tpu.memory_space<hbm>>) target(%arg19 : memref<2000xi32, #tpu.memory_space<vmem>>) offsets(%arg17 : memref<2000xi32, #tpu.memory_space<vmem>>) semaphore(%arg35 : memref<!tpu.dma_semaphore, #tpu.memory_space<semaphore_mem>>)
      } else {
      }
      %dma_wait3A_380 = arith.constant 0 : i32
      %dma_wait3A_381 = tpu.memref_slice %arg5[%dma_wait3A_380] : memref<50000xi32, #tpu.memory_space<hbm>> -> memref<50000xi32, #tpu.memory_space<hbm>>
      tpu.wait_indirect_dma semaphore(%arg34 : memref<!tpu.dma_semaphore, #tpu.memory_space<semaphore_mem>>) src(%dma_wait3A_381 : memref<50000xi32, #tpu.memory_space<hbm>>) dst(%arg18 : memref<2000xi32, #tpu.memory_space<vmem>>)
      %ge3A = arith.constant 2 : i32
      %ge3A_382 = arith.cmpi sge, %add3A_375, %ge3A : i32
      %convert_element_type3A_383 = arith.extui %ge3A_382 : i1 to i32
      %cond3A_384 = arith.constant 0 : i32
      %cond3A_385 = arith.cmpi ne, %convert_element_type3A_383, %cond3A_384 : i32
      scf.if %cond3A_385 {
        %sub3A = arith.constant 2 : i32
        %sub3A_442 = arith.subi %add3A_375, %sub3A : i32
        %mul3A_443 = arith.constant 50000 : i32
        %mul3A_444 = arith.muli %arg1, %mul3A_443 : i32
        %mul3A_445 = arith.constant 2000 : i32
        %mul3A_446 = arith.muli %sub3A_442, %mul3A_445 : i32
        %add3A_447 = arith.addi %mul3A_444, %mul3A_446 : i32
        %dma_wait3A_448 = tpu.memref_slice %arg15[%add3A_447] : memref<800000xi32, #tpu.memory_space<vmem_shared>> -> memref<2000xi32, #tpu.memory_space<vmem_shared>>
        %dma_wait3A_449 = tpu.memref_slice %arg15[%add3A_447] : memref<800000xi32, #tpu.memory_space<vmem_shared>> -> memref<2000xi32, #tpu.memory_space<vmem_shared>>
        tpu.wait_dma2 semaphore(%arg36 : memref<!tpu.dma_semaphore, #tpu.memory_space<semaphore_mem>>) src(%arg20 : memref<2000xi32, #tpu.memory_space<vmem>>) dst(%dma_wait3A_449 : memref<2000xi32, #tpu.memory_space<vmem_shared>>)
      } else {
      }
      %scan3A_386 = arith.constant 0 : i32
      %scan3A_387 = arith.constant 125 : i32
      %scan3A_388 = arith.addi %scan3A_386, %scan3A_387 : i32
      %scan3A_389 = arith.constant 1 : i32
      scf.for %scan3A_442 = %scan3A_386 to %scan3A_388 step %scan3A_389  : i32 {
        %mul3A_443 = arith.constant 16 : i32
        %mul3A_444 = arith.muli %scan3A_442, %mul3A_443 : i32
        %get3A = arith.index_cast %mul3A_444 : i32 to index
        %get3A_445 = tpu.vector_load %arg18[%get3A] {strides = array<i32>} : memref<2000xi32, #tpu.memory_space<vmem>>, vector<16xi32>,
        %ge3A_446 = arith.constant 6 : i32
        %ge3A_447 = vector.broadcast %ge3A_446 : i32 to vector<16xi32>
        %ge3A_448 = arith.cmpi sge, %get3A_445, %ge3A_447 : vector<16xi32>
        %jit3A = arith.constant 1 : i32
        %jit3A_449 = arith.constant 0 : i32
        %broadcast_in_dim3A = vector.broadcast %jit3A : i32 to vector<16xi32>
        %broadcast_in_dim3A_450 = vector.broadcast %jit3A_449 : i32 to vector<16xi32>
        %select_n3A = arith.select %ge3A_448, %broadcast_in_dim3A, %broadcast_in_dim3A_450 : vector<16xi1>, vector<16xi32>
        %ge3A_451 = arith.constant 7 : i32
        %ge3A_452 = vector.broadcast %ge3A_451 : i32 to vector<16xi32>
        %ge3A_453 = arith.cmpi sge, %get3A_445, %ge3A_452 : vector<16xi32>
        %jit3A_454 = arith.constant 1 : i32
        %jit3A_455 = arith.constant 0 : i32
        %broadcast_in_dim3A_456 = vector.broadcast %jit3A_454 : i32 to vector<16xi32>
        %broadcast_in_dim3A_457 = vector.broadcast %jit3A_455 : i32 to vector<16xi32>
        %select_n3A_458 = arith.select %ge3A_453, %broadcast_in_dim3A_456, %broadcast_in_dim3A_457 : vector<16xi1>, vector<16xi32>
        %add3A_459 = arith.addi %select_n3A, %select_n3A_458 : vector<16xi32>
        %ge3A_460 = arith.constant 8 : i32
        %ge3A_461 = vector.broadcast %ge3A_460 : i32 to vector<16xi32>
        %ge3A_462 = arith.cmpi sge, %get3A_445, %ge3A_461 : vector<16xi32>
        %jit3A_463 = arith.constant 1 : i32
        %jit3A_464 = arith.constant 0 : i32
        %broadcast_in_dim3A_465 = vector.broadcast %jit3A_463 : i32 to vector<16xi32>
        %broadcast_in_dim3A_466 = vector.broadcast %jit3A_464 : i32 to vector<16xi32>
        %select_n3A_467 = arith.select %ge3A_462, %broadcast_in_dim3A_465, %broadcast_in_dim3A_466 : vector<16xi1>, vector<16xi32>
        %add3A_468 = arith.addi %add3A_459, %select_n3A_467 : vector<16xi32>
        %get3A_469 = arith.index_cast %mul3A_444 : i32 to index
        %get3A_470 = tpu.vector_load %arg28[%get3A_469] {strides = array<i32>} : memref<2000xf32, #tpu.memory_space<vmem>>, vector<16xf32>,
        %mul3A_471 = arith.constant 1.41421354 : f32
        %mul3A_472 = vector.broadcast %mul3A_471 : f32 to vector<16xf32>
        %mul3A_473 = arith.mulf %get3A_470, %mul3A_472 : vector<16xf32>
        %mul3A_474 = arith.constant 1.310720e+04 : f32
        %mul3A_475 = vector.broadcast %mul3A_474 : f32 to vector<16xf32>
        %mul3A_476 = arith.mulf %mul3A_473, %mul3A_475 : vector<16xf32>
        %add3A_477 = arith.constant 5.000000e-01 : f32
        %add3A_478 = vector.broadcast %add3A_477 : f32 to vector<16xf32>
        %add3A_479 = arith.addf %mul3A_476, %add3A_478 : vector<16xf32>
        %convert_element_type3A_480 = arith.fptosi %add3A_479 : vector<16xf32> to vector<16xi32>
        %min3A = arith.constant 65535 : i32
        %min3A_481 = vector.broadcast %min3A : i32 to vector<16xi32>
        %min3A_482 = arith.minsi %convert_element_type3A_480, %min3A_481 : vector<16xi32>
        %get3A_483 = arith.index_cast %mul3A_444 : i32 to index
        %get3A_484 = tpu.vector_load %arg30[%get3A_483] {strides = array<i32>} : memref<2000xf32, #tpu.memory_space<vmem>>, vector<16xf32>,
        %mul3A_485 = arith.constant 1.638400e+04 : f32
        %mul3A_486 = vector.broadcast %mul3A_485 : f32 to vector<16xf32>
        %mul3A_487 = arith.mulf %get3A_484, %mul3A_486 : vector<16xf32>
        %add3A_488 = arith.constant 5.000000e-01 : f32
        %add3A_489 = vector.broadcast %add3A_488 : f32 to vector<16xf32>
        %add3A_490 = arith.addf %mul3A_487, %add3A_489 : vector<16xf32>
        %convert_element_type3A_491 = arith.fptosi %add3A_490 : vector<16xf32> to vector<16xi32>
        %min3A_492 = arith.constant 16383 : i32
        %min3A_493 = vector.broadcast %min3A_492 : i32 to vector<16xi32>
        %min3A_494 = arith.minsi %convert_element_type3A_491, %min3A_493 : vector<16xi32>
        %shift_left3A = arith.constant 16 : i32
        %shift_left3A_495 = vector.broadcast %shift_left3A : i32 to vector<16xi32>
        %shift_left3A_496 = arith.shli %min3A_482, %shift_left3A_495 : vector<16xi32>
        %shift_left3A_497 = arith.constant 2 : i32
        %shift_left3A_498 = vector.broadcast %shift_left3A_497 : i32 to vector<16xi32>
        %shift_left3A_499 = arith.shli %min3A_494, %shift_left3A_498 : vector<16xi32>
        %or3A = arith.ori %shift_left3A_496, %shift_left3A_499 : vector<16xi32>
        %or3A_500 = arith.ori %or3A, %add3A_468 : vector<16xi32>
        %swap3A = arith.index_cast %mul3A_444 : i32 to index
        %swap3A_501 = tpu.vector_load %arg20[%swap3A] {strides = array<i32>} : memref<2000xi32, #tpu.memory_space<vmem>>, vector<16xi32>,
        tpu.vector_store %arg20[%swap3A], %or3A_500 {strides = array<i32>} : memref<2000xi32, #tpu.memory_space<vmem>>, vector<16xi32>,
      }
      %scan3A_390 = arith.constant 125 : i32
      %mul3A_391 = arith.constant 50000 : i32
      %mul3A_392 = arith.muli %arg1, %mul3A_391 : i32
      %mul3A_393 = arith.constant 2000 : i32
      %mul3A_394 = arith.muli %add3A_375, %mul3A_393 : i32
      %add3A_395 = arith.addi %mul3A_392, %mul3A_394 : i32
      %dma_start3A_396 = tpu.memref_slice %arg15[%add3A_395] : memref<800000xi32, #tpu.memory_space<vmem_shared>> -> memref<2000xi32, #tpu.memory_space<vmem_shared>>
      %dma_start3A_397 = tpu.memref_slice %arg15[%add3A_395] : memref<800000xi32, #tpu.memory_space<vmem_shared>> -> memref<2000xi32, #tpu.memory_space<vmem_shared>>
      tpu.enqueue_dma source(%arg20 : memref<2000xi32, #tpu.memory_space<vmem>>) target(%dma_start3A_397 : memref<2000xi32, #tpu.memory_space<vmem_shared>>) target_semaphore(%arg36 : memref<!tpu.dma_semaphore, #tpu.memory_space<semaphore_mem>>)
      %add3A_398 = arith.constant 2 : i32
      %add3A_399 = arith.addi %add3A_375, %add3A_398 : i32
      %lt3A_400 = arith.constant 25 : i32
      %lt3A_401 = arith.cmpi slt, %add3A_399, %lt3A_400 : i32
      %convert_element_type3A_402 = arith.extui %lt3A_401 : i1 to i32
      %cond3A_403 = arith.constant 0 : i32
      %cond3A_404 = arith.cmpi ne, %convert_element_type3A_402, %cond3A_403 : i32
      scf.if %cond3A_404 {
        %add3A_442 = arith.constant 2 : i32
        %add3A_443 = arith.addi %add3A_375, %add3A_442 : i32
        %mul3A_444 = arith.constant 50000 : i32
        %mul3A_445 = arith.muli %arg1, %mul3A_444 : i32
        %mul3A_446 = arith.constant 2000 : i32
        %mul3A_447 = arith.muli %add3A_443, %mul3A_446 : i32
        %add3A_448 = arith.addi %mul3A_445, %mul3A_447 : i32
        %dma_start3A_449 = tpu.memref_slice %arg2[%add3A_448] : memref<800000xf32, #tpu.memory_space<hbm>> -> memref<2000xf32, #tpu.memory_space<hbm>>
        %dma_start3A_450 = tpu.memref_slice %arg2[%add3A_448] : memref<800000xf32, #tpu.memory_space<hbm>> -> memref<2000xf32, #tpu.memory_space<hbm>>
        tpu.enqueue_dma source(%dma_start3A_450 : memref<2000xf32, #tpu.memory_space<hbm>>) target(%arg28 : memref<2000xf32, #tpu.memory_space<vmem>>) target_semaphore(%arg32 : memref<!tpu.dma_semaphore, #tpu.memory_space<semaphore_mem>>)
        %mul3A_451 = arith.constant 50000 : i32
        %mul3A_452 = arith.muli %arg1, %mul3A_451 : i32
        %mul3A_453 = arith.constant 2000 : i32
        %mul3A_454 = arith.muli %add3A_443, %mul3A_453 : i32
        %add3A_455 = arith.addi %mul3A_452, %mul3A_454 : i32
        %dma_start3A_456 = tpu.memref_slice %arg3[%add3A_455] : memref<800000xf32, #tpu.memory_space<hbm>> -> memref<2000xf32, #tpu.memory_space<hbm>>
        %dma_start3A_457 = tpu.memref_slice %arg3[%add3A_455] : memref<800000xf32, #tpu.memory_space<hbm>> -> memref<2000xf32, #tpu.memory_space<hbm>>
        tpu.enqueue_dma source(%dma_start3A_457 : memref<2000xf32, #tpu.memory_space<hbm>>) target(%arg30 : memref<2000xf32, #tpu.memory_space<vmem>>) target_semaphore(%arg32 : memref<!tpu.dma_semaphore, #tpu.memory_space<semaphore_mem>>)
        %mul3A_458 = arith.constant 50000 : i32
        %mul3A_459 = arith.muli %arg1, %mul3A_458 : i32
        %mul3A_460 = arith.constant 2000 : i32
        %mul3A_461 = arith.muli %add3A_443, %mul3A_460 : i32
        %add3A_462 = arith.addi %mul3A_459, %mul3A_461 : i32
        %dma_start3A_463 = tpu.memref_slice %arg4[%add3A_462] : memref<800000xi32, #tpu.memory_space<hbm>> -> memref<2000xi32, #tpu.memory_space<hbm>>
        %dma_start3A_464 = tpu.memref_slice %arg4[%add3A_462] : memref<800000xi32, #tpu.memory_space<hbm>> -> memref<2000xi32, #tpu.memory_space<hbm>>
        tpu.enqueue_dma source(%dma_start3A_464 : memref<2000xi32, #tpu.memory_space<hbm>>) target(%arg16 : memref<2000xi32, #tpu.memory_space<vmem>>) target_semaphore(%arg32 : memref<!tpu.dma_semaphore, #tpu.memory_space<semaphore_mem>>)
      } else {
      }
      %mul3A_405 = arith.constant 2 : i32
      %mul3A_406 = arith.muli %mul3A_405, %scan3A_371 : i32
      %add3A_407 = arith.constant 1 : i32
      %add3A_408 = arith.addi %mul3A_406, %add3A_407 : i32
      %add3A_409 = arith.constant 1 : i32
      %add3A_410 = arith.addi %add3A_408, %add3A_409 : i32
      %lt3A_411 = arith.constant 25 : i32
      %lt3A_412 = arith.cmpi slt, %add3A_410, %lt3A_411 : i32
      %convert_element_type3A_413 = arith.extui %lt3A_412 : i1 to i32
      %cond3A_414 = arith.constant 0 : i32
      %cond3A_415 = arith.cmpi ne, %convert_element_type3A_413, %cond3A_414 : i32
      scf.if %cond3A_415 {
        %add3A_442 = arith.constant 1 : i32
        %add3A_443 = arith.addi %add3A_408, %add3A_442 : i32
        %mul3A_444 = arith.constant 50000 : i32
        %mul3A_445 = arith.muli %arg1, %mul3A_444 : i32
        %mul3A_446 = arith.constant 2000 : i32
        %mul3A_447 = arith.muli %add3A_443, %mul3A_446 : i32
        %add3A_448 = arith.addi %mul3A_445, %mul3A_447 : i32
        %dma_wait3A_449 = tpu.memref_slice %arg2[%add3A_448] : memref<800000xf32, #tpu.memory_space<hbm>> -> memref<2000xf32, #tpu.memory_space<hbm>>
        %dma_wait3A_450 = tpu.memref_slice %arg2[%add3A_448] : memref<800000xf32, #tpu.memory_space<hbm>> -> memref<2000xf32, #tpu.memory_space<hbm>>
        tpu.wait_dma2 semaphore(%arg32 : memref<!tpu.dma_semaphore, #tpu.memory_space<semaphore_mem>>) src(%dma_wait3A_450 : memref<2000xf32, #tpu.memory_space<hbm>>) dst(%arg28 : memref<2000xf32, #tpu.memory_space<vmem>>)
        %mul3A_451 = arith.constant 50000 : i32
        %mul3A_452 = arith.muli %arg1, %mul3A_451 : i32
        %mul3A_453 = arith.constant 2000 : i32
        %mul3A_454 = arith.muli %add3A_443, %mul3A_453 : i32
        %add3A_455 = arith.addi %mul3A_452, %mul3A_454 : i32
        %dma_wait3A_456 = tpu.memref_slice %arg3[%add3A_455] : memref<800000xf32, #tpu.memory_space<hbm>> -> memref<2000xf32, #tpu.memory_space<hbm>>
        %dma_wait3A_457 = tpu.memref_slice %arg3[%add3A_455] : memref<800000xf32, #tpu.memory_space<hbm>> -> memref<2000xf32, #tpu.memory_space<hbm>>
        tpu.wait_dma2 semaphore(%arg32 : memref<!tpu.dma_semaphore, #tpu.memory_space<semaphore_mem>>) src(%dma_wait3A_457 : memref<2000xf32, #tpu.memory_space<hbm>>) dst(%arg30 : memref<2000xf32, #tpu.memory_space<vmem>>)
        %mul3A_458 = arith.constant 50000 : i32
        %mul3A_459 = arith.muli %arg1, %mul3A_458 : i32
        %mul3A_460 = arith.constant 2000 : i32
        %mul3A_461 = arith.muli %add3A_443, %mul3A_460 : i32
        %add3A_462 = arith.addi %mul3A_459, %mul3A_461 : i32
        %dma_wait3A_463 = tpu.memref_slice %arg4[%add3A_462] : memref<800000xi32, #tpu.memory_space<hbm>> -> memref<2000xi32, #tpu.memory_space<hbm>>
        %dma_wait3A_464 = tpu.memref_slice %arg4[%add3A_462] : memref<800000xi32, #tpu.memory_space<hbm>> -> memref<2000xi32, #tpu.memory_space<hbm>>
        tpu.wait_dma2 semaphore(%arg32 : memref<!tpu.dma_semaphore, #tpu.memory_space<semaphore_mem>>) src(%dma_wait3A_464 : memref<2000xi32, #tpu.memory_space<hbm>>) dst(%arg16 : memref<2000xi32, #tpu.memory_space<vmem>>)
        %add3A_465 = arith.constant 1 : i32
        %add3A_466 = arith.addi %add3A_408, %add3A_465 : i32
        %dma_start3A_467 = arith.constant 0 : i32
        %dma_start3A_468 = tpu.memref_slice %arg5[%dma_start3A_467] : memref<50000xi32, #tpu.memory_space<hbm>> -> memref<50000xi32, #tpu.memory_space<hbm>>
        tpu.enqueue_indirect_dma source(%dma_start3A_468 : memref<50000xi32, #tpu.memory_space<hbm>>) target(%arg18 : memref<2000xi32, #tpu.memory_space<vmem>>) offsets(%arg16 : memref<2000xi32, #tpu.memory_space<vmem>>) semaphore(%arg34 : memref<!tpu.dma_semaphore, #tpu.memory_space<semaphore_mem>>)
      } else {
      }
      %dma_wait3A_416 = arith.constant 0 : i32
      %dma_wait3A_417 = tpu.memref_slice %arg5[%dma_wait3A_416] : memref<50000xi32, #tpu.memory_space<hbm>> -> memref<50000xi32, #tpu.memory_space<hbm>>
      tpu.wait_indirect_dma semaphore(%arg35 : memref<!tpu.dma_semaphore, #tpu.memory_space<semaphore_mem>>) src(%dma_wait3A_417 : memref<50000xi32, #tpu.memory_space<hbm>>) dst(%arg19 : memref<2000xi32, #tpu.memory_space<vmem>>)
      %ge3A_418 = arith.constant 2 : i32
      %ge3A_419 = arith.cmpi sge, %add3A_408, %ge3A_418 : i32
      %convert_element_type3A_420 = arith.extui %ge3A_419 : i1 to i32
      %cond3A_421 = arith.constant 0 : i32
      %cond3A_422 = arith.cmpi ne, %convert_element_type3A_420, %cond3A_421 : i32
      scf.if %cond3A_422 {
        %sub3A = arith.constant 2 : i32
        %sub3A_442 = arith.subi %add3A_408, %sub3A : i32
        %mul3A_443 = arith.constant 50000 : i32
        %mul3A_444 = arith.muli %arg1, %mul3A_443 : i32
        %mul3A_445 = arith.constant 2000 : i32
        %mul3A_446 = arith.muli %sub3A_442, %mul3A_445 : i32
        %add3A_447 = arith.addi %mul3A_444, %mul3A_446 : i32
        %dma_wait3A_448 = tpu.memref_slice %arg15[%add3A_447] : memref<800000xi32, #tpu.memory_space<vmem_shared>> -> memref<2000xi32, #tpu.memory_space<vmem_shared>>
        %dma_wait3A_449 = tpu.memref_slice %arg15[%add3A_447] : memref<800000xi32, #tpu.memory_space<vmem_shared>> -> memref<2000xi32, #tpu.memory_space<vmem_shared>>
        tpu.wait_dma2 semaphore(%arg37 : memref<!tpu.dma_semaphore, #tpu.memory_space<semaphore_mem>>) src(%arg21 : memref<2000xi32, #tpu.memory_space<vmem>>) dst(%dma_wait3A_449 : memref<2000xi32, #tpu.memory_space<vmem_shared>>)
      } else {
      }
      %scan3A_423 = arith.constant 0 : i32
      %scan3A_424 = arith.constant 125 : i32
      %scan3A_425 = arith.addi %scan3A_423, %scan3A_424 : i32
      %scan3A_426 = arith.constant 1 : i32
      scf.for %scan3A_442 = %scan3A_423 to %scan3A_425 step %scan3A_426  : i32 {
        %mul3A_443 = arith.constant 16 : i32
        %mul3A_444 = arith.muli %scan3A_442, %mul3A_443 : i32
        %get3A = arith.index_cast %mul3A_444 : i32 to index
        %get3A_445 = tpu.vector_load %arg19[%get3A] {strides = array<i32>} : memref<2000xi32, #tpu.memory_space<vmem>>, vector<16xi32>,
        %ge3A_446 = arith.constant 6 : i32
        %ge3A_447 = vector.broadcast %ge3A_446 : i32 to vector<16xi32>
        %ge3A_448 = arith.cmpi sge, %get3A_445, %ge3A_447 : vector<16xi32>
        %jit3A = arith.constant 1 : i32
        %jit3A_449 = arith.constant 0 : i32
        %broadcast_in_dim3A = vector.broadcast %jit3A : i32 to vector<16xi32>
        %broadcast_in_dim3A_450 = vector.broadcast %jit3A_449 : i32 to vector<16xi32>
        %select_n3A = arith.select %ge3A_448, %broadcast_in_dim3A, %broadcast_in_dim3A_450 : vector<16xi1>, vector<16xi32>
        %ge3A_451 = arith.constant 7 : i32
        %ge3A_452 = vector.broadcast %ge3A_451 : i32 to vector<16xi32>
        %ge3A_453 = arith.cmpi sge, %get3A_445, %ge3A_452 : vector<16xi32>
        %jit3A_454 = arith.constant 1 : i32
        %jit3A_455 = arith.constant 0 : i32
        %broadcast_in_dim3A_456 = vector.broadcast %jit3A_454 : i32 to vector<16xi32>
        %broadcast_in_dim3A_457 = vector.broadcast %jit3A_455 : i32 to vector<16xi32>
        %select_n3A_458 = arith.select %ge3A_453, %broadcast_in_dim3A_456, %broadcast_in_dim3A_457 : vector<16xi1>, vector<16xi32>
        %add3A_459 = arith.addi %select_n3A, %select_n3A_458 : vector<16xi32>
        %ge3A_460 = arith.constant 8 : i32
        %ge3A_461 = vector.broadcast %ge3A_460 : i32 to vector<16xi32>
        %ge3A_462 = arith.cmpi sge, %get3A_445, %ge3A_461 : vector<16xi32>
        %jit3A_463 = arith.constant 1 : i32
        %jit3A_464 = arith.constant 0 : i32
        %broadcast_in_dim3A_465 = vector.broadcast %jit3A_463 : i32 to vector<16xi32>
        %broadcast_in_dim3A_466 = vector.broadcast %jit3A_464 : i32 to vector<16xi32>
        %select_n3A_467 = arith.select %ge3A_462, %broadcast_in_dim3A_465, %broadcast_in_dim3A_466 : vector<16xi1>, vector<16xi32>
        %add3A_468 = arith.addi %add3A_459, %select_n3A_467 : vector<16xi32>
        %get3A_469 = arith.index_cast %mul3A_444 : i32 to index
        %get3A_470 = tpu.vector_load %arg29[%get3A_469] {strides = array<i32>} : memref<2000xf32, #tpu.memory_space<vmem>>, vector<16xf32>,
        %mul3A_471 = arith.constant 1.41421354 : f32
        %mul3A_472 = vector.broadcast %mul3A_471 : f32 to vector<16xf32>
        %mul3A_473 = arith.mulf %get3A_470, %mul3A_472 : vector<16xf32>
        %mul3A_474 = arith.constant 1.310720e+04 : f32
        %mul3A_475 = vector.broadcast %mul3A_474 : f32 to vector<16xf32>
        %mul3A_476 = arith.mulf %mul3A_473, %mul3A_475 : vector<16xf32>
        %add3A_477 = arith.constant 5.000000e-01 : f32
        %add3A_478 = vector.broadcast %add3A_477 : f32 to vector<16xf32>
        %add3A_479 = arith.addf %mul3A_476, %add3A_478 : vector<16xf32>
        %convert_element_type3A_480 = arith.fptosi %add3A_479 : vector<16xf32> to vector<16xi32>
        %min3A = arith.constant 65535 : i32
        %min3A_481 = vector.broadcast %min3A : i32 to vector<16xi32>
        %min3A_482 = arith.minsi %convert_element_type3A_480, %min3A_481 : vector<16xi32>
        %get3A_483 = arith.index_cast %mul3A_444 : i32 to index
        %get3A_484 = tpu.vector_load %arg31[%get3A_483] {strides = array<i32>} : memref<2000xf32, #tpu.memory_space<vmem>>, vector<16xf32>,
        %mul3A_485 = arith.constant 1.638400e+04 : f32
        %mul3A_486 = vector.broadcast %mul3A_485 : f32 to vector<16xf32>
        %mul3A_487 = arith.mulf %get3A_484, %mul3A_486 : vector<16xf32>
        %add3A_488 = arith.constant 5.000000e-01 : f32
        %add3A_489 = vector.broadcast %add3A_488 : f32 to vector<16xf32>
        %add3A_490 = arith.addf %mul3A_487, %add3A_489 : vector<16xf32>
        %convert_element_type3A_491 = arith.fptosi %add3A_490 : vector<16xf32> to vector<16xi32>
        %min3A_492 = arith.constant 16383 : i32
        %min3A_493 = vector.broadcast %min3A_492 : i32 to vector<16xi32>
        %min3A_494 = arith.minsi %convert_element_type3A_491, %min3A_493 : vector<16xi32>
        %shift_left3A = arith.constant 16 : i32
        %shift_left3A_495 = vector.broadcast %shift_left3A : i32 to vector<16xi32>
        %shift_left3A_496 = arith.shli %min3A_482, %shift_left3A_495 : vector<16xi32>
        %shift_left3A_497 = arith.constant 2 : i32
        %shift_left3A_498 = vector.broadcast %shift_left3A_497 : i32 to vector<16xi32>
        %shift_left3A_499 = arith.shli %min3A_494, %shift_left3A_498 : vector<16xi32>
        %or3A = arith.ori %shift_left3A_496, %shift_left3A_499 : vector<16xi32>
        %or3A_500 = arith.ori %or3A, %add3A_468 : vector<16xi32>
        %swap3A = arith.index_cast %mul3A_444 : i32 to index
        %swap3A_501 = tpu.vector_load %arg21[%swap3A] {strides = array<i32>} : memref<2000xi32, #tpu.memory_space<vmem>>, vector<16xi32>,
        tpu.vector_store %arg21[%swap3A], %or3A_500 {strides = array<i32>} : memref<2000xi32, #tpu.memory_space<vmem>>, vector<16xi32>,
      }
      %scan3A_427 = arith.constant 125 : i32
      %mul3A_428 = arith.constant 50000 : i32
      %mul3A_429 = arith.muli %arg1, %mul3A_428 : i32
      %mul3A_430 = arith.constant 2000 : i32
      %mul3A_431 = arith.muli %add3A_408, %mul3A_430 : i32
      %add3A_432 = arith.addi %mul3A_429, %mul3A_431 : i32
      %dma_start3A_433 = tpu.memref_slice %arg15[%add3A_432] : memref<800000xi32, #tpu.memory_space<vmem_shared>> -> memref<2000xi32, #tpu.memory_space<vmem_shared>>
      %dma_start3A_434 = tpu.memref_slice %arg15[%add3A_432] : memref<800000xi32, #tpu.memory_space<vmem_shared>> -> memref<2000xi32, #tpu.memory_space<vmem_shared>>
      tpu.enqueue_dma source(%arg21 : memref<2000xi32, #tpu.memory_space<vmem>>) target(%dma_start3A_434 : memref<2000xi32, #tpu.memory_space<vmem_shared>>) target_semaphore(%arg37 : memref<!tpu.dma_semaphore, #tpu.memory_space<semaphore_mem>>)
      %add3A_435 = arith.constant 2 : i32
      %add3A_436 = arith.addi %add3A_408, %add3A_435 : i32
      %lt3A_437 = arith.constant 25 : i32
      %lt3A_438 = arith.cmpi slt, %add3A_436, %lt3A_437 : i32
      %convert_element_type3A_439 = arith.extui %lt3A_438 : i1 to i32
      %cond3A_440 = arith.constant 0 : i32
      %cond3A_441 = arith.cmpi ne, %convert_element_type3A_439, %cond3A_440 : i32
      scf.if %cond3A_441 {
        %add3A_442 = arith.constant 2 : i32
        %add3A_443 = arith.addi %add3A_408, %add3A_442 : i32
        %mul3A_444 = arith.constant 50000 : i32
        %mul3A_445 = arith.muli %arg1, %mul3A_444 : i32
        %mul3A_446 = arith.constant 2000 : i32
        %mul3A_447 = arith.muli %add3A_443, %mul3A_446 : i32
        %add3A_448 = arith.addi %mul3A_445, %mul3A_447 : i32
        %dma_start3A_449 = tpu.memref_slice %arg2[%add3A_448] : memref<800000xf32, #tpu.memory_space<hbm>> -> memref<2000xf32, #tpu.memory_space<hbm>>
        %dma_start3A_450 = tpu.memref_slice %arg2[%add3A_448] : memref<800000xf32, #tpu.memory_space<hbm>> -> memref<2000xf32, #tpu.memory_space<hbm>>
        tpu.enqueue_dma source(%dma_start3A_450 : memref<2000xf32, #tpu.memory_space<hbm>>) target(%arg29 : memref<2000xf32, #tpu.memory_space<vmem>>) target_semaphore(%arg33 : memref<!tpu.dma_semaphore, #tpu.memory_space<semaphore_mem>>)
        %mul3A_451 = arith.constant 50000 : i32
        %mul3A_452 = arith.muli %arg1, %mul3A_451 : i32
        %mul3A_453 = arith.constant 2000 : i32
        %mul3A_454 = arith.muli %add3A_443, %mul3A_453 : i32
        %add3A_455 = arith.addi %mul3A_452, %mul3A_454 : i32
        %dma_start3A_456 = tpu.memref_slice %arg3[%add3A_455] : memref<800000xf32, #tpu.memory_space<hbm>> -> memref<2000xf32, #tpu.memory_space<hbm>>
        %dma_start3A_457 = tpu.memref_slice %arg3[%add3A_455] : memref<800000xf32, #tpu.memory_space<hbm>> -> memref<2000xf32, #tpu.memory_space<hbm>>
        tpu.enqueue_dma source(%dma_start3A_457 : memref<2000xf32, #tpu.memory_space<hbm>>) target(%arg31 : memref<2000xf32, #tpu.memory_space<vmem>>) target_semaphore(%arg33 : memref<!tpu.dma_semaphore, #tpu.memory_space<semaphore_mem>>)
        %mul3A_458 = arith.constant 50000 : i32
        %mul3A_459 = arith.muli %arg1, %mul3A_458 : i32
        %mul3A_460 = arith.constant 2000 : i32
        %mul3A_461 = arith.muli %add3A_443, %mul3A_460 : i32
        %add3A_462 = arith.addi %mul3A_459, %mul3A_461 : i32
        %dma_start3A_463 = tpu.memref_slice %arg4[%add3A_462] : memref<800000xi32, #tpu.memory_space<hbm>> -> memref<2000xi32, #tpu.memory_space<hbm>>
        %dma_start3A_464 = tpu.memref_slice %arg4[%add3A_462] : memref<800000xi32, #tpu.memory_space<hbm>> -> memref<2000xi32, #tpu.memory_space<hbm>>
        tpu.enqueue_dma source(%dma_start3A_464 : memref<2000xi32, #tpu.memory_space<hbm>>) target(%arg17 : memref<2000xi32, #tpu.memory_space<vmem>>) target_semaphore(%arg33 : memref<!tpu.dma_semaphore, #tpu.memory_space<semaphore_mem>>)
      } else {
      }
    }
    %scan3A_132 = arith.constant 12 : i32
    %dma_wait3A_133 = arith.constant 0 : i32
    %dma_wait3A_134 = tpu.memref_slice %arg5[%dma_wait3A_133] : memref<50000xi32, #tpu.memory_space<hbm>> -> memref<50000xi32, #tpu.memory_space<hbm>>
    tpu.wait_indirect_dma semaphore(%arg34 : memref<!tpu.dma_semaphore, #tpu.memory_space<semaphore_mem>>) src(%dma_wait3A_134 : memref<50000xi32, #tpu.memory_space<hbm>>) dst(%arg18 : memref<2000xi32, #tpu.memory_space<vmem>>)
    %mul3A_135 = arith.constant 50000 : i32
    %mul3A_136 = arith.muli %arg1, %mul3A_135 : i32
    %add3A_137 = arith.constant 44000 : i32
    %add3A_138 = arith.addi %mul3A_136, %add3A_137 : i32
    %dma_wait3A_139 = tpu.memref_slice %arg15[%add3A_138] : memref<800000xi32, #tpu.memory_space<vmem_shared>> -> memref<2000xi32, #tpu.memory_space<vmem_shared>>
    %dma_wait3A_140 = tpu.memref_slice %arg15[%add3A_138] : memref<800000xi32, #tpu.memory_space<vmem_shared>> -> memref<2000xi32, #tpu.memory_space<vmem_shared>>
    tpu.wait_dma2 semaphore(%arg36 : memref<!tpu.dma_semaphore, #tpu.memory_space<semaphore_mem>>) src(%arg20 : memref<2000xi32, #tpu.memory_space<vmem>>) dst(%dma_wait3A_140 : memref<2000xi32, #tpu.memory_space<vmem_shared>>)
    %scan3A_141 = arith.constant 0 : i32
    %scan3A_142 = arith.constant 125 : i32
    %scan3A_143 = arith.addi %scan3A_141, %scan3A_142 : i32
    %scan3A_144 = arith.constant 1 : i32
    scf.for %scan3A_371 = %scan3A_141 to %scan3A_143 step %scan3A_144  : i32 {
      %mul3A_372 = arith.constant 16 : i32
      %mul3A_373 = arith.muli %scan3A_371, %mul3A_372 : i32
      %get3A = arith.index_cast %mul3A_373 : i32 to index
      %get3A_374 = tpu.vector_load %arg18[%get3A] {strides = array<i32>} : memref<2000xi32, #tpu.memory_space<vmem>>, vector<16xi32>,
      %ge3A = arith.constant 6 : i32
      %ge3A_375 = vector.broadcast %ge3A : i32 to vector<16xi32>
      %ge3A_376 = arith.cmpi sge, %get3A_374, %ge3A_375 : vector<16xi32>
      %jit3A = arith.constant 1 : i32
      %jit3A_377 = arith.constant 0 : i32
      %broadcast_in_dim3A = vector.broadcast %jit3A : i32 to vector<16xi32>
      %broadcast_in_dim3A_378 = vector.broadcast %jit3A_377 : i32 to vector<16xi32>
      %select_n3A = arith.select %ge3A_376, %broadcast_in_dim3A, %broadcast_in_dim3A_378 : vector<16xi1>, vector<16xi32>
      %ge3A_379 = arith.constant 7 : i32
      %ge3A_380 = vector.broadcast %ge3A_379 : i32 to vector<16xi32>
      %ge3A_381 = arith.cmpi sge, %get3A_374, %ge3A_380 : vector<16xi32>
      %jit3A_382 = arith.constant 1 : i32
      %jit3A_383 = arith.constant 0 : i32
      %broadcast_in_dim3A_384 = vector.broadcast %jit3A_382 : i32 to vector<16xi32>
      %broadcast_in_dim3A_385 = vector.broadcast %jit3A_383 : i32 to vector<16xi32>
      %select_n3A_386 = arith.select %ge3A_381, %broadcast_in_dim3A_384, %broadcast_in_dim3A_385 : vector<16xi1>, vector<16xi32>
      %add3A_387 = arith.addi %select_n3A, %select_n3A_386 : vector<16xi32>
      %ge3A_388 = arith.constant 8 : i32
      %ge3A_389 = vector.broadcast %ge3A_388 : i32 to vector<16xi32>
      %ge3A_390 = arith.cmpi sge, %get3A_374, %ge3A_389 : vector<16xi32>
      %jit3A_391 = arith.constant 1 : i32
      %jit3A_392 = arith.constant 0 : i32
      %broadcast_in_dim3A_393 = vector.broadcast %jit3A_391 : i32 to vector<16xi32>
      %broadcast_in_dim3A_394 = vector.broadcast %jit3A_392 : i32 to vector<16xi32>
      %select_n3A_395 = arith.select %ge3A_390, %broadcast_in_dim3A_393, %broadcast_in_dim3A_394 : vector<16xi1>, vector<16xi32>
      %add3A_396 = arith.addi %add3A_387, %select_n3A_395 : vector<16xi32>
      %get3A_397 = arith.index_cast %mul3A_373 : i32 to index
      %get3A_398 = tpu.vector_load %arg28[%get3A_397] {strides = array<i32>} : memref<2000xf32, #tpu.memory_space<vmem>>, vector<16xf32>,
      %mul3A_399 = arith.constant 1.41421354 : f32
      %mul3A_400 = vector.broadcast %mul3A_399 : f32 to vector<16xf32>
      %mul3A_401 = arith.mulf %get3A_398, %mul3A_400 : vector<16xf32>
      %mul3A_402 = arith.constant 1.310720e+04 : f32
      %mul3A_403 = vector.broadcast %mul3A_402 : f32 to vector<16xf32>
      %mul3A_404 = arith.mulf %mul3A_401, %mul3A_403 : vector<16xf32>
      %add3A_405 = arith.constant 5.000000e-01 : f32
      %add3A_406 = vector.broadcast %add3A_405 : f32 to vector<16xf32>
      %add3A_407 = arith.addf %mul3A_404, %add3A_406 : vector<16xf32>
      %convert_element_type3A = arith.fptosi %add3A_407 : vector<16xf32> to vector<16xi32>
      %min3A = arith.constant 65535 : i32
      %min3A_408 = vector.broadcast %min3A : i32 to vector<16xi32>
      %min3A_409 = arith.minsi %convert_element_type3A, %min3A_408 : vector<16xi32>
      %get3A_410 = arith.index_cast %mul3A_373 : i32 to index
      %get3A_411 = tpu.vector_load %arg30[%get3A_410] {strides = array<i32>} : memref<2000xf32, #tpu.memory_space<vmem>>, vector<16xf32>,
      %mul3A_412 = arith.constant 1.638400e+04 : f32
      %mul3A_413 = vector.broadcast %mul3A_412 : f32 to vector<16xf32>
      %mul3A_414 = arith.mulf %get3A_411, %mul3A_413 : vector<16xf32>
      %add3A_415 = arith.constant 5.000000e-01 : f32
      %add3A_416 = vector.broadcast %add3A_415 : f32 to vector<16xf32>
      %add3A_417 = arith.addf %mul3A_414, %add3A_416 : vector<16xf32>
      %convert_element_type3A_418 = arith.fptosi %add3A_417 : vector<16xf32> to vector<16xi32>
      %min3A_419 = arith.constant 16383 : i32
      %min3A_420 = vector.broadcast %min3A_419 : i32 to vector<16xi32>
      %min3A_421 = arith.minsi %convert_element_type3A_418, %min3A_420 : vector<16xi32>
      %shift_left3A = arith.constant 16 : i32
      %shift_left3A_422 = vector.broadcast %shift_left3A : i32 to vector<16xi32>
      %shift_left3A_423 = arith.shli %min3A_409, %shift_left3A_422 : vector<16xi32>
      %shift_left3A_424 = arith.constant 2 : i32
      %shift_left3A_425 = vector.broadcast %shift_left3A_424 : i32 to vector<16xi32>
      %shift_left3A_426 = arith.shli %min3A_421, %shift_left3A_425 : vector<16xi32>
      %or3A = arith.ori %shift_left3A_423, %shift_left3A_426 : vector<16xi32>
      %or3A_427 = arith.ori %or3A, %add3A_396 : vector<16xi32>
      %swap3A = arith.index_cast %mul3A_373 : i32 to index
      %swap3A_428 = tpu.vector_load %arg20[%swap3A] {strides = array<i32>} : memref<2000xi32, #tpu.memory_space<vmem>>, vector<16xi32>,
      tpu.vector_store %arg20[%swap3A], %or3A_427 {strides = array<i32>} : memref<2000xi32, #tpu.memory_space<vmem>>, vector<16xi32>,
    }
    %scan3A_145 = arith.constant 125 : i32
    %mul3A_146 = arith.constant 50000 : i32
    %mul3A_147 = arith.muli %arg1, %mul3A_146 : i32
    %add3A_148 = arith.constant 48000 : i32
    %add3A_149 = arith.addi %mul3A_147, %add3A_148 : i32
    %dma_start3A_150 = tpu.memref_slice %arg15[%add3A_149] : memref<800000xi32, #tpu.memory_space<vmem_shared>> -> memref<2000xi32, #tpu.memory_space<vmem_shared>>
    %dma_start3A_151 = tpu.memref_slice %arg15[%add3A_149] : memref<800000xi32, #tpu.memory_space<vmem_shared>> -> memref<2000xi32, #tpu.memory_space<vmem_shared>>
    tpu.enqueue_dma source(%arg20 : memref<2000xi32, #tpu.memory_space<vmem>>) target(%dma_start3A_151 : memref<2000xi32, #tpu.memory_space<vmem_shared>>) target_semaphore(%arg36 : memref<!tpu.dma_semaphore, #tpu.memory_space<semaphore_mem>>)
    %mul3A_152 = arith.constant 50000 : i32
    %mul3A_153 = arith.muli %arg1, %mul3A_152 : i32
    %add3A_154 = arith.constant 46000 : i32
    %add3A_155 = arith.addi %mul3A_153, %add3A_154 : i32
    %dma_wait3A_156 = tpu.memref_slice %arg15[%add3A_155] : memref<800000xi32, #tpu.memory_space<vmem_shared>> -> memref<2000xi32, #tpu.memory_space<vmem_shared>>
    %dma_wait3A_157 = tpu.memref_slice %arg15[%add3A_155] : memref<800000xi32, #tpu.memory_space<vmem_shared>> -> memref<2000xi32, #tpu.memory_space<vmem_shared>>
    tpu.wait_dma2 semaphore(%arg37 : memref<!tpu.dma_semaphore, #tpu.memory_space<semaphore_mem>>) src(%arg21 : memref<2000xi32, #tpu.memory_space<vmem>>) dst(%dma_wait3A_157 : memref<2000xi32, #tpu.memory_space<vmem_shared>>)
    %mul3A_158 = arith.constant 50000 : i32
    %mul3A_159 = arith.muli %arg1, %mul3A_158 : i32
    %add3A_160 = arith.constant 48000 : i32
    %add3A_161 = arith.addi %mul3A_159, %add3A_160 : i32
    %dma_wait3A_162 = tpu.memref_slice %arg15[%add3A_161] : memref<800000xi32, #tpu.memory_space<vmem_shared>> -> memref<2000xi32, #tpu.memory_space<vmem_shared>>
    %dma_wait3A_163 = tpu.memref_slice %arg15[%add3A_161] : memref<800000xi32, #tpu.memory_space<vmem_shared>> -> memref<2000xi32, #tpu.memory_space<vmem_shared>>
    tpu.wait_dma2 semaphore(%arg36 : memref<!tpu.dma_semaphore, #tpu.memory_space<semaphore_mem>>) src(%arg20 : memref<2000xi32, #tpu.memory_space<vmem>>) dst(%dma_wait3A_163 : memref<2000xi32, #tpu.memory_space<vmem_shared>>)
    %barrier3A = arith.constant 0 : index
    tpu.barrier barrier_id(%barrier3A)
    %mul3A_164 = arith.constant 800000 : i32
    %mul3A_165 = arith.muli %arg0, %mul3A_164 : i32
    %mul3A_166 = arith.constant 50000 : i32
    %mul3A_167 = arith.muli %arg1, %mul3A_166 : i32
    %add3A_168 = arith.addi %mul3A_165, %mul3A_167 : i32
    %add3A_169 = arith.constant 0 : i32
    %add3A_170 = arith.addi %add3A_168, %add3A_169 : i32
    %dma_start3A_171 = tpu.memref_slice %arg7[%add3A_170] : memref<1600000xi32, #tpu.memory_space<hbm>> -> memref<2000xi32, #tpu.memory_space<hbm>>
    %dma_start3A_172 = tpu.memref_slice %arg7[%add3A_170] : memref<1600000xi32, #tpu.memory_space<hbm>> -> memref<2000xi32, #tpu.memory_space<hbm>>
    tpu.enqueue_dma source(%dma_start3A_172 : memref<2000xi32, #tpu.memory_space<hbm>>) target(%arg16 : memref<2000xi32, #tpu.memory_space<vmem>>) target_semaphore(%arg32 : memref<!tpu.dma_semaphore, #tpu.memory_space<semaphore_mem>>)
    %mul3A_173 = arith.constant 800000 : i32
    %mul3A_174 = arith.muli %arg0, %mul3A_173 : i32
    %mul3A_175 = arith.constant 50000 : i32
    %mul3A_176 = arith.muli %arg1, %mul3A_175 : i32
    %add3A_177 = arith.addi %mul3A_174, %mul3A_176 : i32
    %add3A_178 = arith.constant 0 : i32
    %add3A_179 = arith.addi %add3A_177, %add3A_178 : i32
    %dma_start3A_180 = tpu.memref_slice %arg8[%add3A_179] : memref<1600000xi32, #tpu.memory_space<hbm>> -> memref<2000xi32, #tpu.memory_space<hbm>>
    %dma_start3A_181 = tpu.memref_slice %arg8[%add3A_179] : memref<1600000xi32, #tpu.memory_space<hbm>> -> memref<2000xi32, #tpu.memory_space<hbm>>
    tpu.enqueue_dma source(%dma_start3A_181 : memref<2000xi32, #tpu.memory_space<hbm>>) target(%arg18 : memref<2000xi32, #tpu.memory_space<vmem>>) target_semaphore(%arg32 : memref<!tpu.dma_semaphore, #tpu.memory_space<semaphore_mem>>)
    %mul3A_182 = arith.constant 800000 : i32
    %mul3A_183 = arith.muli %arg0, %mul3A_182 : i32
    %mul3A_184 = arith.constant 50000 : i32
    %mul3A_185 = arith.muli %arg1, %mul3A_184 : i32
    %add3A_186 = arith.addi %mul3A_183, %mul3A_185 : i32
    %add3A_187 = arith.constant 0 : i32
    %add3A_188 = arith.addi %add3A_186, %add3A_187 : i32
    %dma_start3A_189 = tpu.memref_slice %arg6[%add3A_188] : memref<1600000xi32, #tpu.memory_space<hbm>> -> memref<2000xi32, #tpu.memory_space<hbm>>
    %dma_start3A_190 = tpu.memref_slice %arg6[%add3A_188] : memref<1600000xi32, #tpu.memory_space<hbm>> -> memref<2000xi32, #tpu.memory_space<hbm>>
    tpu.enqueue_dma source(%dma_start3A_190 : memref<2000xi32, #tpu.memory_space<hbm>>) target(%arg20 : memref<2000xi32, #tpu.memory_space<vmem>>) target_semaphore(%arg32 : memref<!tpu.dma_semaphore, #tpu.memory_space<semaphore_mem>>)
    %mul3A_191 = arith.constant 800000 : i32
    %mul3A_192 = arith.muli %arg0, %mul3A_191 : i32
    %mul3A_193 = arith.constant 50000 : i32
    %mul3A_194 = arith.muli %arg1, %mul3A_193 : i32
    %add3A_195 = arith.addi %mul3A_192, %mul3A_194 : i32
    %add3A_196 = arith.constant 0 : i32
    %add3A_197 = arith.addi %add3A_195, %add3A_196 : i32
    %dma_wait3A_198 = tpu.memref_slice %arg7[%add3A_197] : memref<1600000xi32, #tpu.memory_space<hbm>> -> memref<2000xi32, #tpu.memory_space<hbm>>
    %dma_wait3A_199 = tpu.memref_slice %arg7[%add3A_197] : memref<1600000xi32, #tpu.memory_space<hbm>> -> memref<2000xi32, #tpu.memory_space<hbm>>
    tpu.wait_dma2 semaphore(%arg32 : memref<!tpu.dma_semaphore, #tpu.memory_space<semaphore_mem>>) src(%dma_wait3A_199 : memref<2000xi32, #tpu.memory_space<hbm>>) dst(%arg16 : memref<2000xi32, #tpu.memory_space<vmem>>)
    %mul3A_200 = arith.constant 800000 : i32
    %mul3A_201 = arith.muli %arg0, %mul3A_200 : i32
    %mul3A_202 = arith.constant 50000 : i32
    %mul3A_203 = arith.muli %arg1, %mul3A_202 : i32
    %add3A_204 = arith.addi %mul3A_201, %mul3A_203 : i32
    %add3A_205 = arith.constant 0 : i32
    %add3A_206 = arith.addi %add3A_204, %add3A_205 : i32
    %dma_wait3A_207 = tpu.memref_slice %arg8[%add3A_206] : memref<1600000xi32, #tpu.memory_space<hbm>> -> memref<2000xi32, #tpu.memory_space<hbm>>
    %dma_wait3A_208 = tpu.memref_slice %arg8[%add3A_206] : memref<1600000xi32, #tpu.memory_space<hbm>> -> memref<2000xi32, #tpu.memory_space<hbm>>
    tpu.wait_dma2 semaphore(%arg32 : memref<!tpu.dma_semaphore, #tpu.memory_space<semaphore_mem>>) src(%dma_wait3A_208 : memref<2000xi32, #tpu.memory_space<hbm>>) dst(%arg18 : memref<2000xi32, #tpu.memory_space<vmem>>)
    %mul3A_209 = arith.constant 800000 : i32
    %mul3A_210 = arith.muli %arg0, %mul3A_209 : i32
    %mul3A_211 = arith.constant 50000 : i32
    %mul3A_212 = arith.muli %arg1, %mul3A_211 : i32
    %add3A_213 = arith.addi %mul3A_210, %mul3A_212 : i32
    %add3A_214 = arith.constant 0 : i32
    %add3A_215 = arith.addi %add3A_213, %add3A_214 : i32
    %dma_wait3A_216 = tpu.memref_slice %arg6[%add3A_215] : memref<1600000xi32, #tpu.memory_space<hbm>> -> memref<2000xi32, #tpu.memory_space<hbm>>
    %dma_wait3A_217 = tpu.memref_slice %arg6[%add3A_215] : memref<1600000xi32, #tpu.memory_space<hbm>> -> memref<2000xi32, #tpu.memory_space<hbm>>
    tpu.wait_dma2 semaphore(%arg32 : memref<!tpu.dma_semaphore, #tpu.memory_space<semaphore_mem>>) src(%dma_wait3A_217 : memref<2000xi32, #tpu.memory_space<hbm>>) dst(%arg20 : memref<2000xi32, #tpu.memory_space<vmem>>)
    %dma_start3A_218 = arith.constant 0 : i32
    %dma_start3A_219 = tpu.memref_slice %arg15[%dma_start3A_218] : memref<800000xi32, #tpu.memory_space<vmem_shared>> -> memref<800000xi32, #tpu.memory_space<vmem_shared>>
    tpu.enqueue_indirect_dma source(%dma_start3A_219 : memref<800000xi32, #tpu.memory_space<vmem_shared>>) target(%arg22 : memref<2000xi32, #tpu.memory_space<vmem>>) offsets(%arg16 : memref<2000xi32, #tpu.memory_space<vmem>>) semaphore(%arg34 : memref<!tpu.dma_semaphore, #tpu.memory_space<semaphore_mem>>)
    %dma_start3A_220 = arith.constant 0 : i32
    %dma_start3A_221 = tpu.memref_slice %arg15[%dma_start3A_220] : memref<800000xi32, #tpu.memory_space<vmem_shared>> -> memref<800000xi32, #tpu.memory_space<vmem_shared>>
    tpu.enqueue_indirect_dma source(%dma_start3A_221 : memref<800000xi32, #tpu.memory_space<vmem_shared>>) target(%arg24 : memref<2000xi32, #tpu.memory_space<vmem>>) offsets(%arg18 : memref<2000xi32, #tpu.memory_space<vmem>>) semaphore(%arg34 : memref<!tpu.dma_semaphore, #tpu.memory_space<semaphore_mem>>)
    %mul3A_222 = arith.constant 800000 : i32
    %mul3A_223 = arith.muli %arg0, %mul3A_222 : i32
    %mul3A_224 = arith.constant 50000 : i32
    %mul3A_225 = arith.muli %arg1, %mul3A_224 : i32
    %add3A_226 = arith.addi %mul3A_223, %mul3A_225 : i32
    %add3A_227 = arith.constant 2000 : i32
    %add3A_228 = arith.addi %add3A_226, %add3A_227 : i32
    %dma_start3A_229 = tpu.memref_slice %arg7[%add3A_228] : memref<1600000xi32, #tpu.memory_space<hbm>> -> memref<2000xi32, #tpu.memory_space<hbm>>
    %dma_start3A_230 = tpu.memref_slice %arg7[%add3A_228] : memref<1600000xi32, #tpu.memory_space<hbm>> -> memref<2000xi32, #tpu.memory_space<hbm>>
    tpu.enqueue_dma source(%dma_start3A_230 : memref<2000xi32, #tpu.memory_space<hbm>>) target(%arg17 : memref<2000xi32, #tpu.memory_space<vmem>>) target_semaphore(%arg33 : memref<!tpu.dma_semaphore, #tpu.memory_space<semaphore_mem>>)
    %mul3A_231 = arith.constant 800000 : i32
    %mul3A_232 = arith.muli %arg0, %mul3A_231 : i32
    %mul3A_233 = arith.constant 50000 : i32
    %mul3A_234 = arith.muli %arg1, %mul3A_233 : i32
    %add3A_235 = arith.addi %mul3A_232, %mul3A_234 : i32
    %add3A_236 = arith.constant 2000 : i32
    %add3A_237 = arith.addi %add3A_235, %add3A_236 : i32
    %dma_start3A_238 = tpu.memref_slice %arg8[%add3A_237] : memref<1600000xi32, #tpu.memory_space<hbm>> -> memref<2000xi32, #tpu.memory_space<hbm>>
    %dma_start3A_239 = tpu.memref_slice %arg8[%add3A_237] : memref<1600000xi32, #tpu.memory_space<hbm>> -> memref<2000xi32, #tpu.memory_space<hbm>>
    tpu.enqueue_dma source(%dma_start3A_239 : memref<2000xi32, #tpu.memory_space<hbm>>) target(%arg19 : memref<2000xi32, #tpu.memory_space<vmem>>) target_semaphore(%arg33 : memref<!tpu.dma_semaphore, #tpu.memory_space<semaphore_mem>>)
    %mul3A_240 = arith.constant 800000 : i32
    %mul3A_241 = arith.muli %arg0, %mul3A_240 : i32
    %mul3A_242 = arith.constant 50000 : i32
    %mul3A_243 = arith.muli %arg1, %mul3A_242 : i32
    %add3A_244 = arith.addi %mul3A_241, %mul3A_243 : i32
    %add3A_245 = arith.constant 2000 : i32
    %add3A_246 = arith.addi %add3A_244, %add3A_245 : i32
    %dma_start3A_247 = tpu.memref_slice %arg6[%add3A_246] : memref<1600000xi32, #tpu.memory_space<hbm>> -> memref<2000xi32, #tpu.memory_space<hbm>>
    %dma_start3A_248 = tpu.memref_slice %arg6[%add3A_246] : memref<1600000xi32, #tpu.memory_space<hbm>> -> memref<2000xi32, #tpu.memory_space<hbm>>
    tpu.enqueue_dma source(%dma_start3A_248 : memref<2000xi32, #tpu.memory_space<hbm>>) target(%arg21 : memref<2000xi32, #tpu.memory_space<vmem>>) target_semaphore(%arg33 : memref<!tpu.dma_semaphore, #tpu.memory_space<semaphore_mem>>)
    %scan3A_249 = arith.constant 0 : i32
    %scan3A_250 = arith.constant 12 : i32
    %scan3A_251 = arith.addi %scan3A_249, %scan3A_250 : i32
    %scan3A_252 = arith.constant 1 : i32
    scf.for %scan3A_371 = %scan3A_249 to %scan3A_251 step %scan3A_252  : i32 {
      %mul3A_372 = arith.constant 2 : i32
      %mul3A_373 = arith.muli %mul3A_372, %scan3A_371 : i32
      %add3A_374 = arith.constant 0 : i32
      %add3A_375 = arith.addi %mul3A_373, %add3A_374 : i32
      %add3A_376 = arith.constant 1 : i32
      %add3A_377 = arith.addi %add3A_375, %add3A_376 : i32
      %lt3A = arith.constant 25 : i32
      %lt3A_378 = arith.cmpi slt, %add3A_377, %lt3A : i32
      %convert_element_type3A = arith.extui %lt3A_378 : i1 to i32
      %cond3A = arith.constant 0 : i32
      %cond3A_379 = arith.cmpi ne, %convert_element_type3A, %cond3A : i32
      scf.if %cond3A_379 {
        %add3A_492 = arith.constant 1 : i32
        %add3A_493 = arith.addi %add3A_375, %add3A_492 : i32
        %mul3A_494 = arith.constant 800000 : i32
        %mul3A_495 = arith.muli %arg0, %mul3A_494 : i32
        %mul3A_496 = arith.constant 50000 : i32
        %mul3A_497 = arith.muli %arg1, %mul3A_496 : i32
        %add3A_498 = arith.addi %mul3A_495, %mul3A_497 : i32
        %mul3A_499 = arith.constant 2000 : i32
        %mul3A_500 = arith.muli %add3A_493, %mul3A_499 : i32
        %add3A_501 = arith.addi %add3A_498, %mul3A_500 : i32
        %dma_wait3A_502 = tpu.memref_slice %arg7[%add3A_501] : memref<1600000xi32, #tpu.memory_space<hbm>> -> memref<2000xi32, #tpu.memory_space<hbm>>
        %dma_wait3A_503 = tpu.memref_slice %arg7[%add3A_501] : memref<1600000xi32, #tpu.memory_space<hbm>> -> memref<2000xi32, #tpu.memory_space<hbm>>
        tpu.wait_dma2 semaphore(%arg33 : memref<!tpu.dma_semaphore, #tpu.memory_space<semaphore_mem>>) src(%dma_wait3A_503 : memref<2000xi32, #tpu.memory_space<hbm>>) dst(%arg17 : memref<2000xi32, #tpu.memory_space<vmem>>)
        %mul3A_504 = arith.constant 800000 : i32
        %mul3A_505 = arith.muli %arg0, %mul3A_504 : i32
        %mul3A_506 = arith.constant 50000 : i32
        %mul3A_507 = arith.muli %arg1, %mul3A_506 : i32
        %add3A_508 = arith.addi %mul3A_505, %mul3A_507 : i32
        %mul3A_509 = arith.constant 2000 : i32
        %mul3A_510 = arith.muli %add3A_493, %mul3A_509 : i32
        %add3A_511 = arith.addi %add3A_508, %mul3A_510 : i32
        %dma_wait3A_512 = tpu.memref_slice %arg8[%add3A_511] : memref<1600000xi32, #tpu.memory_space<hbm>> -> memref<2000xi32, #tpu.memory_space<hbm>>
        %dma_wait3A_513 = tpu.memref_slice %arg8[%add3A_511] : memref<1600000xi32, #tpu.memory_space<hbm>> -> memref<2000xi32, #tpu.memory_space<hbm>>
        tpu.wait_dma2 semaphore(%arg33 : memref<!tpu.dma_semaphore, #tpu.memory_space<semaphore_mem>>) src(%dma_wait3A_513 : memref<2000xi32, #tpu.memory_space<hbm>>) dst(%arg19 : memref<2000xi32, #tpu.memory_space<vmem>>)
        %mul3A_514 = arith.constant 800000 : i32
        %mul3A_515 = arith.muli %arg0, %mul3A_514 : i32
        %mul3A_516 = arith.constant 50000 : i32
        %mul3A_517 = arith.muli %arg1, %mul3A_516 : i32
        %add3A_518 = arith.addi %mul3A_515, %mul3A_517 : i32
        %mul3A_519 = arith.constant 2000 : i32
        %mul3A_520 = arith.muli %add3A_493, %mul3A_519 : i32
        %add3A_521 = arith.addi %add3A_518, %mul3A_520 : i32
        %dma_wait3A_522 = tpu.memref_slice %arg6[%add3A_521] : memref<1600000xi32, #tpu.memory_space<hbm>> -> memref<2000xi32, #tpu.memory_space<hbm>>
        %dma_wait3A_523 = tpu.memref_slice %arg6[%add3A_521] : memref<1600000xi32, #tpu.memory_space<hbm>> -> memref<2000xi32, #tpu.memory_space<hbm>>
        tpu.wait_dma2 semaphore(%arg33 : memref<!tpu.dma_semaphore, #tpu.memory_space<semaphore_mem>>) src(%dma_wait3A_523 : memref<2000xi32, #tpu.memory_space<hbm>>) dst(%arg21 : memref<2000xi32, #tpu.memory_space<vmem>>)
        %add3A_524 = arith.constant 1 : i32
        %add3A_525 = arith.addi %add3A_375, %add3A_524 : i32
        %dma_start3A_526 = arith.constant 0 : i32
        %dma_start3A_527 = tpu.memref_slice %arg15[%dma_start3A_526] : memref<800000xi32, #tpu.memory_space<vmem_shared>> -> memref<800000xi32, #tpu.memory_space<vmem_shared>>
        tpu.enqueue_indirect_dma source(%dma_start3A_527 : memref<800000xi32, #tpu.memory_space<vmem_shared>>) target(%arg23 : memref<2000xi32, #tpu.memory_space<vmem>>) offsets(%arg17 : memref<2000xi32, #tpu.memory_space<vmem>>) semaphore(%arg35 : memref<!tpu.dma_semaphore, #tpu.memory_space<semaphore_mem>>)
        %dma_start3A_528 = arith.constant 0 : i32
        %dma_start3A_529 = tpu.memref_slice %arg15[%dma_start3A_528] : memref<800000xi32, #tpu.memory_space<vmem_shared>> -> memref<800000xi32, #tpu.memory_space<vmem_shared>>
        tpu.enqueue_indirect_dma source(%dma_start3A_529 : memref<800000xi32, #tpu.memory_space<vmem_shared>>) target(%arg25 : memref<2000xi32, #tpu.memory_space<vmem>>) offsets(%arg19 : memref<2000xi32, #tpu.memory_space<vmem>>) semaphore(%arg35 : memref<!tpu.dma_semaphore, #tpu.memory_space<semaphore_mem>>)
      } else {
      }
      %dma_wait3A_380 = arith.constant 0 : i32
      %dma_wait3A_381 = tpu.memref_slice %arg15[%dma_wait3A_380] : memref<800000xi32, #tpu.memory_space<vmem_shared>> -> memref<800000xi32, #tpu.memory_space<vmem_shared>>
      tpu.wait_indirect_dma semaphore(%arg34 : memref<!tpu.dma_semaphore, #tpu.memory_space<semaphore_mem>>) src(%dma_wait3A_381 : memref<800000xi32, #tpu.memory_space<vmem_shared>>) dst(%arg22 : memref<2000xi32, #tpu.memory_space<vmem>>)
      %dma_wait3A_382 = arith.constant 0 : i32
      %dma_wait3A_383 = tpu.memref_slice %arg15[%dma_wait3A_382] : memref<800000xi32, #tpu.memory_space<vmem_shared>> -> memref<800000xi32, #tpu.memory_space<vmem_shared>>
      tpu.wait_indirect_dma semaphore(%arg34 : memref<!tpu.dma_semaphore, #tpu.memory_space<semaphore_mem>>) src(%dma_wait3A_383 : memref<800000xi32, #tpu.memory_space<vmem_shared>>) dst(%arg24 : memref<2000xi32, #tpu.memory_space<vmem>>)
      %ge3A = arith.constant 2 : i32
      %ge3A_384 = arith.cmpi sge, %add3A_375, %ge3A : i32
      %convert_element_type3A_385 = arith.extui %ge3A_384 : i1 to i32
      %cond3A_386 = arith.constant 0 : i32
      %cond3A_387 = arith.cmpi ne, %convert_element_type3A_385, %cond3A_386 : i32
      scf.if %cond3A_387 {
        %sub3A = arith.constant 2 : i32
        %sub3A_492 = arith.subi %add3A_375, %sub3A : i32
        %mul3A_493 = arith.constant 800000 : i32
        %mul3A_494 = arith.muli %arg0, %mul3A_493 : i32
        %mul3A_495 = arith.constant 50000 : i32
        %mul3A_496 = arith.muli %arg1, %mul3A_495 : i32
        %add3A_497 = arith.addi %mul3A_494, %mul3A_496 : i32
        %mul3A_498 = arith.constant 2000 : i32
        %mul3A_499 = arith.muli %sub3A_492, %mul3A_498 : i32
        %add3A_500 = arith.addi %add3A_497, %mul3A_499 : i32
        %dma_wait3A_501 = tpu.memref_slice %arg11[%add3A_500] : memref<1600000xf32, #tpu.memory_space<hbm>> -> memref<2000xf32, #tpu.memory_space<hbm>>
        %dma_wait3A_502 = tpu.memref_slice %arg11[%add3A_500] : memref<1600000xf32, #tpu.memory_space<hbm>> -> memref<2000xf32, #tpu.memory_space<hbm>>
        tpu.wait_dma2 semaphore(%arg36 : memref<!tpu.dma_semaphore, #tpu.memory_space<semaphore_mem>>) src(%arg28 : memref<2000xf32, #tpu.memory_space<vmem>>) dst(%dma_wait3A_502 : memref<2000xf32, #tpu.memory_space<hbm>>)
        %mul3A_503 = arith.constant 800000 : i32
        %mul3A_504 = arith.muli %arg0, %mul3A_503 : i32
        %mul3A_505 = arith.constant 50000 : i32
        %mul3A_506 = arith.muli %arg1, %mul3A_505 : i32
        %add3A_507 = arith.addi %mul3A_504, %mul3A_506 : i32
        %mul3A_508 = arith.constant 2000 : i32
        %mul3A_509 = arith.muli %sub3A_492, %mul3A_508 : i32
        %add3A_510 = arith.addi %add3A_507, %mul3A_509 : i32
        %dma_wait3A_511 = tpu.memref_slice %arg12[%add3A_510] : memref<1600000xf32, #tpu.memory_space<hbm>> -> memref<2000xf32, #tpu.memory_space<hbm>>
        %dma_wait3A_512 = tpu.memref_slice %arg12[%add3A_510] : memref<1600000xf32, #tpu.memory_space<hbm>> -> memref<2000xf32, #tpu.memory_space<hbm>>
        tpu.wait_dma2 semaphore(%arg36 : memref<!tpu.dma_semaphore, #tpu.memory_space<semaphore_mem>>) src(%arg30 : memref<2000xf32, #tpu.memory_space<vmem>>) dst(%dma_wait3A_512 : memref<2000xf32, #tpu.memory_space<hbm>>)
        %mul3A_513 = arith.constant 800000 : i32
        %mul3A_514 = arith.muli %arg0, %mul3A_513 : i32
        %mul3A_515 = arith.constant 50000 : i32
        %mul3A_516 = arith.muli %arg1, %mul3A_515 : i32
        %add3A_517 = arith.addi %mul3A_514, %mul3A_516 : i32
        %mul3A_518 = arith.constant 2000 : i32
        %mul3A_519 = arith.muli %sub3A_492, %mul3A_518 : i32
        %add3A_520 = arith.addi %add3A_517, %mul3A_519 : i32
        %dma_wait3A_521 = tpu.memref_slice %arg13[%add3A_520] : memref<1600000xi32, #tpu.memory_space<hbm>> -> memref<2000xi32, #tpu.memory_space<hbm>>
        %dma_wait3A_522 = tpu.memref_slice %arg13[%add3A_520] : memref<1600000xi32, #tpu.memory_space<hbm>> -> memref<2000xi32, #tpu.memory_space<hbm>>
        tpu.wait_dma2 semaphore(%arg36 : memref<!tpu.dma_semaphore, #tpu.memory_space<semaphore_mem>>) src(%arg26 : memref<2000xi32, #tpu.memory_space<vmem>>) dst(%dma_wait3A_522 : memref<2000xi32, #tpu.memory_space<hbm>>)
      } else {
      }
      %scan3A_388 = arith.constant 0 : i32
      %scan3A_389 = arith.constant 125 : i32
      %scan3A_390 = arith.addi %scan3A_388, %scan3A_389 : i32
      %scan3A_391 = arith.constant 1 : i32
      scf.for %scan3A_492 = %scan3A_388 to %scan3A_390 step %scan3A_391  : i32 {
        %mul3A_493 = arith.constant 16 : i32
        %mul3A_494 = arith.muli %scan3A_492, %mul3A_493 : i32
        %get3A = arith.index_cast %mul3A_494 : i32 to index
        %get3A_495 = tpu.vector_load %arg22[%get3A] {strides = array<i32>} : memref<2000xi32, #tpu.memory_space<vmem>>, vector<16xi32>,
        %get3A_496 = arith.index_cast %mul3A_494 : i32 to index
        %get3A_497 = tpu.vector_load %arg24[%get3A_496] {strides = array<i32>} : memref<2000xi32, #tpu.memory_space<vmem>>, vector<16xi32>,
        %shift_right_logical3A = arith.constant 16 : i32
        %shift_right_logical3A_498 = vector.broadcast %shift_right_logical3A : i32 to vector<16xi32>
        %shift_right_logical3A_499 = arith.shrui %get3A_495, %shift_right_logical3A_498 : vector<16xi32>
        %convert_element_type3A_500 = arith.sitofp %shift_right_logical3A_499 : vector<16xi32> to vector<16xf32>
        %shift_right_logical3A_501 = arith.constant 16 : i32
        %shift_right_logical3A_502 = vector.broadcast %shift_right_logical3A_501 : i32 to vector<16xi32>
        %shift_right_logical3A_503 = arith.shrui %get3A_497, %shift_right_logical3A_502 : vector<16xi32>
        %convert_element_type3A_504 = arith.sitofp %shift_right_logical3A_503 : vector<16xi32> to vector<16xf32>
        %add3A_505 = arith.addf %convert_element_type3A_500, %convert_element_type3A_504 : vector<16xf32>
        %mul3A_506 = arith.constant 7.62939453E-5 : f32
        %mul3A_507 = vector.broadcast %mul3A_506 : f32 to vector<16xf32>
        %mul3A_508 = arith.mulf %add3A_505, %mul3A_507 : vector<16xf32>
        %swap3A = arith.index_cast %mul3A_494 : i32 to index
        %swap3A_509 = tpu.vector_load %arg28[%swap3A] {strides = array<i32>} : memref<2000xf32, #tpu.memory_space<vmem>>, vector<16xf32>,
        tpu.vector_store %arg28[%swap3A], %mul3A_508 {strides = array<i32>} : memref<2000xf32, #tpu.memory_space<vmem>>, vector<16xf32>,
        %shift_right_logical3A_510 = arith.constant 2 : i32
        %shift_right_logical3A_511 = vector.broadcast %shift_right_logical3A_510 : i32 to vector<16xi32>
        %shift_right_logical3A_512 = arith.shrui %get3A_495, %shift_right_logical3A_511 : vector<16xi32>
        %and3A = arith.constant 16383 : i32
        %and3A_513 = vector.broadcast %and3A : i32 to vector<16xi32>
        %and3A_514 = arith.andi %shift_right_logical3A_512, %and3A_513 : vector<16xi32>
        %convert_element_type3A_515 = arith.sitofp %and3A_514 : vector<16xi32> to vector<16xf32>
        %shift_right_logical3A_516 = arith.constant 2 : i32
        %shift_right_logical3A_517 = vector.broadcast %shift_right_logical3A_516 : i32 to vector<16xi32>
        %shift_right_logical3A_518 = arith.shrui %get3A_497, %shift_right_logical3A_517 : vector<16xi32>
        %and3A_519 = arith.constant 16383 : i32
        %and3A_520 = vector.broadcast %and3A_519 : i32 to vector<16xi32>
        %and3A_521 = arith.andi %shift_right_logical3A_518, %and3A_520 : vector<16xi32>
        %convert_element_type3A_522 = arith.sitofp %and3A_521 : vector<16xi32> to vector<16xf32>
        %mul3A_523 = arith.mulf %convert_element_type3A_515, %convert_element_type3A_522 : vector<16xf32>
        %mul3A_524 = arith.constant 1.73472348E-18 : f32
        %mul3A_525 = vector.broadcast %mul3A_524 : f32 to vector<16xf32>
        %mul3A_526 = arith.mulf %mul3A_523, %mul3A_525 : vector<16xf32>
        %swap3A_527 = arith.index_cast %mul3A_494 : i32 to index
        %swap3A_528 = tpu.vector_load %arg30[%swap3A_527] {strides = array<i32>} : memref<2000xf32, #tpu.memory_space<vmem>>, vector<16xf32>,
        tpu.vector_store %arg30[%swap3A_527], %mul3A_526 {strides = array<i32>} : memref<2000xf32, #tpu.memory_space<vmem>>, vector<16xf32>,
        %and3A_529 = arith.constant 3 : i32
        %and3A_530 = vector.broadcast %and3A_529 : i32 to vector<16xi32>
        %and3A_531 = arith.andi %get3A_495, %and3A_530 : vector<16xi32>
        %and3A_532 = arith.constant 3 : i32
        %and3A_533 = vector.broadcast %and3A_532 : i32 to vector<16xi32>
        %and3A_534 = arith.andi %get3A_497, %and3A_533 : vector<16xi32>
        %min3A = arith.minsi %and3A_531, %and3A_534 : vector<16xi32>
        %max3A = arith.maxsi %and3A_531, %and3A_534 : vector<16xi32>
        %sub3A = arith.constant 7 : i32
        %sub3A_535 = vector.broadcast %sub3A : i32 to vector<16xi32>
        %sub3A_536 = arith.subi %sub3A_535, %min3A : vector<16xi32>
        %mul3A_537 = arith.muli %min3A, %sub3A_536 : vector<16xi32>
        %shift_right_arithmetic3A = arith.constant 1 : i32
        %shift_right_arithmetic3A_538 = vector.broadcast %shift_right_arithmetic3A : i32 to vector<16xi32>
        %shift_right_arithmetic3A_539 = arith.shrsi %mul3A_537, %shift_right_arithmetic3A_538 : vector<16xi32>
        %add3A_540 = arith.addi %shift_right_arithmetic3A_539, %max3A : vector<16xi32>
        %get3A_541 = arith.index_cast %mul3A_494 : i32 to index
        %get3A_542 = tpu.vector_load %arg20[%get3A_541] {strides = array<i32>} : memref<2000xi32, #tpu.memory_space<vmem>>, vector<16xi32>,
        %mul3A_543 = arith.constant 10 : i32
        %mul3A_544 = vector.broadcast %mul3A_543 : i32 to vector<16xi32>
        %mul3A_545 = arith.muli %get3A_542, %mul3A_544 : vector<16xi32>
        %add3A_546 = arith.addi %mul3A_545, %add3A_540 : vector<16xi32>
        %swap3A_547 = arith.index_cast %mul3A_494 : i32 to index
        %swap3A_548 = tpu.vector_load %arg26[%swap3A_547] {strides = array<i32>} : memref<2000xi32, #tpu.memory_space<vmem>>, vector<16xi32>,
        tpu.vector_store %arg26[%swap3A_547], %add3A_546 {strides = array<i32>} : memref<2000xi32, #tpu.memory_space<vmem>>, vector<16xi32>,
      }
      %scan3A_392 = arith.constant 125 : i32
      %mul3A_393 = arith.constant 800000 : i32
      %mul3A_394 = arith.muli %arg0, %mul3A_393 : i32
      %mul3A_395 = arith.constant 50000 : i32
      %mul3A_396 = arith.muli %arg1, %mul3A_395 : i32
      %add3A_397 = arith.addi %mul3A_394, %mul3A_396 : i32
      %mul3A_398 = arith.constant 2000 : i32
      %mul3A_399 = arith.muli %add3A_375, %mul3A_398 : i32
      %add3A_400 = arith.addi %add3A_397, %mul3A_399 : i32
      %dma_start3A_401 = tpu.memref_slice %arg11[%add3A_400] : memref<1600000xf32, #tpu.memory_space<hbm>> -> memref<2000xf32, #tpu.memory_space<hbm>>
      %dma_start3A_402 = tpu.memref_slice %arg11[%add3A_400] : memref<1600000xf32, #tpu.memory_space<hbm>> -> memref<2000xf32, #tpu.memory_space<hbm>>
      tpu.enqueue_dma source(%arg28 : memref<2000xf32, #tpu.memory_space<vmem>>) target(%dma_start3A_402 : memref<2000xf32, #tpu.memory_space<hbm>>) target_semaphore(%arg36 : memref<!tpu.dma_semaphore, #tpu.memory_space<semaphore_mem>>)
      %mul3A_403 = arith.constant 800000 : i32
      %mul3A_404 = arith.muli %arg0, %mul3A_403 : i32
      %mul3A_405 = arith.constant 50000 : i32
      %mul3A_406 = arith.muli %arg1, %mul3A_405 : i32
      %add3A_407 = arith.addi %mul3A_404, %mul3A_406 : i32
      %mul3A_408 = arith.constant 2000 : i32
      %mul3A_409 = arith.muli %add3A_375, %mul3A_408 : i32
      %add3A_410 = arith.addi %add3A_407, %mul3A_409 : i32
      %dma_start3A_411 = tpu.memref_slice %arg12[%add3A_410] : memref<1600000xf32, #tpu.memory_space<hbm>> -> memref<2000xf32, #tpu.memory_space<hbm>>
      %dma_start3A_412 = tpu.memref_slice %arg12[%add3A_410] : memref<1600000xf32, #tpu.memory_space<hbm>> -> memref<2000xf32, #tpu.memory_space<hbm>>
      tpu.enqueue_dma source(%arg30 : memref<2000xf32, #tpu.memory_space<vmem>>) target(%dma_start3A_412 : memref<2000xf32, #tpu.memory_space<hbm>>) target_semaphore(%arg36 : memref<!tpu.dma_semaphore, #tpu.memory_space<semaphore_mem>>)
      %mul3A_413 = arith.constant 800000 : i32
      %mul3A_414 = arith.muli %arg0, %mul3A_413 : i32
      %mul3A_415 = arith.constant 50000 : i32
      %mul3A_416 = arith.muli %arg1, %mul3A_415 : i32
      %add3A_417 = arith.addi %mul3A_414, %mul3A_416 : i32
      %mul3A_418 = arith.constant 2000 : i32
      %mul3A_419 = arith.muli %add3A_375, %mul3A_418 : i32
      %add3A_420 = arith.addi %add3A_417, %mul3A_419 : i32
      %dma_start3A_421 = tpu.memref_slice %arg13[%add3A_420] : memref<1600000xi32, #tpu.memory_space<hbm>> -> memref<2000xi32, #tpu.memory_space<hbm>>
      %dma_start3A_422 = tpu.memref_slice %arg13[%add3A_420] : memref<1600000xi32, #tpu.memory_space<hbm>> -> memref<2000xi32, #tpu.memory_space<hbm>>
      tpu.enqueue_dma source(%arg26 : memref<2000xi32, #tpu.memory_space<vmem>>) target(%dma_start3A_422 : memref<2000xi32, #tpu.memory_space<hbm>>) target_semaphore(%arg36 : memref<!tpu.dma_semaphore, #tpu.memory_space<semaphore_mem>>)
      %add3A_423 = arith.constant 2 : i32
      %add3A_424 = arith.addi %add3A_375, %add3A_423 : i32
      %lt3A_425 = arith.constant 25 : i32
      %lt3A_426 = arith.cmpi slt, %add3A_424, %lt3A_425 : i32
      %convert_element_type3A_427 = arith.extui %lt3A_426 : i1 to i32
      %cond3A_428 = arith.constant 0 : i32
      %cond3A_429 = arith.cmpi ne, %convert_element_type3A_427, %cond3A_428 : i32
      scf.if %cond3A_429 {
        %add3A_492 = arith.constant 2 : i32
        %add3A_493 = arith.addi %add3A_375, %add3A_492 : i32
        %mul3A_494 = arith.constant 800000 : i32
        %mul3A_495 = arith.muli %arg0, %mul3A_494 : i32
        %mul3A_496 = arith.constant 50000 : i32
        %mul3A_497 = arith.muli %arg1, %mul3A_496 : i32
        %add3A_498 = arith.addi %mul3A_495, %mul3A_497 : i32
        %mul3A_499 = arith.constant 2000 : i32
        %mul3A_500 = arith.muli %add3A_493, %mul3A_499 : i32
        %add3A_501 = arith.addi %add3A_498, %mul3A_500 : i32
        %dma_start3A_502 = tpu.memref_slice %arg7[%add3A_501] : memref<1600000xi32, #tpu.memory_space<hbm>> -> memref<2000xi32, #tpu.memory_space<hbm>>
        %dma_start3A_503 = tpu.memref_slice %arg7[%add3A_501] : memref<1600000xi32, #tpu.memory_space<hbm>> -> memref<2000xi32, #tpu.memory_space<hbm>>
        tpu.enqueue_dma source(%dma_start3A_503 : memref<2000xi32, #tpu.memory_space<hbm>>) target(%arg16 : memref<2000xi32, #tpu.memory_space<vmem>>) target_semaphore(%arg32 : memref<!tpu.dma_semaphore, #tpu.memory_space<semaphore_mem>>)
        %mul3A_504 = arith.constant 800000 : i32
        %mul3A_505 = arith.muli %arg0, %mul3A_504 : i32
        %mul3A_506 = arith.constant 50000 : i32
        %mul3A_507 = arith.muli %arg1, %mul3A_506 : i32
        %add3A_508 = arith.addi %mul3A_505, %mul3A_507 : i32
        %mul3A_509 = arith.constant 2000 : i32
        %mul3A_510 = arith.muli %add3A_493, %mul3A_509 : i32
        %add3A_511 = arith.addi %add3A_508, %mul3A_510 : i32
        %dma_start3A_512 = tpu.memref_slice %arg8[%add3A_511] : memref<1600000xi32, #tpu.memory_space<hbm>> -> memref<2000xi32, #tpu.memory_space<hbm>>
        %dma_start3A_513 = tpu.memref_slice %arg8[%add3A_511] : memref<1600000xi32, #tpu.memory_space<hbm>> -> memref<2000xi32, #tpu.memory_space<hbm>>
        tpu.enqueue_dma source(%dma_start3A_513 : memref<2000xi32, #tpu.memory_space<hbm>>) target(%arg18 : memref<2000xi32, #tpu.memory_space<vmem>>) target_semaphore(%arg32 : memref<!tpu.dma_semaphore, #tpu.memory_space<semaphore_mem>>)
        %mul3A_514 = arith.constant 800000 : i32
        %mul3A_515 = arith.muli %arg0, %mul3A_514 : i32
        %mul3A_516 = arith.constant 50000 : i32
        %mul3A_517 = arith.muli %arg1, %mul3A_516 : i32
        %add3A_518 = arith.addi %mul3A_515, %mul3A_517 : i32
        %mul3A_519 = arith.constant 2000 : i32
        %mul3A_520 = arith.muli %add3A_493, %mul3A_519 : i32
        %add3A_521 = arith.addi %add3A_518, %mul3A_520 : i32
        %dma_start3A_522 = tpu.memref_slice %arg6[%add3A_521] : memref<1600000xi32, #tpu.memory_space<hbm>> -> memref<2000xi32, #tpu.memory_space<hbm>>
        %dma_start3A_523 = tpu.memref_slice %arg6[%add3A_521] : memref<1600000xi32, #tpu.memory_space<hbm>> -> memref<2000xi32, #tpu.memory_space<hbm>>
        tpu.enqueue_dma source(%dma_start3A_523 : memref<2000xi32, #tpu.memory_space<hbm>>) target(%arg20 : memref<2000xi32, #tpu.memory_space<vmem>>) target_semaphore(%arg32 : memref<!tpu.dma_semaphore, #tpu.memory_space<semaphore_mem>>)
      } else {
      }
      %mul3A_430 = arith.constant 2 : i32
      %mul3A_431 = arith.muli %mul3A_430, %scan3A_371 : i32
      %add3A_432 = arith.constant 1 : i32
      %add3A_433 = arith.addi %mul3A_431, %add3A_432 : i32
      %add3A_434 = arith.constant 1 : i32
      %add3A_435 = arith.addi %add3A_433, %add3A_434 : i32
      %lt3A_436 = arith.constant 25 : i32
      %lt3A_437 = arith.cmpi slt, %add3A_435, %lt3A_436 : i32
      %convert_element_type3A_438 = arith.extui %lt3A_437 : i1 to i32
      %cond3A_439 = arith.constant 0 : i32
      %cond3A_440 = arith.cmpi ne, %convert_element_type3A_438, %cond3A_439 : i32
      scf.if %cond3A_440 {
        %add3A_492 = arith.constant 1 : i32
        %add3A_493 = arith.addi %add3A_433, %add3A_492 : i32
        %mul3A_494 = arith.constant 800000 : i32
        %mul3A_495 = arith.muli %arg0, %mul3A_494 : i32
        %mul3A_496 = arith.constant 50000 : i32
        %mul3A_497 = arith.muli %arg1, %mul3A_496 : i32
        %add3A_498 = arith.addi %mul3A_495, %mul3A_497 : i32
        %mul3A_499 = arith.constant 2000 : i32
        %mul3A_500 = arith.muli %add3A_493, %mul3A_499 : i32
        %add3A_501 = arith.addi %add3A_498, %mul3A_500 : i32
        %dma_wait3A_502 = tpu.memref_slice %arg7[%add3A_501] : memref<1600000xi32, #tpu.memory_space<hbm>> -> memref<2000xi32, #tpu.memory_space<hbm>>
        %dma_wait3A_503 = tpu.memref_slice %arg7[%add3A_501] : memref<1600000xi32, #tpu.memory_space<hbm>> -> memref<2000xi32, #tpu.memory_space<hbm>>
        tpu.wait_dma2 semaphore(%arg32 : memref<!tpu.dma_semaphore, #tpu.memory_space<semaphore_mem>>) src(%dma_wait3A_503 : memref<2000xi32, #tpu.memory_space<hbm>>) dst(%arg16 : memref<2000xi32, #tpu.memory_space<vmem>>)
        %mul3A_504 = arith.constant 800000 : i32
        %mul3A_505 = arith.muli %arg0, %mul3A_504 : i32
        %mul3A_506 = arith.constant 50000 : i32
        %mul3A_507 = arith.muli %arg1, %mul3A_506 : i32
        %add3A_508 = arith.addi %mul3A_505, %mul3A_507 : i32
        %mul3A_509 = arith.constant 2000 : i32
        %mul3A_510 = arith.muli %add3A_493, %mul3A_509 : i32
        %add3A_511 = arith.addi %add3A_508, %mul3A_510 : i32
        %dma_wait3A_512 = tpu.memref_slice %arg8[%add3A_511] : memref<1600000xi32, #tpu.memory_space<hbm>> -> memref<2000xi32, #tpu.memory_space<hbm>>
        %dma_wait3A_513 = tpu.memref_slice %arg8[%add3A_511] : memref<1600000xi32, #tpu.memory_space<hbm>> -> memref<2000xi32, #tpu.memory_space<hbm>>
        tpu.wait_dma2 semaphore(%arg32 : memref<!tpu.dma_semaphore, #tpu.memory_space<semaphore_mem>>) src(%dma_wait3A_513 : memref<2000xi32, #tpu.memory_space<hbm>>) dst(%arg18 : memref<2000xi32, #tpu.memory_space<vmem>>)
        %mul3A_514 = arith.constant 800000 : i32
        %mul3A_515 = arith.muli %arg0, %mul3A_514 : i32
        %mul3A_516 = arith.constant 50000 : i32
        %mul3A_517 = arith.muli %arg1, %mul3A_516 : i32
        %add3A_518 = arith.addi %mul3A_515, %mul3A_517 : i32
        %mul3A_519 = arith.constant 2000 : i32
        %mul3A_520 = arith.muli %add3A_493, %mul3A_519 : i32
        %add3A_521 = arith.addi %add3A_518, %mul3A_520 : i32
        %dma_wait3A_522 = tpu.memref_slice %arg6[%add3A_521] : memref<1600000xi32, #tpu.memory_space<hbm>> -> memref<2000xi32, #tpu.memory_space<hbm>>
        %dma_wait3A_523 = tpu.memref_slice %arg6[%add3A_521] : memref<1600000xi32, #tpu.memory_space<hbm>> -> memref<2000xi32, #tpu.memory_space<hbm>>
        tpu.wait_dma2 semaphore(%arg32 : memref<!tpu.dma_semaphore, #tpu.memory_space<semaphore_mem>>) src(%dma_wait3A_523 : memref<2000xi32, #tpu.memory_space<hbm>>) dst(%arg20 : memref<2000xi32, #tpu.memory_space<vmem>>)
        %add3A_524 = arith.constant 1 : i32
        %add3A_525 = arith.addi %add3A_433, %add3A_524 : i32
        %dma_start3A_526 = arith.constant 0 : i32
        %dma_start3A_527 = tpu.memref_slice %arg15[%dma_start3A_526] : memref<800000xi32, #tpu.memory_space<vmem_shared>> -> memref<800000xi32, #tpu.memory_space<vmem_shared>>
        tpu.enqueue_indirect_dma source(%dma_start3A_527 : memref<800000xi32, #tpu.memory_space<vmem_shared>>) target(%arg22 : memref<2000xi32, #tpu.memory_space<vmem>>) offsets(%arg16 : memref<2000xi32, #tpu.memory_space<vmem>>) semaphore(%arg34 : memref<!tpu.dma_semaphore, #tpu.memory_space<semaphore_mem>>)
        %dma_start3A_528 = arith.constant 0 : i32
        %dma_start3A_529 = tpu.memref_slice %arg15[%dma_start3A_528] : memref<800000xi32, #tpu.memory_space<vmem_shared>> -> memref<800000xi32, #tpu.memory_space<vmem_shared>>
        tpu.enqueue_indirect_dma source(%dma_start3A_529 : memref<800000xi32, #tpu.memory_space<vmem_shared>>) target(%arg24 : memref<2000xi32, #tpu.memory_space<vmem>>) offsets(%arg18 : memref<2000xi32, #tpu.memory_space<vmem>>) semaphore(%arg34 : memref<!tpu.dma_semaphore, #tpu.memory_space<semaphore_mem>>)
      } else {
      }
      %dma_wait3A_441 = arith.constant 0 : i32
      %dma_wait3A_442 = tpu.memref_slice %arg15[%dma_wait3A_441] : memref<800000xi32, #tpu.memory_space<vmem_shared>> -> memref<800000xi32, #tpu.memory_space<vmem_shared>>
      tpu.wait_indirect_dma semaphore(%arg35 : memref<!tpu.dma_semaphore, #tpu.memory_space<semaphore_mem>>) src(%dma_wait3A_442 : memref<800000xi32, #tpu.memory_space<vmem_shared>>) dst(%arg23 : memref<2000xi32, #tpu.memory_space<vmem>>)
      %dma_wait3A_443 = arith.constant 0 : i32
      %dma_wait3A_444 = tpu.memref_slice %arg15[%dma_wait3A_443] : memref<800000xi32, #tpu.memory_space<vmem_shared>> -> memref<800000xi32, #tpu.memory_space<vmem_shared>>
      tpu.wait_indirect_dma semaphore(%arg35 : memref<!tpu.dma_semaphore, #tpu.memory_space<semaphore_mem>>) src(%dma_wait3A_444 : memref<800000xi32, #tpu.memory_space<vmem_shared>>) dst(%arg25 : memref<2000xi32, #tpu.memory_space<vmem>>)
      %ge3A_445 = arith.constant 2 : i32
      %ge3A_446 = arith.cmpi sge, %add3A_433, %ge3A_445 : i32
      %convert_element_type3A_447 = arith.extui %ge3A_446 : i1 to i32
      %cond3A_448 = arith.constant 0 : i32
      %cond3A_449 = arith.cmpi ne, %convert_element_type3A_447, %cond3A_448 : i32
      scf.if %cond3A_449 {
        %sub3A = arith.constant 2 : i32
        %sub3A_492 = arith.subi %add3A_433, %sub3A : i32
        %mul3A_493 = arith.constant 800000 : i32
        %mul3A_494 = arith.muli %arg0, %mul3A_493 : i32
        %mul3A_495 = arith.constant 50000 : i32
        %mul3A_496 = arith.muli %arg1, %mul3A_495 : i32
        %add3A_497 = arith.addi %mul3A_494, %mul3A_496 : i32
        %mul3A_498 = arith.constant 2000 : i32
        %mul3A_499 = arith.muli %sub3A_492, %mul3A_498 : i32
        %add3A_500 = arith.addi %add3A_497, %mul3A_499 : i32
        %dma_wait3A_501 = tpu.memref_slice %arg11[%add3A_500] : memref<1600000xf32, #tpu.memory_space<hbm>> -> memref<2000xf32, #tpu.memory_space<hbm>>
        %dma_wait3A_502 = tpu.memref_slice %arg11[%add3A_500] : memref<1600000xf32, #tpu.memory_space<hbm>> -> memref<2000xf32, #tpu.memory_space<hbm>>
        tpu.wait_dma2 semaphore(%arg37 : memref<!tpu.dma_semaphore, #tpu.memory_space<semaphore_mem>>) src(%arg29 : memref<2000xf32, #tpu.memory_space<vmem>>) dst(%dma_wait3A_502 : memref<2000xf32, #tpu.memory_space<hbm>>)
        %mul3A_503 = arith.constant 800000 : i32
        %mul3A_504 = arith.muli %arg0, %mul3A_503 : i32
        %mul3A_505 = arith.constant 50000 : i32
        %mul3A_506 = arith.muli %arg1, %mul3A_505 : i32
        %add3A_507 = arith.addi %mul3A_504, %mul3A_506 : i32
        %mul3A_508 = arith.constant 2000 : i32
        %mul3A_509 = arith.muli %sub3A_492, %mul3A_508 : i32
        %add3A_510 = arith.addi %add3A_507, %mul3A_509 : i32
        %dma_wait3A_511 = tpu.memref_slice %arg12[%add3A_510] : memref<1600000xf32, #tpu.memory_space<hbm>> -> memref<2000xf32, #tpu.memory_space<hbm>>
        %dma_wait3A_512 = tpu.memref_slice %arg12[%add3A_510] : memref<1600000xf32, #tpu.memory_space<hbm>> -> memref<2000xf32, #tpu.memory_space<hbm>>
        tpu.wait_dma2 semaphore(%arg37 : memref<!tpu.dma_semaphore, #tpu.memory_space<semaphore_mem>>) src(%arg31 : memref<2000xf32, #tpu.memory_space<vmem>>) dst(%dma_wait3A_512 : memref<2000xf32, #tpu.memory_space<hbm>>)
        %mul3A_513 = arith.constant 800000 : i32
        %mul3A_514 = arith.muli %arg0, %mul3A_513 : i32
        %mul3A_515 = arith.constant 50000 : i32
        %mul3A_516 = arith.muli %arg1, %mul3A_515 : i32
        %add3A_517 = arith.addi %mul3A_514, %mul3A_516 : i32
        %mul3A_518 = arith.constant 2000 : i32
        %mul3A_519 = arith.muli %sub3A_492, %mul3A_518 : i32
        %add3A_520 = arith.addi %add3A_517, %mul3A_519 : i32
        %dma_wait3A_521 = tpu.memref_slice %arg13[%add3A_520] : memref<1600000xi32, #tpu.memory_space<hbm>> -> memref<2000xi32, #tpu.memory_space<hbm>>
        %dma_wait3A_522 = tpu.memref_slice %arg13[%add3A_520] : memref<1600000xi32, #tpu.memory_space<hbm>> -> memref<2000xi32, #tpu.memory_space<hbm>>
        tpu.wait_dma2 semaphore(%arg37 : memref<!tpu.dma_semaphore, #tpu.memory_space<semaphore_mem>>) src(%arg27 : memref<2000xi32, #tpu.memory_space<vmem>>) dst(%dma_wait3A_522 : memref<2000xi32, #tpu.memory_space<hbm>>)
      } else {
      }
      %scan3A_450 = arith.constant 0 : i32
      %scan3A_451 = arith.constant 125 : i32
      %scan3A_452 = arith.addi %scan3A_450, %scan3A_451 : i32
      %scan3A_453 = arith.constant 1 : i32
      scf.for %scan3A_492 = %scan3A_450 to %scan3A_452 step %scan3A_453  : i32 {
        %mul3A_493 = arith.constant 16 : i32
        %mul3A_494 = arith.muli %scan3A_492, %mul3A_493 : i32
        %get3A = arith.index_cast %mul3A_494 : i32 to index
        %get3A_495 = tpu.vector_load %arg23[%get3A] {strides = array<i32>} : memref<2000xi32, #tpu.memory_space<vmem>>, vector<16xi32>,
        %get3A_496 = arith.index_cast %mul3A_494 : i32 to index
        %get3A_497 = tpu.vector_load %arg25[%get3A_496] {strides = array<i32>} : memref<2000xi32, #tpu.memory_space<vmem>>, vector<16xi32>,
        %shift_right_logical3A = arith.constant 16 : i32
        %shift_right_logical3A_498 = vector.broadcast %shift_right_logical3A : i32 to vector<16xi32>
        %shift_right_logical3A_499 = arith.shrui %get3A_495, %shift_right_logical3A_498 : vector<16xi32>
        %convert_element_type3A_500 = arith.sitofp %shift_right_logical3A_499 : vector<16xi32> to vector<16xf32>
        %shift_right_logical3A_501 = arith.constant 16 : i32
        %shift_right_logical3A_502 = vector.broadcast %shift_right_logical3A_501 : i32 to vector<16xi32>
        %shift_right_logical3A_503 = arith.shrui %get3A_497, %shift_right_logical3A_502 : vector<16xi32>
        %convert_element_type3A_504 = arith.sitofp %shift_right_logical3A_503 : vector<16xi32> to vector<16xf32>
        %add3A_505 = arith.addf %convert_element_type3A_500, %convert_element_type3A_504 : vector<16xf32>
        %mul3A_506 = arith.constant 7.62939453E-5 : f32
        %mul3A_507 = vector.broadcast %mul3A_506 : f32 to vector<16xf32>
        %mul3A_508 = arith.mulf %add3A_505, %mul3A_507 : vector<16xf32>
        %swap3A = arith.index_cast %mul3A_494 : i32 to index
        %swap3A_509 = tpu.vector_load %arg29[%swap3A] {strides = array<i32>} : memref<2000xf32, #tpu.memory_space<vmem>>, vector<16xf32>,
        tpu.vector_store %arg29[%swap3A], %mul3A_508 {strides = array<i32>} : memref<2000xf32, #tpu.memory_space<vmem>>, vector<16xf32>,
        %shift_right_logical3A_510 = arith.constant 2 : i32
        %shift_right_logical3A_511 = vector.broadcast %shift_right_logical3A_510 : i32 to vector<16xi32>
        %shift_right_logical3A_512 = arith.shrui %get3A_495, %shift_right_logical3A_511 : vector<16xi32>
        %and3A = arith.constant 16383 : i32
        %and3A_513 = vector.broadcast %and3A : i32 to vector<16xi32>
        %and3A_514 = arith.andi %shift_right_logical3A_512, %and3A_513 : vector<16xi32>
        %convert_element_type3A_515 = arith.sitofp %and3A_514 : vector<16xi32> to vector<16xf32>
        %shift_right_logical3A_516 = arith.constant 2 : i32
        %shift_right_logical3A_517 = vector.broadcast %shift_right_logical3A_516 : i32 to vector<16xi32>
        %shift_right_logical3A_518 = arith.shrui %get3A_497, %shift_right_logical3A_517 : vector<16xi32>
        %and3A_519 = arith.constant 16383 : i32
        %and3A_520 = vector.broadcast %and3A_519 : i32 to vector<16xi32>
        %and3A_521 = arith.andi %shift_right_logical3A_518, %and3A_520 : vector<16xi32>
        %convert_element_type3A_522 = arith.sitofp %and3A_521 : vector<16xi32> to vector<16xf32>
        %mul3A_523 = arith.mulf %convert_element_type3A_515, %convert_element_type3A_522 : vector<16xf32>
        %mul3A_524 = arith.constant 1.73472348E-18 : f32
        %mul3A_525 = vector.broadcast %mul3A_524 : f32 to vector<16xf32>
        %mul3A_526 = arith.mulf %mul3A_523, %mul3A_525 : vector<16xf32>
        %swap3A_527 = arith.index_cast %mul3A_494 : i32 to index
        %swap3A_528 = tpu.vector_load %arg31[%swap3A_527] {strides = array<i32>} : memref<2000xf32, #tpu.memory_space<vmem>>, vector<16xf32>,
        tpu.vector_store %arg31[%swap3A_527], %mul3A_526 {strides = array<i32>} : memref<2000xf32, #tpu.memory_space<vmem>>, vector<16xf32>,
        %and3A_529 = arith.constant 3 : i32
        %and3A_530 = vector.broadcast %and3A_529 : i32 to vector<16xi32>
        %and3A_531 = arith.andi %get3A_495, %and3A_530 : vector<16xi32>
        %and3A_532 = arith.constant 3 : i32
        %and3A_533 = vector.broadcast %and3A_532 : i32 to vector<16xi32>
        %and3A_534 = arith.andi %get3A_497, %and3A_533 : vector<16xi32>
        %min3A = arith.minsi %and3A_531, %and3A_534 : vector<16xi32>
        %max3A = arith.maxsi %and3A_531, %and3A_534 : vector<16xi32>
        %sub3A = arith.constant 7 : i32
        %sub3A_535 = vector.broadcast %sub3A : i32 to vector<16xi32>
        %sub3A_536 = arith.subi %sub3A_535, %min3A : vector<16xi32>
        %mul3A_537 = arith.muli %min3A, %sub3A_536 : vector<16xi32>
        %shift_right_arithmetic3A = arith.constant 1 : i32
        %shift_right_arithmetic3A_538 = vector.broadcast %shift_right_arithmetic3A : i32 to vector<16xi32>
        %shift_right_arithmetic3A_539 = arith.shrsi %mul3A_537, %shift_right_arithmetic3A_538 : vector<16xi32>
        %add3A_540 = arith.addi %shift_right_arithmetic3A_539, %max3A : vector<16xi32>
        %get3A_541 = arith.index_cast %mul3A_494 : i32 to index
        %get3A_542 = tpu.vector_load %arg21[%get3A_541] {strides = array<i32>} : memref<2000xi32, #tpu.memory_space<vmem>>, vector<16xi32>,
        %mul3A_543 = arith.constant 10 : i32
        %mul3A_544 = vector.broadcast %mul3A_543 : i32 to vector<16xi32>
        %mul3A_545 = arith.muli %get3A_542, %mul3A_544 : vector<16xi32>
        %add3A_546 = arith.addi %mul3A_545, %add3A_540 : vector<16xi32>
        %swap3A_547 = arith.index_cast %mul3A_494 : i32 to index
        %swap3A_548 = tpu.vector_load %arg27[%swap3A_547] {strides = array<i32>} : memref<2000xi32, #tpu.memory_space<vmem>>, vector<16xi32>,
        tpu.vector_store %arg27[%swap3A_547], %add3A_546 {strides = array<i32>} : memref<2000xi32, #tpu.memory_space<vmem>>, vector<16xi32>,
      }
      %scan3A_454 = arith.constant 125 : i32
      %mul3A_455 = arith.constant 800000 : i32
      %mul3A_456 = arith.muli %arg0, %mul3A_455 : i32
      %mul3A_457 = arith.constant 50000 : i32
      %mul3A_458 = arith.muli %arg1, %mul3A_457 : i32
      %add3A_459 = arith.addi %mul3A_456, %mul3A_458 : i32
      %mul3A_460 = arith.constant 2000 : i32
      %mul3A_461 = arith.muli %add3A_433, %mul3A_460 : i32
      %add3A_462 = arith.addi %add3A_459, %mul3A_461 : i32
      %dma_start3A_463 = tpu.memref_slice %arg11[%add3A_462] : memref<1600000xf32, #tpu.memory_space<hbm>> -> memref<2000xf32, #tpu.memory_space<hbm>>
      %dma_start3A_464 = tpu.memref_slice %arg11[%add3A_462] : memref<1600000xf32, #tpu.memory_space<hbm>> -> memref<2000xf32, #tpu.memory_space<hbm>>
      tpu.enqueue_dma source(%arg29 : memref<2000xf32, #tpu.memory_space<vmem>>) target(%dma_start3A_464 : memref<2000xf32, #tpu.memory_space<hbm>>) target_semaphore(%arg37 : memref<!tpu.dma_semaphore, #tpu.memory_space<semaphore_mem>>)
      %mul3A_465 = arith.constant 800000 : i32
      %mul3A_466 = arith.muli %arg0, %mul3A_465 : i32
      %mul3A_467 = arith.constant 50000 : i32
      %mul3A_468 = arith.muli %arg1, %mul3A_467 : i32
      %add3A_469 = arith.addi %mul3A_466, %mul3A_468 : i32
      %mul3A_470 = arith.constant 2000 : i32
      %mul3A_471 = arith.muli %add3A_433, %mul3A_470 : i32
      %add3A_472 = arith.addi %add3A_469, %mul3A_471 : i32
      %dma_start3A_473 = tpu.memref_slice %arg12[%add3A_472] : memref<1600000xf32, #tpu.memory_space<hbm>> -> memref<2000xf32, #tpu.memory_space<hbm>>
      %dma_start3A_474 = tpu.memref_slice %arg12[%add3A_472] : memref<1600000xf32, #tpu.memory_space<hbm>> -> memref<2000xf32, #tpu.memory_space<hbm>>
      tpu.enqueue_dma source(%arg31 : memref<2000xf32, #tpu.memory_space<vmem>>) target(%dma_start3A_474 : memref<2000xf32, #tpu.memory_space<hbm>>) target_semaphore(%arg37 : memref<!tpu.dma_semaphore, #tpu.memory_space<semaphore_mem>>)
      %mul3A_475 = arith.constant 800000 : i32
      %mul3A_476 = arith.muli %arg0, %mul3A_475 : i32
      %mul3A_477 = arith.constant 50000 : i32
      %mul3A_478 = arith.muli %arg1, %mul3A_477 : i32
      %add3A_479 = arith.addi %mul3A_476, %mul3A_478 : i32
      %mul3A_480 = arith.constant 2000 : i32
      %mul3A_481 = arith.muli %add3A_433, %mul3A_480 : i32
      %add3A_482 = arith.addi %add3A_479, %mul3A_481 : i32
      %dma_start3A_483 = tpu.memref_slice %arg13[%add3A_482] : memref<1600000xi32, #tpu.memory_space<hbm>> -> memref<2000xi32, #tpu.memory_space<hbm>>
      %dma_start3A_484 = tpu.memref_slice %arg13[%add3A_482] : memref<1600000xi32, #tpu.memory_space<hbm>> -> memref<2000xi32, #tpu.memory_space<hbm>>
      tpu.enqueue_dma source(%arg27 : memref<2000xi32, #tpu.memory_space<vmem>>) target(%dma_start3A_484 : memref<2000xi32, #tpu.memory_space<hbm>>) target_semaphore(%arg37 : memref<!tpu.dma_semaphore, #tpu.memory_space<semaphore_mem>>)
      %add3A_485 = arith.constant 2 : i32
      %add3A_486 = arith.addi %add3A_433, %add3A_485 : i32
      %lt3A_487 = arith.constant 25 : i32
      %lt3A_488 = arith.cmpi slt, %add3A_486, %lt3A_487 : i32
      %convert_element_type3A_489 = arith.extui %lt3A_488 : i1 to i32
      %cond3A_490 = arith.constant 0 : i32
      %cond3A_491 = arith.cmpi ne, %convert_element_type3A_489, %cond3A_490 : i32
      scf.if %cond3A_491 {
        %add3A_492 = arith.constant 2 : i32
        %add3A_493 = arith.addi %add3A_433, %add3A_492 : i32
        %mul3A_494 = arith.constant 800000 : i32
        %mul3A_495 = arith.muli %arg0, %mul3A_494 : i32
        %mul3A_496 = arith.constant 50000 : i32
        %mul3A_497 = arith.muli %arg1, %mul3A_496 : i32
        %add3A_498 = arith.addi %mul3A_495, %mul3A_497 : i32
        %mul3A_499 = arith.constant 2000 : i32
        %mul3A_500 = arith.muli %add3A_493, %mul3A_499 : i32
        %add3A_501 = arith.addi %add3A_498, %mul3A_500 : i32
        %dma_start3A_502 = tpu.memref_slice %arg7[%add3A_501] : memref<1600000xi32, #tpu.memory_space<hbm>> -> memref<2000xi32, #tpu.memory_space<hbm>>
        %dma_start3A_503 = tpu.memref_slice %arg7[%add3A_501] : memref<1600000xi32, #tpu.memory_space<hbm>> -> memref<2000xi32, #tpu.memory_space<hbm>>
        tpu.enqueue_dma source(%dma_start3A_503 : memref<2000xi32, #tpu.memory_space<hbm>>) target(%arg17 : memref<2000xi32, #tpu.memory_space<vmem>>) target_semaphore(%arg33 : memref<!tpu.dma_semaphore, #tpu.memory_space<semaphore_mem>>)
        %mul3A_504 = arith.constant 800000 : i32
        %mul3A_505 = arith.muli %arg0, %mul3A_504 : i32
        %mul3A_506 = arith.constant 50000 : i32
        %mul3A_507 = arith.muli %arg1, %mul3A_506 : i32
        %add3A_508 = arith.addi %mul3A_505, %mul3A_507 : i32
        %mul3A_509 = arith.constant 2000 : i32
        %mul3A_510 = arith.muli %add3A_493, %mul3A_509 : i32
        %add3A_511 = arith.addi %add3A_508, %mul3A_510 : i32
        %dma_start3A_512 = tpu.memref_slice %arg8[%add3A_511] : memref<1600000xi32, #tpu.memory_space<hbm>> -> memref<2000xi32, #tpu.memory_space<hbm>>
        %dma_start3A_513 = tpu.memref_slice %arg8[%add3A_511] : memref<1600000xi32, #tpu.memory_space<hbm>> -> memref<2000xi32, #tpu.memory_space<hbm>>
        tpu.enqueue_dma source(%dma_start3A_513 : memref<2000xi32, #tpu.memory_space<hbm>>) target(%arg19 : memref<2000xi32, #tpu.memory_space<vmem>>) target_semaphore(%arg33 : memref<!tpu.dma_semaphore, #tpu.memory_space<semaphore_mem>>)
        %mul3A_514 = arith.constant 800000 : i32
        %mul3A_515 = arith.muli %arg0, %mul3A_514 : i32
        %mul3A_516 = arith.constant 50000 : i32
        %mul3A_517 = arith.muli %arg1, %mul3A_516 : i32
        %add3A_518 = arith.addi %mul3A_515, %mul3A_517 : i32
        %mul3A_519 = arith.constant 2000 : i32
        %mul3A_520 = arith.muli %add3A_493, %mul3A_519 : i32
        %add3A_521 = arith.addi %add3A_518, %mul3A_520 : i32
        %dma_start3A_522 = tpu.memref_slice %arg6[%add3A_521] : memref<1600000xi32, #tpu.memory_space<hbm>> -> memref<2000xi32, #tpu.memory_space<hbm>>
        %dma_start3A_523 = tpu.memref_slice %arg6[%add3A_521] : memref<1600000xi32, #tpu.memory_space<hbm>> -> memref<2000xi32, #tpu.memory_space<hbm>>
        tpu.enqueue_dma source(%dma_start3A_523 : memref<2000xi32, #tpu.memory_space<hbm>>) target(%arg21 : memref<2000xi32, #tpu.memory_space<vmem>>) target_semaphore(%arg33 : memref<!tpu.dma_semaphore, #tpu.memory_space<semaphore_mem>>)
      } else {
      }
    }
    %scan3A_253 = arith.constant 12 : i32
    %dma_wait3A_254 = arith.constant 0 : i32
    %dma_wait3A_255 = tpu.memref_slice %arg15[%dma_wait3A_254] : memref<800000xi32, #tpu.memory_space<vmem_shared>> -> memref<800000xi32, #tpu.memory_space<vmem_shared>>
    tpu.wait_indirect_dma semaphore(%arg34 : memref<!tpu.dma_semaphore, #tpu.memory_space<semaphore_mem>>) src(%dma_wait3A_255 : memref<800000xi32, #tpu.memory_space<vmem_shared>>) dst(%arg22 : memref<2000xi32, #tpu.memory_space<vmem>>)
    %dma_wait3A_256 = arith.constant 0 : i32
    %dma_wait3A_257 = tpu.memref_slice %arg15[%dma_wait3A_256] : memref<800000xi32, #tpu.memory_space<vmem_shared>> -> memref<800000xi32, #tpu.memory_space<vmem_shared>>
    tpu.wait_indirect_dma semaphore(%arg34 : memref<!tpu.dma_semaphore, #tpu.memory_space<semaphore_mem>>) src(%dma_wait3A_257 : memref<800000xi32, #tpu.memory_space<vmem_shared>>) dst(%arg24 : memref<2000xi32, #tpu.memory_space<vmem>>)
    %mul3A_258 = arith.constant 800000 : i32
    %mul3A_259 = arith.muli %arg0, %mul3A_258 : i32
    %mul3A_260 = arith.constant 50000 : i32
    %mul3A_261 = arith.muli %arg1, %mul3A_260 : i32
    %add3A_262 = arith.addi %mul3A_259, %mul3A_261 : i32
    %add3A_263 = arith.constant 44000 : i32
    %add3A_264 = arith.addi %add3A_262, %add3A_263 : i32
    %dma_wait3A_265 = tpu.memref_slice %arg11[%add3A_264] : memref<1600000xf32, #tpu.memory_space<hbm>> -> memref<2000xf32, #tpu.memory_space<hbm>>
    %dma_wait3A_266 = tpu.memref_slice %arg11[%add3A_264] : memref<1600000xf32, #tpu.memory_space<hbm>> -> memref<2000xf32, #tpu.memory_space<hbm>>
    tpu.wait_dma2 semaphore(%arg36 : memref<!tpu.dma_semaphore, #tpu.memory_space<semaphore_mem>>) src(%arg28 : memref<2000xf32, #tpu.memory_space<vmem>>) dst(%dma_wait3A_266 : memref<2000xf32, #tpu.memory_space<hbm>>)
    %mul3A_267 = arith.constant 800000 : i32
    %mul3A_268 = arith.muli %arg0, %mul3A_267 : i32
    %mul3A_269 = arith.constant 50000 : i32
    %mul3A_270 = arith.muli %arg1, %mul3A_269 : i32
    %add3A_271 = arith.addi %mul3A_268, %mul3A_270 : i32
    %add3A_272 = arith.constant 44000 : i32
    %add3A_273 = arith.addi %add3A_271, %add3A_272 : i32
    %dma_wait3A_274 = tpu.memref_slice %arg12[%add3A_273] : memref<1600000xf32, #tpu.memory_space<hbm>> -> memref<2000xf32, #tpu.memory_space<hbm>>
    %dma_wait3A_275 = tpu.memref_slice %arg12[%add3A_273] : memref<1600000xf32, #tpu.memory_space<hbm>> -> memref<2000xf32, #tpu.memory_space<hbm>>
    tpu.wait_dma2 semaphore(%arg36 : memref<!tpu.dma_semaphore, #tpu.memory_space<semaphore_mem>>) src(%arg30 : memref<2000xf32, #tpu.memory_space<vmem>>) dst(%dma_wait3A_275 : memref<2000xf32, #tpu.memory_space<hbm>>)
    %mul3A_276 = arith.constant 800000 : i32
    %mul3A_277 = arith.muli %arg0, %mul3A_276 : i32
    %mul3A_278 = arith.constant 50000 : i32
    %mul3A_279 = arith.muli %arg1, %mul3A_278 : i32
    %add3A_280 = arith.addi %mul3A_277, %mul3A_279 : i32
    %add3A_281 = arith.constant 44000 : i32
    %add3A_282 = arith.addi %add3A_280, %add3A_281 : i32
    %dma_wait3A_283 = tpu.memref_slice %arg13[%add3A_282] : memref<1600000xi32, #tpu.memory_space<hbm>> -> memref<2000xi32, #tpu.memory_space<hbm>>
    %dma_wait3A_284 = tpu.memref_slice %arg13[%add3A_282] : memref<1600000xi32, #tpu.memory_space<hbm>> -> memref<2000xi32, #tpu.memory_space<hbm>>
    tpu.wait_dma2 semaphore(%arg36 : memref<!tpu.dma_semaphore, #tpu.memory_space<semaphore_mem>>) src(%arg26 : memref<2000xi32, #tpu.memory_space<vmem>>) dst(%dma_wait3A_284 : memref<2000xi32, #tpu.memory_space<hbm>>)
    %scan3A_285 = arith.constant 0 : i32
    %scan3A_286 = arith.constant 125 : i32
    %scan3A_287 = arith.addi %scan3A_285, %scan3A_286 : i32
    %scan3A_288 = arith.constant 1 : i32
    scf.for %scan3A_371 = %scan3A_285 to %scan3A_287 step %scan3A_288  : i32 {
      %mul3A_372 = arith.constant 16 : i32
      %mul3A_373 = arith.muli %scan3A_371, %mul3A_372 : i32
      %get3A = arith.index_cast %mul3A_373 : i32 to index
      %get3A_374 = tpu.vector_load %arg22[%get3A] {strides = array<i32>} : memref<2000xi32, #tpu.memory_space<vmem>>, vector<16xi32>,
      %get3A_375 = arith.index_cast %mul3A_373 : i32 to index
      %get3A_376 = tpu.vector_load %arg24[%get3A_375] {strides = array<i32>} : memref<2000xi32, #tpu.memory_space<vmem>>, vector<16xi32>,
      %shift_right_logical3A = arith.constant 16 : i32
      %shift_right_logical3A_377 = vector.broadcast %shift_right_logical3A : i32 to vector<16xi32>
      %shift_right_logical3A_378 = arith.shrui %get3A_374, %shift_right_logical3A_377 : vector<16xi32>
      %convert_element_type3A = arith.sitofp %shift_right_logical3A_378 : vector<16xi32> to vector<16xf32>
      %shift_right_logical3A_379 = arith.constant 16 : i32
      %shift_right_logical3A_380 = vector.broadcast %shift_right_logical3A_379 : i32 to vector<16xi32>
      %shift_right_logical3A_381 = arith.shrui %get3A_376, %shift_right_logical3A_380 : vector<16xi32>
      %convert_element_type3A_382 = arith.sitofp %shift_right_logical3A_381 : vector<16xi32> to vector<16xf32>
      %add3A_383 = arith.addf %convert_element_type3A, %convert_element_type3A_382 : vector<16xf32>
      %mul3A_384 = arith.constant 7.62939453E-5 : f32
      %mul3A_385 = vector.broadcast %mul3A_384 : f32 to vector<16xf32>
      %mul3A_386 = arith.mulf %add3A_383, %mul3A_385 : vector<16xf32>
      %swap3A = arith.index_cast %mul3A_373 : i32 to index
      %swap3A_387 = tpu.vector_load %arg28[%swap3A] {strides = array<i32>} : memref<2000xf32, #tpu.memory_space<vmem>>, vector<16xf32>,
      tpu.vector_store %arg28[%swap3A], %mul3A_386 {strides = array<i32>} : memref<2000xf32, #tpu.memory_space<vmem>>, vector<16xf32>,
      %shift_right_logical3A_388 = arith.constant 2 : i32
      %shift_right_logical3A_389 = vector.broadcast %shift_right_logical3A_388 : i32 to vector<16xi32>
      %shift_right_logical3A_390 = arith.shrui %get3A_374, %shift_right_logical3A_389 : vector<16xi32>
      %and3A = arith.constant 16383 : i32
      %and3A_391 = vector.broadcast %and3A : i32 to vector<16xi32>
      %and3A_392 = arith.andi %shift_right_logical3A_390, %and3A_391 : vector<16xi32>
      %convert_element_type3A_393 = arith.sitofp %and3A_392 : vector<16xi32> to vector<16xf32>
      %shift_right_logical3A_394 = arith.constant 2 : i32
      %shift_right_logical3A_395 = vector.broadcast %shift_right_logical3A_394 : i32 to vector<16xi32>
      %shift_right_logical3A_396 = arith.shrui %get3A_376, %shift_right_logical3A_395 : vector<16xi32>
      %and3A_397 = arith.constant 16383 : i32
      %and3A_398 = vector.broadcast %and3A_397 : i32 to vector<16xi32>
      %and3A_399 = arith.andi %shift_right_logical3A_396, %and3A_398 : vector<16xi32>
      %convert_element_type3A_400 = arith.sitofp %and3A_399 : vector<16xi32> to vector<16xf32>
      %mul3A_401 = arith.mulf %convert_element_type3A_393, %convert_element_type3A_400 : vector<16xf32>
      %mul3A_402 = arith.constant 1.73472348E-18 : f32
      %mul3A_403 = vector.broadcast %mul3A_402 : f32 to vector<16xf32>
      %mul3A_404 = arith.mulf %mul3A_401, %mul3A_403 : vector<16xf32>
      %swap3A_405 = arith.index_cast %mul3A_373 : i32 to index
      %swap3A_406 = tpu.vector_load %arg30[%swap3A_405] {strides = array<i32>} : memref<2000xf32, #tpu.memory_space<vmem>>, vector<16xf32>,
      tpu.vector_store %arg30[%swap3A_405], %mul3A_404 {strides = array<i32>} : memref<2000xf32, #tpu.memory_space<vmem>>, vector<16xf32>,
      %and3A_407 = arith.constant 3 : i32
      %and3A_408 = vector.broadcast %and3A_407 : i32 to vector<16xi32>
      %and3A_409 = arith.andi %get3A_374, %and3A_408 : vector<16xi32>
      %and3A_410 = arith.constant 3 : i32
      %and3A_411 = vector.broadcast %and3A_410 : i32 to vector<16xi32>
      %and3A_412 = arith.andi %get3A_376, %and3A_411 : vector<16xi32>
      %min3A = arith.minsi %and3A_409, %and3A_412 : vector<16xi32>
      %max3A = arith.maxsi %and3A_409, %and3A_412 : vector<16xi32>
      %sub3A = arith.constant 7 : i32
      %sub3A_413 = vector.broadcast %sub3A : i32 to vector<16xi32>
      %sub3A_414 = arith.subi %sub3A_413, %min3A : vector<16xi32>
      %mul3A_415 = arith.muli %min3A, %sub3A_414 : vector<16xi32>
      %shift_right_arithmetic3A = arith.constant 1 : i32
      %shift_right_arithmetic3A_416 = vector.broadcast %shift_right_arithmetic3A : i32 to vector<16xi32>
      %shift_right_arithmetic3A_417 = arith.shrsi %mul3A_415, %shift_right_arithmetic3A_416 : vector<16xi32>
      %add3A_418 = arith.addi %shift_right_arithmetic3A_417, %max3A : vector<16xi32>
      %get3A_419 = arith.index_cast %mul3A_373 : i32 to index
      %get3A_420 = tpu.vector_load %arg20[%get3A_419] {strides = array<i32>} : memref<2000xi32, #tpu.memory_space<vmem>>, vector<16xi32>,
      %mul3A_421 = arith.constant 10 : i32
      %mul3A_422 = vector.broadcast %mul3A_421 : i32 to vector<16xi32>
      %mul3A_423 = arith.muli %get3A_420, %mul3A_422 : vector<16xi32>
      %add3A_424 = arith.addi %mul3A_423, %add3A_418 : vector<16xi32>
      %swap3A_425 = arith.index_cast %mul3A_373 : i32 to index
      %swap3A_426 = tpu.vector_load %arg26[%swap3A_425] {strides = array<i32>} : memref<2000xi32, #tpu.memory_space<vmem>>, vector<16xi32>,
      tpu.vector_store %arg26[%swap3A_425], %add3A_424 {strides = array<i32>} : memref<2000xi32, #tpu.memory_space<vmem>>, vector<16xi32>,
    }
    %scan3A_289 = arith.constant 125 : i32
    %mul3A_290 = arith.constant 800000 : i32
    %mul3A_291 = arith.muli %arg0, %mul3A_290 : i32
    %mul3A_292 = arith.constant 50000 : i32
    %mul3A_293 = arith.muli %arg1, %mul3A_292 : i32
    %add3A_294 = arith.addi %mul3A_291, %mul3A_293 : i32
    %add3A_295 = arith.constant 48000 : i32
    %add3A_296 = arith.addi %add3A_294, %add3A_295 : i32
    %dma_start3A_297 = tpu.memref_slice %arg11[%add3A_296] : memref<1600000xf32, #tpu.memory_space<hbm>> -> memref<2000xf32, #tpu.memory_space<hbm>>
    %dma_start3A_298 = tpu.memref_slice %arg11[%add3A_296] : memref<1600000xf32, #tpu.memory_space<hbm>> -> memref<2000xf32, #tpu.memory_space<hbm>>
    tpu.enqueue_dma source(%arg28 : memref<2000xf32, #tpu.memory_space<vmem>>) target(%dma_start3A_298 : memref<2000xf32, #tpu.memory_space<hbm>>) target_semaphore(%arg36 : memref<!tpu.dma_semaphore, #tpu.memory_space<semaphore_mem>>)
    %mul3A_299 = arith.constant 800000 : i32
    %mul3A_300 = arith.muli %arg0, %mul3A_299 : i32
    %mul3A_301 = arith.constant 50000 : i32
    %mul3A_302 = arith.muli %arg1, %mul3A_301 : i32
    %add3A_303 = arith.addi %mul3A_300, %mul3A_302 : i32
    %add3A_304 = arith.constant 48000 : i32
    %add3A_305 = arith.addi %add3A_303, %add3A_304 : i32
    %dma_start3A_306 = tpu.memref_slice %arg12[%add3A_305] : memref<1600000xf32, #tpu.memory_space<hbm>> -> memref<2000xf32, #tpu.memory_space<hbm>>
    %dma_start3A_307 = tpu.memref_slice %arg12[%add3A_305] : memref<1600000xf32, #tpu.memory_space<hbm>> -> memref<2000xf32, #tpu.memory_space<hbm>>
    tpu.enqueue_dma source(%arg30 : memref<2000xf32, #tpu.memory_space<vmem>>) target(%dma_start3A_307 : memref<2000xf32, #tpu.memory_space<hbm>>) target_semaphore(%arg36 : memref<!tpu.dma_semaphore, #tpu.memory_space<semaphore_mem>>)
    %mul3A_308 = arith.constant 800000 : i32
    %mul3A_309 = arith.muli %arg0, %mul3A_308 : i32
    %mul3A_310 = arith.constant 50000 : i32
    %mul3A_311 = arith.muli %arg1, %mul3A_310 : i32
    %add3A_312 = arith.addi %mul3A_309, %mul3A_311 : i32
    %add3A_313 = arith.constant 48000 : i32
    %add3A_314 = arith.addi %add3A_312, %add3A_313 : i32
    %dma_start3A_315 = tpu.memref_slice %arg13[%add3A_314] : memref<1600000xi32, #tpu.memory_space<hbm>> -> memref<2000xi32, #tpu.memory_space<hbm>>
    %dma_start3A_316 = tpu.memref_slice %arg13[%add3A_314] : memref<1600000xi32, #tpu.memory_space<hbm>> -> memref<2000xi32, #tpu.memory_space<hbm>>
    tpu.enqueue_dma source(%arg26 : memref<2000xi32, #tpu.memory_space<vmem>>) target(%dma_start3A_316 : memref<2000xi32, #tpu.memory_space<hbm>>) target_semaphore(%arg36 : memref<!tpu.dma_semaphore, #tpu.memory_space<semaphore_mem>>)
    %mul3A_317 = arith.constant 800000 : i32
    %mul3A_318 = arith.muli %arg0, %mul3A_317 : i32
    %mul3A_319 = arith.constant 50000 : i32
    %mul3A_320 = arith.muli %arg1, %mul3A_319 : i32
    %add3A_321 = arith.addi %mul3A_318, %mul3A_320 : i32
    %add3A_322 = arith.constant 46000 : i32
    %add3A_323 = arith.addi %add3A_321, %add3A_322 : i32
    %dma_wait3A_324 = tpu.memref_slice %arg11[%add3A_323] : memref<1600000xf32, #tpu.memory_space<hbm>> -> memref<2000xf32, #tpu.memory_space<hbm>>
    %dma_wait3A_325 = tpu.memref_slice %arg11[%add3A_323] : memref<1600000xf32, #tpu.memory_space<hbm>> -> memref<2000xf32, #tpu.memory_space<hbm>>
    tpu.wait_dma2 semaphore(%arg37 : memref<!tpu.dma_semaphore, #tpu.memory_space<semaphore_mem>>) src(%arg29 : memref<2000xf32, #tpu.memory_space<vmem>>) dst(%dma_wait3A_325 : memref<2000xf32, #tpu.memory_space<hbm>>)
    %mul3A_326 = arith.constant 800000 : i32
    %mul3A_327 = arith.muli %arg0, %mul3A_326 : i32
    %mul3A_328 = arith.constant 50000 : i32
    %mul3A_329 = arith.muli %arg1, %mul3A_328 : i32
    %add3A_330 = arith.addi %mul3A_327, %mul3A_329 : i32
    %add3A_331 = arith.constant 46000 : i32
    %add3A_332 = arith.addi %add3A_330, %add3A_331 : i32
    %dma_wait3A_333 = tpu.memref_slice %arg12[%add3A_332] : memref<1600000xf32, #tpu.memory_space<hbm>> -> memref<2000xf32, #tpu.memory_space<hbm>>
    %dma_wait3A_334 = tpu.memref_slice %arg12[%add3A_332] : memref<1600000xf32, #tpu.memory_space<hbm>> -> memref<2000xf32, #tpu.memory_space<hbm>>
    tpu.wait_dma2 semaphore(%arg37 : memref<!tpu.dma_semaphore, #tpu.memory_space<semaphore_mem>>) src(%arg31 : memref<2000xf32, #tpu.memory_space<vmem>>) dst(%dma_wait3A_334 : memref<2000xf32, #tpu.memory_space<hbm>>)
    %mul3A_335 = arith.constant 800000 : i32
    %mul3A_336 = arith.muli %arg0, %mul3A_335 : i32
    %mul3A_337 = arith.constant 50000 : i32
    %mul3A_338 = arith.muli %arg1, %mul3A_337 : i32
    %add3A_339 = arith.addi %mul3A_336, %mul3A_338 : i32
    %add3A_340 = arith.constant 46000 : i32
    %add3A_341 = arith.addi %add3A_339, %add3A_340 : i32
    %dma_wait3A_342 = tpu.memref_slice %arg13[%add3A_341] : memref<1600000xi32, #tpu.memory_space<hbm>> -> memref<2000xi32, #tpu.memory_space<hbm>>
    %dma_wait3A_343 = tpu.memref_slice %arg13[%add3A_341] : memref<1600000xi32, #tpu.memory_space<hbm>> -> memref<2000xi32, #tpu.memory_space<hbm>>
    tpu.wait_dma2 semaphore(%arg37 : memref<!tpu.dma_semaphore, #tpu.memory_space<semaphore_mem>>) src(%arg27 : memref<2000xi32, #tpu.memory_space<vmem>>) dst(%dma_wait3A_343 : memref<2000xi32, #tpu.memory_space<hbm>>)
    %mul3A_344 = arith.constant 800000 : i32
    %mul3A_345 = arith.muli %arg0, %mul3A_344 : i32
    %mul3A_346 = arith.constant 50000 : i32
    %mul3A_347 = arith.muli %arg1, %mul3A_346 : i32
    %add3A_348 = arith.addi %mul3A_345, %mul3A_347 : i32
    %add3A_349 = arith.constant 48000 : i32
    %add3A_350 = arith.addi %add3A_348, %add3A_349 : i32
    %dma_wait3A_351 = tpu.memref_slice %arg11[%add3A_350] : memref<1600000xf32, #tpu.memory_space<hbm>> -> memref<2000xf32, #tpu.memory_space<hbm>>
    %dma_wait3A_352 = tpu.memref_slice %arg11[%add3A_350] : memref<1600000xf32, #tpu.memory_space<hbm>> -> memref<2000xf32, #tpu.memory_space<hbm>>
    tpu.wait_dma2 semaphore(%arg36 : memref<!tpu.dma_semaphore, #tpu.memory_space<semaphore_mem>>) src(%arg28 : memref<2000xf32, #tpu.memory_space<vmem>>) dst(%dma_wait3A_352 : memref<2000xf32, #tpu.memory_space<hbm>>)
    %mul3A_353 = arith.constant 800000 : i32
    %mul3A_354 = arith.muli %arg0, %mul3A_353 : i32
    %mul3A_355 = arith.constant 50000 : i32
    %mul3A_356 = arith.muli %arg1, %mul3A_355 : i32
    %add3A_357 = arith.addi %mul3A_354, %mul3A_356 : i32
    %add3A_358 = arith.constant 48000 : i32
    %add3A_359 = arith.addi %add3A_357, %add3A_358 : i32
    %dma_wait3A_360 = tpu.memref_slice %arg12[%add3A_359] : memref<1600000xf32, #tpu.memory_space<hbm>> -> memref<2000xf32, #tpu.memory_space<hbm>>
    %dma_wait3A_361 = tpu.memref_slice %arg12[%add3A_359] : memref<1600000xf32, #tpu.memory_space<hbm>> -> memref<2000xf32, #tpu.memory_space<hbm>>
    tpu.wait_dma2 semaphore(%arg36 : memref<!tpu.dma_semaphore, #tpu.memory_space<semaphore_mem>>) src(%arg30 : memref<2000xf32, #tpu.memory_space<vmem>>) dst(%dma_wait3A_361 : memref<2000xf32, #tpu.memory_space<hbm>>)
    %mul3A_362 = arith.constant 800000 : i32
    %mul3A_363 = arith.muli %arg0, %mul3A_362 : i32
    %mul3A_364 = arith.constant 50000 : i32
    %mul3A_365 = arith.muli %arg1, %mul3A_364 : i32
    %add3A_366 = arith.addi %mul3A_363, %mul3A_365 : i32
    %add3A_367 = arith.constant 48000 : i32
    %add3A_368 = arith.addi %add3A_366, %add3A_367 : i32
    %dma_wait3A_369 = tpu.memref_slice %arg13[%add3A_368] : memref<1600000xi32, #tpu.memory_space<hbm>> -> memref<2000xi32, #tpu.memory_space<hbm>>
    %dma_wait3A_370 = tpu.memref_slice %arg13[%add3A_368] : memref<1600000xi32, #tpu.memory_space<hbm>> -> memref<2000xi32, #tpu.memory_space<hbm>>
    tpu.wait_dma2 semaphore(%arg36 : memref<!tpu.dma_semaphore, #tpu.memory_space<semaphore_mem>>) src(%arg26 : memref<2000xi32, #tpu.memory_space<vmem>>) dst(%dma_wait3A_370 : memref<2000xi32, #tpu.memory_space<hbm>>)
    return
  }
}

</mosaic_0001>

<sc_bundles>
// kernel: _pre.3.cloned.1.call-start
scs
__scs_entry_jumppad:
0x0: {  	(pc) =	sbr.rel $0x88, $3  }
0x1: {  	(tag) =	ssettag $0x0;
	lr =	simm.s32 $0x1  }
0x2: {  	[smem:$0x3F98] =	sst lr;
	_ =	strace $0xD0000000  }
0x3: {  	_ = 	snop  }
0x4: {  	_ = 	snop  }
0x5: {  	_ = 	snop  }
0x6: {  	_ = 	snop  }
0x7: {  	_ = 	snop  }
__scs_overlays_trampoline_lowered:
0x8: {  	[smem:$0x3FA7] =	sst s0  }
0x9: {  	[smem:$0x3FA8] =	sst s1  }
0xa: {  	[smem:$0x3FA9] =	sst s2  }
0xb: {  	[smem:$0x3FAA] =	sst s3  }
0xc: {  	[smem:$0x3FAB] =	sst s4  }
0xd: {  	[smem:$0x3FAC] =	sst s5  }
0xe: {  	[smem:$0x3FAD] =	sst s6  }
0xf: {  	[smem:$0x3FAE] =	sst s7  }
0x10: {  	[smem:$0x3FAF] =	sst s8  }
0x11: {  	[smem:$0x3FB0] =	sst s9;
	s0 =	simm.s32 @!p0 $0x0  }
0x12: {  	s1 =	sld [smem:$0x3F96];
	s0 =	simm.s32 @p0 $0x1  }
0x13: {  	[smem:$0x3FB1] =	sst s0;
	s0 =	simm.s32 @!p1 $0x0  }
0x14: {  	s2 =	sld [smem:$0x3F95];
	s0 =	simm.s32 @p1 $0x1  }
0x15: {  	[smem:$0x3FB2] =	sst s0;
	s0 =	simm.s32 @!p2 $0x0  }
0x16: {  	s3 =	sld [smem:$0x3FDB];
	s0 =	simm.s32 @p2 $0x1  }
0x17: {  	s4 =	simm.s32 $0x1BF5;
	[smem:$0x3FB4] =	sst s0  }
0x18: {  	s0 =	sld [smem:$0x3F97];
	_ =	swait.ge [sflag:s4], $0x0  }
0x19: {  	s7 =	sld [smem:$0x3F98]  }
0x1a: {  	s8 =	sadd.s32 $0xFFFFE003, lr  }
0x1b: {  	s9 =	sadd.s32 $0xFFFFFEF7, lr;
	s5 =	simm.s32 $0xFFFFFFFF;
	p2 =	slt.u32 s8, $0xFFFFF086  }
0x1c: {  	p1 =	slt.u32 s9, $0xF7A;
	s5 =	simm.s32 @!p2 $0x0  }
0x1d: {  	s5 =	simm.s32 @p1 $0x1;
	p0 =	seq.s32 s7, s2  }
0x1e: {  	s7 =	smul.u32 @!p0 $0xF7A, s2;
	p2 =	seq.s32 @!p0 s5, $0x0  }
0x1f: {  	s9 =	smul.u32 $0xF7A, s1;
	s8 =	simm.s32 @!p0 $0x1BF5;
	p2 =	por !p2, p0  }
0x20: {  	[sflag:s8] =	ssyncset.s32 @!p0 $0xFFFFF086;
	s6 =	sadd.s32 @!p0 s3, s7;
	s7 =	simm.s32 @!p0 $0x108  }
0x21: {  	s3 =	sadd.s32 s3, s9;
	s6 =	sadd.s32 @!p0 $0x88, s6;
	s7 =	simm.s32 @p2 $0x1082  }
0x22: {  	[simem:s7], [sflag:s8] =	dma.local @!p0 [hbm:s6], $0xF7A  }
0x23: {  	s9 =	sor.u32 $0xD0000000, s2;
	s6 =	simm.s32 $0x108;
	_ =	swait.ge @!p0 [sflag:s8], $0x0  }
0x24: {  	s3 =	sadd.s32 $0x88, s3;
	s6 =	simm.s32 @!p1 $0x1082;
	[sflag:s4] =	ssyncset.s32 $0xFFFFF086  }
0x25: {  	[simem:s6], [sflag:s4] =	dma.local [hbm:s3], $0xF7A  }
0x26: {  	[smem:$0x3F98] =	sst s1;
	(tag) =	ssettag s2;
	_ =	strace s9  }
0x27: {  	s1 =	sld [smem:$0x3FA8]  }
0x28: {  	s2 =	sld [smem:$0x3FA9]  }
0x29: {  	s4 =	sld [smem:$0x3FAB]  }
0x2a: {  	p0 =	seq.s32 s5, $0x0;
	s5 =	sld [smem:$0x3FAC]  }
0x2b: {  	s6 =	sld [smem:$0x3FAD]  }
0x2c: {  	s7 =	sld [smem:$0x3FAE]  }
0x2d: {  	s3 =	simm.s32 $0x108;
	s8 =	sld [smem:$0x3FAF]  }
0x2e: {  	s3 =	simm.s32 @!p0 $0x1082;
	s9 =	sld [smem:$0x3FB0]  }
0x2f: {  	lr =	sadd.s32 s0, s3;
	s0 =	sld [smem:$0x3FA7]  }
0x30: {  	s3 =	sld [smem:$0x3FAA]  }
0x31: {  	[smem:$0x3FB3] =	sst s10  }
0x32: {  	s10 =	sld [smem:$0x3FB1];
	_ =	sdelay $0x3  }
0x33: {  	p0 =	seq.s32 s10, $0x1;
	s10 =	sld [smem:$0x3FB3];
	_ =	sdelay $0x3  }
0x34: {  	[smem:$0x3FB3] =	sst s10  }
0x35: {  	s10 =	sld [smem:$0x3FB2];
	_ =	sdelay $0x3  }
0x36: {  	p1 =	seq.s32 s10, $0x1;
	s10 =	sld [smem:$0x3FB3];
	_ =	sdelay $0x3  }
0x37: {  	[smem:$0x3FB3] =	sst s10  }
0x38: {  	s10 =	sld [smem:$0x3FB4]  }
0x39: {  	_ = 	snop;
	(pc) =	sbr.ind lr, $3  }
0x3a: {  	_ = 	snop  }
0x3b: {  	_ = 	snop  }
0x3c: {  	p2 =	seq.s32 s10, $0x1;
	s10 =	sld [smem:$0x3FB3]  }
0x3d: {  	_ =	shalt  }
0x3e: {  	_ =	shalt  }
0x3f: {  	_ =	shalt  }
0x40: {  	_ =	shalt  }
0x41: {  	_ =	shalt  }
0x42: {  	_ =	shalt  }
0x43: {  	_ =	shalt  }
0x44: {  	_ =	shalt  }
0x45: {  	_ =	shalt  }
0x46: {  	_ =	shalt  }
0x47: {  	_ =	shalt  }
0x48: {  	_ =	shalt  }
0x49: {  	_ =	shalt  }
0x4a: {  	_ =	shalt  }
0x4b: {  	_ =	shalt  }
0x4c: {  	_ =	shalt  }
0x4d: {  	_ =	shalt  }
0x4e: {  	_ =	shalt  }
0x4f: {  	_ =	shalt  }
0x50: {  	_ =	shalt  }
0x51: {  	_ =	shalt  }
0x52: {  	_ =	shalt  }
0x53: {  	_ =	shalt  }
0x54: {  	_ =	shalt  }
0x55: {  	_ =	shalt  }
0x56: {  	_ =	shalt  }
0x57: {  	_ =	shalt  }
0x58: {  	_ =	shalt  }
0x59: {  	_ =	shalt  }
0x5a: {  	_ =	shalt  }
0x5b: {  	_ =	shalt  }
0x5c: {  	_ =	shalt  }
0x5d: {  	_ =	shalt  }
0x5e: {  	_ =	shalt  }
0x5f: {  	_ =	shalt  }
0x60: {  	_ =	shalt  }
0x61: {  	_ =	shalt  }
0x62: {  	_ =	shalt  }
0x63: {  	_ =	shalt  }
0x64: {  	_ =	shalt  }
0x65: {  	_ =	shalt  }
0x66: {  	_ =	shalt  }
0x67: {  	_ =	shalt  }
0x68: {  	_ =	shalt  }
0x69: {  	_ =	shalt  }
0x6a: {  	_ =	shalt  }
0x6b: {  	_ =	shalt  }
0x6c: {  	_ =	shalt  }
0x6d: {  	_ =	shalt  }
0x6e: {  	_ =	shalt  }
0x6f: {  	_ =	shalt  }
0x70: {  	_ =	shalt  }
0x71: {  	_ =	shalt  }
0x72: {  	_ =	shalt  }
0x73: {  	_ =	shalt  }
0x74: {  	_ =	shalt  }
0x75: {  	_ =	shalt  }
0x76: {  	_ =	shalt  }
0x77: {  	_ =	shalt  }
0x78: {  	_ =	shalt  }
0x79: {  	_ =	shalt  }
0x7a: {  	_ =	shalt  }
0x7b: {  	_ =	shalt  }
0x7c: {  	_ =	shalt  }
0x7d: {  	_ =	shalt  }
0x7e: {  	_ =	shalt  }
0x7f: {  	_ =	shalt  }
0x80: {  	_ =	shalt  }
0x81: {  	_ =	shalt  }
0x82: {  	_ =	shalt  }
0x83: {  	_ =	shalt  }
0x84: {  	_ =	shalt  }
0x85: {  	_ =	shalt  }
0x86: {  	_ =	shalt  }
0x87: {  	_ =	shalt  }
.Lfunc_end0:
.L_simem_size_0:
called_computation_lowered:
.L_overlay_start_0:
0x88: {  	s2 =	sld [smem:$0x3FD9]  }
0x89: {  	s3 =	sld [smem:$0x3FFE];
	_ =	sdelay $0x1  }
0x8a: {  	s1 =	srdreg.scid  }
0x8b: {  	s0 =	sand.u32 $0x1, s1  }
0x8c: {  	s26 =	sshll.u32 s0, $0xA;
	s2 =	sadd.s32 s3, s2  }
0x8d: {  	s2 =	sadd.s32 s2, s26  }
0x8e: {  	[smem:$0x3FBF] =	sst s2  }
0x8f: {  	_ = 	snop  }
0x90: {  	s2 =	sld [smem:$0x3FC9]  }
0x91: {  	s3 =	sld [smem:$0x3FC8]  }
0x92: {  	s4 =	sld [smem:$0x3FC7]  }
0x93: {  	s5 =	sld [smem:$0x3FC6]  }
0x94: {  	s6 =	sld [smem:$0x3FC5]  }
0x95: {  	s7 =	sld [smem:$0x3FC4]  }
0x96: {  	s11 =	sld [smem:$0x3FD0]  }
0x97: {  	s8 =	sld [smem:$0x3FC3]  }
0x98: {  	s9 =	sld [smem:$0x3FC2]  }
0x99: {  	s14 =	simm.s32 $0xA;
	s12 =	simm.s32 $0x10;
	s10 =	sld [smem:$0x3FC1]  }
0x9a: {  	[smem:s12], [sflag:s14] =	dma.local [hbm:s11], $0x1  }
0x9b: {  	_ =	swait.eq [sflag:s14], $0x1  }
0x9c: {  	s11 =	sld [smem:$0x10]  }
0x9d: {  	s12 =	sld [smem:$0x11];
	[sflag:s14] =	ssyncset.done $0x0  }
0x9e: {  	s13 =	sld [smem:$0x12];
	[sflag:s14] =	ssyncadd.s32 $0xFFFFFFFF  }
0x9f: {  	s14 =	sld [smem:$0x13];
	(tm) =	ssettm $0x1  }
0xa0: {  	s15 =	sld [smem:$0x3FFB];
	_ =	sdelay $0x3  }
0xa1: {  	_ =	strace s15  }
0xa2: {  	s15 =	sld [smem:$0x3FFC];
	_ =	sdelay $0x3  }
0xa3: {  	_ =	strace s15  }
0xa4: {  	s15 =	sld [smem:$0x3FFD];
	_ =	sdelay $0x3  }
0xa5: {  	_ =	strace s15  }
0xa6: {  	_ =	strace $0x8FFFFFFF  }
0xa7: {  	s28 =	sld [smem:$0x3FDB];
	_ =	sdelay $0x1  }
0xa8: {  	s16 =	simm.s32 $_scs_section_size  }
0xa9: {  	s17 =	simm.s32 $_size__tile_task_arg_handler_lowered;
	s18 =	simm.s32 $_tile_task_arg_handler_lowered  }
0xaa: {  	s31 =	simm.s32 $0x1BFF;
	s30 =	sshll.u32 s18, $0x1;
	s16 =	sadd.s32 s16, s28  }
0xab: {  	s19 =	simm.s32 $0x60;
	s29 =	sshll.u32 s17, $0x1;
	s17 =	sadd.s32 s30, s16  }
0xac: {  	[timem:s19], [sflag:s31] =	dma.local [hbm:s17], s29  }
0xad: {  	_ =	swait.ge [sflag:s31], s29  }
0xae: {  	s15 =	ssub.s32 $0x0, s29;
	s19 =	simm.s32 $_tile_overlayer_lowered;
	[sflag:s31] =	ssyncset.done $0x0  }
0xaf: {  	s20 =	simm.s32 $_size__tile_overlayer_lowered;
	s17 =	sshll.u32 s19, $0x1;
	[sflag:s31] =	ssyncadd.s32 s15  }
0xb0: {  	s22 =	simm.s32 $0x0;
	s21 =	sshll.u32 s20, $0x1;
	s17 =	sadd.s32 s17, s16  }
0xb1: {  	[timem:s22], [sflag:s31] =	dma.local [hbm:s17], s21  }
0xb2: {  	_ =	swait.ge [sflag:s31], s21  }
0xb3: {  	s23 =	ssub.s32 $0x0, s21;
	[sflag:s31] =	ssyncset.done $0x0  }
0xb4: {  	[sflag:s31] =	ssyncadd.s32 s23;
	_ =	sdelay $0x1  }
0xb5: {  	s24 =	simm.s32 $0x1B8B  }
0xb6: {  	_ =	swait.ge [sflag:s24], $0x1  }
0xb7: {  	[sflag:s24] =	ssyncset.done $0x0  }
0xb8: {  	s25 =	simm.s32 $0x1B8E;
	[sflag:s24] =	ssyncadd.s32 $0xFFFFFFFF  }
0xb9: {  	s26 =	simm.s32 $execute0_lowered;
	[smem:$0x3FD2] =	sst s25  }
0xba: {  	s17 =	sshll.u32 s26, $0x1;
	_ =	strace $0x80000046;
	[dreg:$0x1] =	wrdreg $0xFFFFFFFF  }
0xbb: {  	s28 =	simm.s32 $_size_execute0_lowered;
	s16 =	sadd.s32 s16, s17;
	[dreg:$0x0] =	wrdreg $0x0  }
0xbc: {  	s17 =	sshll.u32 s28, $0x1;
	[dreg:$0x2] =	wrdreg s16  }
0xbd: {  	[dreg:$0x3] =	wrdreg s17  }
0xbe: {  	[dreg:$0x4] =	wrdreg $0xC0  }
0xbf: {  	_ =	task [dreg:s22], $0x5FFFF  }
0xc0: {  	[dreg:$0x1] =	wrdreg $0xFFFFFFFF  }
0xc1: {  	[dreg:$0x0] =	wrdreg $0x30  }
0xc2: {  	[dreg:$0x2] =	wrdreg $0x0  }
0xc3: {  	[dreg:$0x3] =	wrdreg $0x9  }
0xc4: {  	_ =	task [dreg:s22], $0x4FFFF  }
0xc5: {  	[dreg:$0x1] =	wrdreg $0xFFFFFFFF  }
0xc6: {  	[dreg:$0x0] =	wrdreg $0x60  }
0xc7: {  	[dreg:$0x2] =	wrdreg s2  }
0xc8: {  	[dreg:$0x3] =	wrdreg s3  }
0xc9: {  	[dreg:$0x4] =	wrdreg s4  }
0xca: {  	[dreg:$0x5] =	wrdreg s5  }
0xcb: {  	[dreg:$0x6] =	wrdreg s6  }
0xcc: {  	[dreg:$0x7] =	wrdreg s7  }
0xcd: {  	[dreg:$0x8] =	wrdreg s8  }
0xce: {  	[dreg:$0x9] =	wrdreg s9  }
0xcf: {  	[dreg:$0xa] =	wrdreg s10  }
0xd0: {  	[dreg:$0xb] =	wrdreg s11  }
0xd1: {  	[dreg:$0xc] =	wrdreg s12  }
0xd2: {  	[dreg:$0xd] =	wrdreg s13  }
0xd3: {  	[dreg:$0xe] =	wrdreg s14  }
0xd4: {  	[dreg:$0xf] =	wrdreg $0x0  }
0xd5: {  	_ =	task.clear_ibuf [dreg:s22], $0x10FFFF;
	_ =	strace $0x90000046  }
0xd6: {  	s29 =	simm.s32 $0x9;
	_ =	strace $0x80000048  }
0xd7: {  	_ =	swait.ge [sflag:s29], $0x1  }
0xd8: {  	[sflag:s29] =	ssyncadd.s32 $0xFFFFFFFF  }
0xd9: {  	_ =	strace $0x90000048  }
0xda: {  	_ =	sfence  }
0xdb: {  	s30 =	sld [smem:$0x0];
	_ =	sdelay $0x2  }
0xdc: {  	s31 =	sshll.u32 s1, $0xD;
	s1 =	sshrl.u32 s1, $0x2  }
0xdd: {  	s3 =	sand.u32 $0x4000, s31;
	s1 =	sadd.s32 s1, s30  }
0xde: {  	s0 =	sor.u32 s3, s0;
	s1 =	sshll.u32 s1, $0x11  }
0xdf: {  	s0 =	sor.u32 s1, s0  }
0xe0: {  	s0 =	sadd.s32 $0x8F2B, s0  }
0xe1: {  	[sflag:s0] =	ssyncadd.remote.s32 $0x1  }
0xe2: {  	_ =	sfence.sel $0xFFFF  }
0xe3: {  	[dreg:$0x0] =	wrdreg $0xFFFFFFFF;
	(pc) =	sbr.abs _section_cstart, $3  }
0xe4: {  	[dreg:$0x1] =	wrdreg $0xFFFFFFFF  }
0xe5: {  	_ =	task.clear_ibuf [dreg:s22], $0x2FFFF;
	_ =	strace $0x9FFFFFFF  }
0xe6: {  	(tm) =	ssettm $0x7FFFFFFF  }
0xe7: {  	_ =	shalt  }
tec
_tile_task_arg_handler_lowered:
.L_overlay_start_1:
0x0: {  	(tag) =	ssettag $0x1  }
0x1: {  	s0 =	rddreg [dreg:$0x0]  }
0x2: {  	s1 =	rddreg [dreg:$0x1]  }
0x3: {  	s2 =	rddreg [dreg:$0x2]  }
0x4: {  	s3 =	rddreg [dreg:$0x3]  }
0x5: {  	s4 =	rddreg [dreg:$0x4]  }
0x6: {  	s5 =	rddreg [dreg:$0x5]  }
0x7: {  	s6 =	rddreg [dreg:$0x6]  }
0x8: {  	s7 =	rddreg [dreg:$0x7]  }
0x9: {  	s8 =	rddreg [dreg:$0x8]  }
0xa: {  	s9 =	rddreg [dreg:$0x9]  }
0xb: {  	s10 =	rddreg [dreg:$0xa]  }
0xc: {  	s11 =	rddreg [dreg:$0xb]  }
0xd: {  	s12 =	rddreg [dreg:$0xc]  }
0xe: {  	s13 =	rddreg [dreg:$0xd]  }
0xf: {  	[smem:s0] =	sst s1  }
0x10: {  	[smem:s0+$0x1] =	sst s2  }
0x11: {  	[smem:s0+$0x2] =	sst s3  }
0x12: {  	[smem:s0+$0x3] =	sst s4  }
0x13: {  	[smem:s0+$0x4] =	sst s5  }
0x14: {  	[smem:s0+$0x5] =	sst s6  }
0x15: {  	[smem:s0+$0x6] =	sst s7  }
0x16: {  	[smem:s0+$0x7] =	sst s8  }
0x17: {  	[smem:s0+$0x8] =	sst s9  }
0x18: {  	[smem:s0+$0x9] =	sst s10  }
0x19: {  	[smem:s0+$0xA] =	sst s11  }
0x1a: {  	[smem:s0+$0xB] =	sst s12  }
0x1b: {  	[smem:s0+$0xC] =	sst s13;
	_ =	shalt  }
.Lfunc_end2:
execute0_lowered:
.L_overlay_start_2:
0x1c: {  	(tag) =	ssettag $0x2  }
0x1d: {  	s6 =	rddreg [dreg:$0x0]  }
0x1e: {  	s7 =	rddreg [dreg:$0x1]  }
0x1f: {  	s8 =	rddreg [dreg:$0x2]  }
0x20: {  	s3 =	rddreg [dreg:$0x3]  }
0x21: {  	s9 =	rddreg [dreg:$0x4]  }
0x22: {  	s10 =	rddreg [dreg:$0x5]  }
0x23: {  	s11 =	rddreg [dreg:$0x6]  }
0x24: {  	s5 =	rddreg [dreg:$0x7]  }
0x25: {  	s12 =	rddreg [dreg:$0x8]  }
0x26: {  	s28 =	rddreg [dreg:$0x9]  }
0x27: {  	s13 =	rddreg [dreg:$0xa];
	s0 =	srdreg.scid  }
0x28: {  	s17 =	rddreg [dreg:$0xb];
	s16 =	simm.s32 $0x0;
	s0 =	sand.u32 $0x1, s0  }
0x29: {  	s14 =	stileid.u32;
	[smem:$0x7FF] =	sst s16;
	s1 =	sshll.u32 s0, $0x4  }
0x2a: {  	s21 =	sld [smem:$0x0];
	s22 =	ssub.s32 $0x2, s0;
	s1 =	sor.u32 s14, s1  }
0x2b: {  	s19 =	rddreg [dreg:$0xc];
	s2 =	sshrl.u32 s22, $0x1;
	s18 =	smul.u32 $0xC350, s1  }
0x2c: {  	s15 =	rddreg [dreg:$0xd];
	s1 =	ssub.s32 s22, s2  }
0x2d: {  	[dreg:$0xe] =	wrdreg s21;
	s4 =	sadd.s32 $0x7D0, s18;
	s23 =	sshrl.u32 s18, $0x3  }
0x2e: {  	_ =	strace $0x80000047;
	[dreg:$0xf] =	wrdreg s4;
	s20 =	sadd.s32 s5, s23  }
0x2f: {  	s4 =	sshrl.u32 s4, $0x3;
	s24 =	sadd.s32 s12, s23;
	[dreg:$0x10] =	wrdreg s20  }
0x30: {  	s2 =	sadd.s32 s19, s23;
	s5 =	sadd.s32 s5, s4;
	[dreg:$0x13] =	wrdreg s24  }
0x31: {  	s4 =	sadd.s32 s12, s4;
	[dreg:$0x11] =	wrdreg s5;
	s5 =	smul.u32 $0xC350, s14  }
0x32: {  	s2 =	sadd.s32 $0x1770, s2;
	[dreg:$0x12] =	wrdreg s4  }
0x33: {  	[dreg:$0x14] =	wrdreg s2;
	s25 =	sshrl.u32 s5, $0x3;
	s24 =	sadd.s32 $0xFA0, s5  }
0x34: {  	s26 =	sadd.s32 s6, s25;
	[dreg:$0x1c] =	wrdreg s24  }
0x35: {  	s12 =	sadd.s32 s7, s25;
	[dreg:$0x15] =	wrdreg s26  }
0x36: {  	s4 =	sadd.s32 s5, s15;
	s2 =	sadd.s32 s8, s25;
	[dreg:$0x16] =	wrdreg s12  }
0x37: {  	s14 =	sadd.s32 $0xFA, s25;
	s25 =	sadd.s32 $0x1770, s5;
	[dreg:$0x17] =	wrdreg s2  }
0x38: {  	s24 =	sadd.s32 $0xBB80, s4;
	[dreg:$0x1d] =	wrdreg s25  }
0x39: {  	s0 =	smul.u32 $0xC3500, s0;
	s20 =	sadd.s32 s6, s14;
	[smem:$0x7FB] =	sst s24  }
0x3a: {  	s29 =	simm.s32 $0xC350;
	s21 =	sadd.s32 s7, s14;
	[dreg:$0x18] =	wrdreg s20  }
0x3b: {  	s12 =	sadd.s32 s5, s0;
	s22 =	sadd.s32 s8, s14;
	[dreg:$0x19] =	wrdreg s21  }
0x3c: {  	s30 =	simm.s32 $0xD2F0;
	[dreg:$0x1a] =	wrdreg s22;
	s23 =	sadd.s32 $0x7D0, s12  }
0x3d: {  	s31 =	simm.s32 $0x1;
	s21 =	smax.u32 s1, $0x1;
	[dreg:$0x1b] =	wrdreg s23  }
0x3e: {  	s24 =	simm.s32 $0xE290;
	s22 =	sadd.s32 $0xFA0, s18;
	[smem:$0x7F8] =	sst s21  }
0x3f: {  	s26 =	sshrl.u32 s12, $0x3;
	s25 =	sadd.s32 $0xFA0, s12;
	[smem:$0x7F9] =	sst s22  }
0x40: {  	s5 =	simm.s32 $0x3;
	s8 =	sadd.s32 s10, s26;
	[smem:$0x7FC] =	sst s25  }
0x41: {  	s0 =	sshrl.u32 s23, $0x3;
	s23 =	sadd.s32 $0x1770, s18;
	[smem:$0x7F2] =	sst s8  }
0x42: {  	s1 =	simm.s32 $0xDAC0;
	s6 =	sadd.s32 s10, s0;
	[smem:$0x7FA] =	sst s23  }
0x43: {  	s14 =	sadd.s32 $0x1770, s26;
	s7 =	sadd.s32 s11, s0;
	[dreg:$0x1e] =	wrdreg s6  }
0x44: {  	s22 =	smov.u32 s18;
	s0 =	sadd.s32 s9, s0;
	[dreg:$0x1f] =	wrdreg s7  }
0x45: {  	s25 =	smov.u32 s12;
	s10 =	sadd.s32 s11, s26;
	[smem:$0x7F1] =	sst s0  }
0x46: {  	s21 =	simm.s32 $0x7D0;
	s11 =	sadd.s32 s9, s26;
	[smem:$0x7F3] =	sst s10  }
0x47: {  	s2 =	sadd.s32 s28, s14;
	s20 =	sadd.s32 s13, s14;
	[smem:$0x7F4] =	sst s11  }
0x48: {  	s26 =	sadd.s32 $0x1770, s12;
	s8 =	simm.s32 $0xFA00;
	[smem:$0x7F5] =	sst s2  }
0x49: {  	s9 =	simm.s32 $0x130B0;
	s12 =	simm.s32 $0x13880;
	[smem:$0x7F6] =	sst s20  }
0x4a: {  	s0 =	sadd.s32 s17, s14;
	s14 =	smov.u32 s4;
	[smem:$0x7FD] =	sst s26  }
0x4b: {  	s2 =	simm.s32 $0x2;
	s4 =	simm.s32 $0xEA60;
	s6 =	simm.s32 $0xF230  }
0x4c: {  	s7 =	simm.s32 $0x4;
	s20 =	simm.s32 $0x12110;
	s10 =	simm.s32 $0x128E0  }
0x4d: {  	v0 =	vimm.s32 $0x0;
	s17 =	simm.s32 $0x0;
	[smem:$0x7F7] =	sst s0;
	s0 =	simm.s32 $0xCB20  }
.LBB3_1:
0x4e: {  	[smem:$0x7F0] =	sst s17  }
0x4f: {  	s11 =	rddreg [dreg:$0x10]  }
0x50: {  	[tilespmem:s29], [sflag:$0x1] =	stream.linear.gather [hbm4b:s11+s16], $0x7D0, $0x38;
	[tilespmem:$0x14050] =	vst v63  }
0x51: {  	s18 =	rddreg [dreg:$0x13]  }
0x52: {  	[tilespmem:s30], [sflag:$0x1] =	stream.linear.gather [hbm4b:s18+s16], $0x7D0, $0x38;
	[tilespmem:$0x14050] =	vst v63  }
0x53: {  	_ =	swait.ge [sflag:s31], $0x7D0  }
0x54: {  	[sflag:s31] =	ssyncset.done $0x0  }
0x55: {  	[sflag:s31] =	ssyncadd.s32 $0xFFFFF830  }
0x56: {  	_ =	swait.ge [sflag:s31], $0x7D0  }
0x57: {  	[sflag:s31] =	ssyncset.done $0x0  }
0x58: {  	[sflag:s31] =	ssyncadd.s32 $0xFFFFF830  }
0x59: {  	[tilespmem:s24], [sflag:$0x3] =	stream.indirect.gather [hbm4b:s3+s21], $0x1, s30, s21, $0xb8;
	[tilespmem:$0x14050] =	vst v63  }
0x5a: {  	s23 =	rddreg [dreg:$0x11]  }
0x5b: {  	[tilespmem:s0], [sflag:$0x2] =	stream.linear.gather [hbm4b:s23+s16], $0x7D0, $0x38;
	[tilespmem:$0x14050] =	vst v63  }
0x5c: {  	s13 =	simm.s32 $0x0;
	s26 =	rddreg [dreg:$0x12]  }
0x5d: {  	[tilespmem:s1], [sflag:$0x2] =	stream.linear.gather [hbm4b:s26+s16], $0x7D0, $0x38;
	[tilespmem:$0x14050] =	vst v63  }
.LBB3_2:
0x5e: {  	_ =	swait.ge [sflag:s2], $0x7D0  }
0x5f: {  	[sflag:s2] =	ssyncset.done $0x0  }
0x60: {  	[sflag:s2] =	ssyncadd.s32 $0xFFFFF830  }
0x61: {  	_ =	swait.ge [sflag:s2], $0x7D0  }
0x62: {  	[sflag:s2] =	ssyncset.done $0x0  }
0x63: {  	[sflag:s2] =	ssyncadd.s32 $0xFFFFF830  }
0x64: {  	[tilespmem:s4], [sflag:$0x4] =	stream.indirect.gather [hbm4b:s3+s21], $0x1, s1, s21, $0xb8;
	[tilespmem:$0x14050] =	vst v63  }
0x65: {  	_ =	swait.ge [sflag:s5], $0x7D0  }
0x66: {  	p0 =	seq.s32 s13, $0x0;
	[sflag:s5] =	ssyncset.done $0x0  }
0x67: {  	s11 =	simm.s32 @!p0 $0x5;
	[sflag:s5] =	ssyncadd.s32 $0xFFFFF830  }
0x68: {  	_ =	swait.ge @!p0 [sflag:s11], $0x7D0  }
0x69: {  	[sflag:s11] =	ssyncset.done @!p0 $0x0  }
0x6a: {  	s17 =	simm.s32 $0x0;
	[sflag:s11] =	ssyncadd.s32 @!p0 $0xFFFFF830  }
0x6b: {  	v2 =	vld [tilespmem:s17+$0xE290];
	_ =	sdelay $0x2  }
0x6c: {  	v1 =	vld [tilespmem:s17+$0xC350]  }
0x6d: {  	s11 =	simm.s32 $0x40  }
.LBB3_3:
0x6e: {  	s18 =	sshra.s32 s11, $0x2;
	p1 =	sne.s32 s11, $0x1F00;
	s11 =	sadd.s32 $0x40, s11;
	vm0 =	vgt.s32 v2, $0x5;
	vm1 =	vgt.s32 v2, $0x6  }
.Ltmp0:
0x6f: {  	v3 =	vsel vm0, $0x1, v0;
	v4 =	vsel vm1, $0x1, v0;
	vm0 =	vgt.s32 v2, $0x7;
	v2 =	vld [tilespmem:s18+$0xE290];
	(pc) =	sbr.rel @p1 .LBB3_3-.Ltmp0, $4  }
0x70: {  	v3 =	vadd.s32 v4, v3;
	v4 =	vsel vm0, $0x1, v0  }
0x71: {  	v3 =	vadd.s32 v4, v3;
	v4 =	vshll.u32 v1, $0x2  }
0x72: {  	v1 =	vld [tilespmem:s18+$0xC350];
	v3 =	vadd.s32 v4, v3  }
0x73: {  	[tilespmem:s17+$0xF230] =	vst v3;
	s17 =	smov.u32 s18  }
0x74: {  	vm0 =	vgt.s32 v2, $0x5;
	vm1 =	vgt.s32 v2, $0x6;
	s11 =	smul.u32 $0xFA0, s13  }
0x75: {  	vm15 =	vgt.s32 v2, $0x7;
	v3 =	vsel vm0, $0x1, v0;
	v4 =	vsel vm1, $0x1, v0  }
0x76: {  	v2 =	vadd.s32 v4, v3;
	v3 =	vsel vm15, $0x1, v0;
	s18 =	sadd.s32 s22, s11  }
0x77: {  	v2 =	vadd.s32 v3, v2;
	v1 =	vshll.u32 v1, $0x2;
	s18 =	sshrl.u32 s18, $0x3  }
0x78: {  	v1 =	vadd.s32 v1, v2;
	s26 =	sadd.s32 s19, s18;
	s18 =	sld [smem:$0x7F9]  }
0x79: {  	[tilespmem:s17+$0xF230] =	vst v1  }
0x7a: {  	[hbm4b:s26+s16] =	stream.linear.scatter [tilespmem:s6], [sflag:$0x5], $0x7D0, $0x38;
	[tilespmem:$0x14050] =	vst v63  }
0x7b: {  	s17 =	sadd.s32 s11, s18  }
0x7c: {  	s23 =	rddreg [dreg:$0x7];
	s17 =	sshrl.u32 s17, $0x3  }
0x7d: {  	s26 =	rddreg [dreg:$0x8];
	s18 =	sadd.s32 s23, s17  }
0x7e: {  	[tilespmem:s29], [sflag:$0x1] =	stream.linear.gather [hbm4b:s18+s16], $0x7D0, $0x38;
	[tilespmem:$0x14050] =	vst v63  }
0x7f: {  	s17 =	sadd.s32 s26, s17  }
0x80: {  	[tilespmem:s30], [sflag:$0x1] =	stream.linear.gather [hbm4b:s17+s16], $0x7D0, $0x38;
	[tilespmem:$0x14050] =	vst v63  }
0x81: {  	_ =	swait.ge [sflag:s31], $0x7D0  }
0x82: {  	[sflag:s31] =	ssyncset.done $0x0  }
0x83: {  	[sflag:s31] =	ssyncadd.s32 $0xFFFFF830  }
0x84: {  	_ =	swait.ge [sflag:s31], $0x7D0  }
0x85: {  	[sflag:s31] =	ssyncset.done $0x0  }
0x86: {  	[sflag:s31] =	ssyncadd.s32 $0xFFFFF830  }
0x87: {  	[tilespmem:s24], [sflag:$0x3] =	stream.indirect.gather [hbm4b:s3+s21], $0x1, s30, s21, $0xb8;
	[tilespmem:$0x14050] =	vst v63  }
0x88: {  	_ =	swait.ge [sflag:s7], $0x7D0  }
0x89: {  	[sflag:s7] =	ssyncset.done $0x0  }
0x8a: {  	s17 =	simm.s32 @!p0 $0x6;
	[sflag:s7] =	ssyncadd.s32 $0xFFFFF830  }
0x8b: {  	_ =	swait.ge @!p0 [sflag:s17], $0x7D0  }
0x8c: {  	[sflag:s17] =	ssyncset.done @!p0 $0x0  }
0x8d: {  	[sflag:s17] =	ssyncadd.s32 @!p0 $0xFFFFF830;
	s17 =	simm.s32 $0x0  }
0x8e: {  	v2 =	vld [tilespmem:s17+$0xEA60];
	_ =	sdelay $0x2  }
0x8f: {  	v1 =	vld [tilespmem:s17+$0xCB20]  }
0x90: {  	s18 =	simm.s32 $0x40  }
.LBB3_5:
0x91: {  	s23 =	sshra.s32 s18, $0x2;
	p0 =	sne.s32 s18, $0x1F00;
	s18 =	sadd.s32 $0x40, s18;
	vm0 =	vgt.s32 v2, $0x5;
	vm1 =	vgt.s32 v2, $0x6  }
.Ltmp1:
0x92: {  	v3 =	vsel vm0, $0x1, v0;
	v4 =	vsel vm1, $0x1, v0;
	vm0 =	vgt.s32 v2, $0x7;
	v2 =	vld [tilespmem:s23+$0xEA60];
	(pc) =	sbr.rel @p0 .LBB3_5-.Ltmp1, $4  }
0x93: {  	v3 =	vadd.s32 v4, v3;
	v4 =	vsel vm0, $0x1, v0  }
0x94: {  	v3 =	vadd.s32 v4, v3;
	v4 =	vshll.u32 v1, $0x2  }
0x95: {  	v1 =	vld [tilespmem:s23+$0xCB20];
	v3 =	vadd.s32 v4, v3  }
0x96: {  	[tilespmem:s17+$0xFA00] =	vst v3;
	s17 =	smov.u32 s23  }
0x97: {  	vm0 =	vgt.s32 v2, $0x5;
	vm1 =	vgt.s32 v2, $0x6  }
0x98: {  	vm15 =	vgt.s32 v2, $0x7;
	p0 =	seq.s32 s13, $0xB;
	v3 =	vsel vm0, $0x1, v0;
	v4 =	vsel vm1, $0x1, v0  }
.Ltmp2:
0x99: {  	s18 =	rddreg [dreg:$0xf];
	v2 =	vadd.s32 v4, v3;
	v3 =	vsel vm15, $0x1, v0;
	(pc) =	sbr.rel @p0 .LBB3_8-.Ltmp2, $4  }
0x9a: {  	s18 =	sadd.s32 s11, s18;
	v2 =	vadd.s32 v3, v2;
	v1 =	vshll.u32 v1, $0x2  }
0x9b: {  	s18 =	sshrl.u32 s18, $0x3;
	v1 =	vadd.s32 v1, v2  }
0x9c: {  	s26 =	sadd.s32 s19, s18;
	[tilespmem:s17+$0xFA00] =	vst v1  }
0x9d: {  	[hbm4b:s26+s16] =	stream.linear.scatter [tilespmem:s8], [sflag:$0x6], $0x7D0, $0x38;
	[tilespmem:$0x14050] =	vst v63  }
0x9e: {  	s17 =	sld [smem:$0x7FA];
	_ =	sdelay $0x2  }
0x9f: {  	s11 =	sadd.s32 s11, s17  }
.Ltmp3:
0xa0: {  	s23 =	rddreg [dreg:$0x7];
	s11 =	sshrl.u32 s11, $0x3;
	(pc) =	sbr.rel .LBB3_2-.Ltmp3, $4  }
0xa1: {  	s26 =	rddreg [dreg:$0x8];
	s17 =	sadd.s32 s23, s11  }
0xa2: {  	[tilespmem:s0], [sflag:$0x2] =	stream.linear.gather [hbm4b:s17+s16], $0x7D0, $0x38;
	[tilespmem:$0x14050] =	vst v63  }
0xa3: {  	s13 =	sadd.s32 $0x1, s13;
	s11 =	sadd.s32 s26, s11  }
0xa4: {  	[tilespmem:s1], [sflag:$0x2] =	stream.linear.gather [hbm4b:s11+s16], $0x7D0, $0x38;
	[tilespmem:$0x14050] =	vst v63  }
.LBB3_8:
0xa5: {  	_ =	swait.ge [sflag:s5], $0x7D0  }
0xa6: {  	[sflag:s5] =	ssyncset.done $0x0  }
0xa7: {  	s11 =	simm.s32 $0x5;
	[sflag:s5] =	ssyncadd.s32 $0xFFFFF830  }
0xa8: {  	_ =	swait.ge [sflag:s11], $0x7D0  }
0xa9: {  	[sflag:s11] =	ssyncset.done $0x0  }
0xaa: {  	[sflag:s11] =	ssyncadd.s32 $0xFFFFF830;
	s11 =	simm.s32 $0x0  }
0xab: {  	v2 =	vld [tilespmem:s11+$0xE290];
	_ =	sdelay $0x2  }
0xac: {  	v1 =	vld [tilespmem:s11+$0xC350]  }
0xad: {  	s13 =	simm.s32 $0x40  }
.LBB3_9:
0xae: {  	s17 =	sshra.s32 s13, $0x2;
	p0 =	sne.s32 s13, $0x1F00;
	s13 =	sadd.s32 $0x40, s13;
	vm0 =	vgt.s32 v2, $0x5;
	vm1 =	vgt.s32 v2, $0x6  }
.Ltmp4:
0xaf: {  	v3 =	vsel vm0, $0x1, v0;
	v4 =	vsel vm1, $0x1, v0;
	vm0 =	vgt.s32 v2, $0x7;
	v2 =	vld [tilespmem:s17+$0xE290];
	(pc) =	sbr.rel @p0 .LBB3_9-.Ltmp4, $4  }
0xb0: {  	v3 =	vadd.s32 v4, v3;
	v4 =	vsel vm0, $0x1, v0  }
0xb1: {  	v3 =	vadd.s32 v4, v3;
	v4 =	vshll.u32 v1, $0x2  }
0xb2: {  	v1 =	vld [tilespmem:s17+$0xC350];
	v3 =	vadd.s32 v4, v3  }
0xb3: {  	[tilespmem:s11+$0xF230] =	vst v3;
	s11 =	smov.u32 s17  }
0xb4: {  	vm0 =	vgt.s32 v2, $0x5;
	vm1 =	vgt.s32 v2, $0x6  }
0xb5: {  	vm15 =	vgt.s32 v2, $0x7;
	v3 =	vsel vm0, $0x1, v0;
	v4 =	vsel vm1, $0x1, v0  }
0xb6: {  	v2 =	vadd.s32 v4, v3;
	v3 =	vsel vm15, $0x1, v0  }
0xb7: {  	v2 =	vadd.s32 v3, v2;
	v1 =	vshll.u32 v1, $0x2  }
0xb8: {  	v1 =	vadd.s32 v1, v2  }
0xb9: {  	s13 =	simm.s32 $0x0;
	s18 =	rddreg [dreg:$0x14];
	s19 =	simm.s32 $0x6;
	[tilespmem:s11+$0xF230] =	vst v1  }
0xba: {  	[hbm4b:s18+s13] =	stream.linear.scatter [tilespmem:s6], [sflag:$0x5], $0x7D0, $0x38;
	[tilespmem:$0x14050] =	vst v63  }
0xbb: {  	_ =	swait.ge [sflag:s19], $0x7D0  }
0xbc: {  	[sflag:s19] =	ssyncset.done $0x0  }
0xbd: {  	s23 =	simm.s32 $0x5;
	[sflag:s19] =	ssyncadd.s32 $0xFFFFF830  }
0xbe: {  	_ =	swait.ge [sflag:s23], $0x7D0  }
0xbf: {  	[sflag:s23] =	ssyncset.done $0x0  }
0xc0: {  	s26 =	rddreg [dreg:$0x15];
	[sflag:s23] =	ssyncadd.s32 $0xFFFFF830  }
0xc1: {  	[tilespmem:s20], [sflag:$0x1] =	stream.linear.gather [hbm4b:s26+s13], $0x7D0, $0x38;
	[tilespmem:$0x14050] =	vst v63  }
0xc2: {  	s17 =	rddreg [dreg:$0x16]  }
0xc3: {  	[tilespmem:s9], [sflag:$0x1] =	stream.linear.gather [hbm4b:s17+s13], $0x7D0, $0x38;
	[tilespmem:$0x14050] =	vst v63  }
0xc4: {  	s18 =	rddreg [dreg:$0x17]  }
0xc5: {  	[tilespmem:s29], [sflag:$0x1] =	stream.linear.gather [hbm4b:s18+s13], $0x7D0, $0x38;
	[tilespmem:$0x14050] =	vst v63  }
0xc6: {  	_ =	swait.ge [sflag:s31], $0x7D0  }
0xc7: {  	[sflag:s31] =	ssyncset.done $0x0  }
0xc8: {  	[sflag:s31] =	ssyncadd.s32 $0xFFFFF830  }
0xc9: {  	_ =	swait.ge [sflag:s31], $0x7D0  }
0xca: {  	[sflag:s31] =	ssyncset.done $0x0  }
0xcb: {  	[sflag:s31] =	ssyncadd.s32 $0xFFFFF830  }
0xcc: {  	_ =	swait.ge [sflag:s31], $0x7D0  }
0xcd: {  	[sflag:s31] =	ssyncset.done $0x0  }
0xce: {  	[sflag:s31] =	ssyncadd.s32 $0xFFFFF830  }
0xcf: {  	[tilespmem:s30], [sflag:$0x3] =	stream.indirect.gather [hbm4b:s3+s21], $0x1, s29, s21, $0xb8;
	[tilespmem:$0x14050] =	vst v63  }
0xd0: {  	s19 =	rddreg [dreg:$0x18]  }
0xd1: {  	[tilespmem:s10], [sflag:$0x2] =	stream.linear.gather [hbm4b:s19+s13], $0x7D0, $0x38;
	[tilespmem:$0x14050] =	vst v63  }
0xd2: {  	s23 =	rddreg [dreg:$0x19]  }
0xd3: {  	[tilespmem:s12], [sflag:$0x2] =	stream.linear.gather [hbm4b:s23+s13], $0x7D0, $0x38;
	[tilespmem:$0x14050] =	vst v63  }
0xd4: {  	s26 =	rddreg [dreg:$0x1a]  }
0xd5: {  	[tilespmem:s0], [sflag:$0x2] =	stream.linear.gather [hbm4b:s26+s13], $0x7D0, $0x38;
	[tilespmem:$0x14050] =	vst v63  }
.LBB3_11:
0xd6: {  	_ =	swait.ge [sflag:s2], $0x7D0  }
0xd7: {  	[sflag:s2] =	ssyncset.done $0x0  }
0xd8: {  	[sflag:s2] =	ssyncadd.s32 $0xFFFFF830  }
0xd9: {  	_ =	swait.ge [sflag:s2], $0x7D0  }
0xda: {  	[sflag:s2] =	ssyncset.done $0x0  }
0xdb: {  	[sflag:s2] =	ssyncadd.s32 $0xFFFFF830  }
0xdc: {  	_ =	swait.ge [sflag:s2], $0x7D0  }
0xdd: {  	[sflag:s2] =	ssyncset.done $0x0  }
0xde: {  	[sflag:s2] =	ssyncadd.s32 $0xFFFFF830  }
0xdf: {  	[tilespmem:s1], [sflag:$0x4] =	stream.indirect.gather [hbm4b:s3+s21], $0x1, s0, s21, $0xb8;
	[tilespmem:$0x14050] =	vst v63  }
0xe0: {  	_ =	swait.ge [sflag:s5], $0x7D0  }
0xe1: {  	p0 =	seq.s32 s13, $0x0;
	[sflag:s5] =	ssyncset.done $0x0  }
0xe2: {  	s11 =	simm.s32 @!p0 $0x5;
	[sflag:s5] =	ssyncadd.s32 $0xFFFFF830  }
0xe3: {  	_ =	swait.ge @!p0 [sflag:s11], $0x7D0  }
0xe4: {  	[sflag:s11] =	ssyncset.done @!p0 $0x0  }
0xe5: {  	s18 =	simm.s32 $0x0;
	[sflag:s11] =	ssyncadd.s32 @!p0 $0xFFFFF830  }
0xe6: {  	v1 =	vld [tilespmem:s18+$0x12110]  }
0xe7: {  	v2 =	vld [tilespmem:s18+$0x130B0];
	_ =	sdelay $0x2  }
0xe8: {  	s23 =	simm.s32 $0x10;
	v3 =	vld [tilespmem:s18+$0xD2F0]  }
0xe9: {  	v5 =	vld [tilespmem:s23+$0x12110];
	v1 =	vmul.f32 $1.414213540e+00, v1  }
0xea: {  	v2 =	vmul.f32 $1.638400000e+04, v2  }
0xeb: {  	v1 =	vmul.f32 $1.310720020e+04, v1  }
0xec: {  	v2 =	vadd.f32 $5.000000000e-01, v2  }
0xed: {  	vm0 =	vgt.s32 v3, $0x7;
	v1 =	vadd.f32 $5.000000000e-01, v1  }
0xee: {  	v4 =	vld [tilespmem:s23+$0x130B0];
	vm1 =	vgt.s32 v3, $0x5;
	v5 =	vmul.f32 $1.414213540e+00, v5;
	v2 =	vtrunc.f32 v2  }
0xef: {  	vm2 =	vgt.s32 v3, $0x6;
	v2 =	vcvt.f32.s32 v2;
	v1 =	vtrunc.f32 v1  }
0xf0: {  	v7 =	vsel vm2, $0x1, v0;
	v6 =	vcvt.f32.s32 v1;
	v1 =	vsel vm1, $0x1, v0  }
0xf1: {  	s17 =	simm.s32 $0x20;
	v3 =	vsel vm0, $0x1, v0;
	vm14 =	vlt.s32 v2, $0x3FFF;
	v7 =	vadd.s32 v7, v1;
	v1 =	vld [tilespmem:s23+$0xD2F0]  }
0xf2: {  	v2 =	vnsel vm14, $0x3FFF, v2;
	vm15 =	vlt.s32 v6, $0xFFFF;
	v7 =	vadd.s32 v3, v7;
	v3 =	vld [tilespmem:s17+$0x130B0]  }
0xf3: {  	v4 =	vmul.f32 $1.638400000e+04, v4;
	v2 =	vshll.u32 v2, $0x2;
	v6 =	vnsel vm15, $0xFFFF, v6  }
0xf4: {  	v5 =	vmul.f32 $1.310720020e+04, v5;
	v7 =	vor.u32 v7, v2;
	v2 =	vld [tilespmem:s17+$0x12110];
	v6 =	vshll.u32 v6, $0x10  }
0xf5: {  	s19 =	smov.u32 s28;
	s11 =	simm.s32 $0xC0;
	v4 =	vadd.f32 $5.000000000e-01, v4;
	v6 =	vor.u32 v6, v7  }
.LBB3_12:
0xf6: {  	p1 =	sne.s32 s11, $0x1F00;
	vm0 =	vgt.s32 v1, $0x7;
	v5 =	vadd.f32 $5.000000000e-01, v5;
	[tilespmem:s18+$0xE290] =	vst v6;
	s18 =	smov.u32 s23;
	s23 =	smov.u32 s17  }
0xf7: {  	vm1 =	vgt.s32 v1, $0x5;
	v6 =	vmul.f32 $1.638400000e+04, v3;
	v3 =	vtrunc.f32 v4  }
0xf8: {  	vm2 =	vgt.s32 v1, $0x6;
	v1 =	vtrunc.f32 v5;
	v4 =	vcvt.f32.s32 v3  }
0xf9: {  	v5 =	vmul.f32 $1.414213540e+00, v2;
	v2 =	vsel vm0, $0x1, v0;
	v7 =	vcvt.f32.s32 v1  }
.Ltmp5:
0xfa: {  	s17 =	sshra.s32 s11, $0x2;
	v8 =	vsel vm1, $0x1, v0;
	v9 =	vsel vm2, $0x1, v0;
	v1 =	vld [tilespmem:s23+$0xD2F0];
	vm0 =	vlt.s32 v4, $0x3FFF;
	(pc) =	sbr.rel @p1 .LBB3_12-.Ltmp5, $4  }
0xfb: {  	v8 =	vadd.s32 v9, v8;
	v3 =	vld [tilespmem:s17+$0x130B0];
	vm1 =	vlt.s32 v7, $0xFFFF;
	v4 =	vnsel vm0, $0x3FFF, v4  }
0xfc: {  	v8 =	vadd.s32 v2, v8;
	v7 =	vnsel vm1, $0xFFFF, v7;
	v4 =	vshll.u32 v4, $0x2  }
0xfd: {  	v5 =	vmul.f32 $1.310720020e+04, v5;
	v2 =	vld [tilespmem:s17+$0x12110];
	v7 =	vshll.u32 v7, $0x10;
	v8 =	vor.u32 v8, v4  }
0xfe: {  	s11 =	sadd.s32 $0x40, s11;
	v4 =	vadd.f32 $5.000000000e-01, v6;
	v6 =	vor.u32 v7, v8  }
0xff: {  	v5 =	vadd.f32 $5.000000000e-01, v5;
	vm0 =	vgt.s32 v1, $0x7;
	vm1 =	vgt.s32 v1, $0x5  }
0x100: {  	vm2 =	vgt.s32 v1, $0x6;
	v3 =	vmul.f32 $1.638400000e+04, v3;
	v4 =	vtrunc.f32 v4  }
0x101: {  	[tilespmem:s18+$0xE290] =	vst v6;
	v6 =	vsel vm1, $0x1, v0;
	v7 =	vsel vm2, $0x1, v0;
	v5 =	vtrunc.f32 v5  }
0x102: {  	v8 =	vsel vm0, $0x1, v0;
	v1 =	vcvt.f32.s32 v4;
	v2 =	vmul.f32 $1.414213540e+00, v2  }
0x103: {  	v6 =	vadd.s32 v7, v6;
	v4 =	vcvt.f32.s32 v5;
	v5 =	vld [tilespmem:s17+$0xD2F0];
	v3 =	vadd.f32 $5.000000000e-01, v3  }
0x104: {  	v6 =	vadd.s32 v8, v6;
	vm4 =	vlt.s32 v1, $0x3FFF;
	v2 =	vmul.f32 $1.310720020e+04, v2  }
0x105: {  	vm5 =	vlt.s32 v4, $0xFFFF;
	v1 =	vnsel vm4, $0x3FFF, v1;
	v3 =	vtrunc.f32 v3  }
0x106: {  	v4 =	vnsel vm5, $0xFFFF, v4;
	v1 =	vshll.u32 v1, $0x2;
	v2 =	vadd.f32 $5.000000000e-01, v2  }
0x107: {  	v3 =	vcvt.f32.s32 v3;
	v4 =	vshll.u32 v4, $0x10;
	v1 =	vor.u32 v6, v1  }
0x108: {  	vm6 =	vgt.s32 v5, $0x7;
	vm7 =	vgt.s32 v5, $0x5;
	v2 =	vtrunc.f32 v2  }
0x109: {  	vm8 =	vgt.s32 v5, $0x6;
	vm9 =	vlt.s32 v3, $0x3FFF;
	v2 =	vcvt.f32.s32 v2  }
0x10a: {  	v5 =	vsel vm6, $0x1, v0;
	v6 =	vsel vm7, $0x1, v0;
	v7 =	vsel vm8, $0x1, v0  }
0x10b: {  	v3 =	vnsel vm9, $0x3FFF, v3;
	v6 =	vadd.s32 v7, v6;
	vm10 =	vlt.s32 v2, $0xFFFF  }
0x10c: {  	s11 =	smul.u32 $0x3E80, s13;
	v3 =	vshll.u32 v3, $0x2;
	v5 =	vadd.s32 v5, v6;
	v2 =	vnsel vm10, $0xFFFF, v2  }
0x10d: {  	v1 =	vor.u32 v4, v1;
	v3 =	vor.u32 v5, v3;
	v2 =	vshll.u32 v2, $0x10  }
0x10e: {  	s11 =	sshra.s32 s11, $0x2;
	[tilespmem:s23+$0xE290] =	vst v1;
	v1 =	vor.u32 v2, v3  }
0x10f: {  	s26 =	sadd.s32 s11, s14;
	s23 =	smul.u32 $0xFA0, s13;
	[tilespmem:s17+$0xE290] =	vst v1;
	s17 =	rddreg [dreg:$0x1c]  }
0x110: {  	[spmem:s26] =	stream.linear.scatter [tilespmem:s24], [sflag:$0x5], $0x7D0, $0x38;
	[tilespmem:$0x14050] =	vst v63  }
0x111: {  	s11 =	sadd.s32 s23, s17  }
0x112: {  	s18 =	rddreg [dreg:$0x0];
	s11 =	sshrl.u32 s11, $0x3  }
0x113: {  	s17 =	sadd.s32 s18, s11;
	s18 =	rddreg [dreg:$0x1]  }
0x114: {  	[tilespmem:s20], [sflag:$0x1] =	stream.linear.gather [hbm4b:s17+s16], $0x7D0, $0x38;
	[tilespmem:$0x14050] =	vst v63  }
0x115: {  	s17 =	sadd.s32 s18, s11;
	s18 =	rddreg [dreg:$0x2]  }
0x116: {  	[tilespmem:s9], [sflag:$0x1] =	stream.linear.gather [hbm4b:s17+s16], $0x7D0, $0x38;
	[tilespmem:$0x14050] =	vst v63  }
0x117: {  	s11 =	sadd.s32 s18, s11  }
0x118: {  	[tilespmem:s29], [sflag:$0x1] =	stream.linear.gather [hbm4b:s11+s16], $0x7D0, $0x38;
	[tilespmem:$0x14050] =	vst v63  }
0x119: {  	_ =	swait.ge [sflag:s31], $0x7D0  }
0x11a: {  	[sflag:s31] =	ssyncset.done $0x0  }
0x11b: {  	[sflag:s31] =	ssyncadd.s32 $0xFFFFF830  }
0x11c: {  	_ =	swait.ge [sflag:s31], $0x7D0  }
0x11d: {  	[sflag:s31] =	ssyncset.done $0x0  }
0x11e: {  	[sflag:s31] =	ssyncadd.s32 $0xFFFFF830  }
0x11f: {  	_ =	swait.ge [sflag:s31], $0x7D0  }
0x120: {  	[sflag:s31] =	ssyncset.done $0x0  }
0x121: {  	[sflag:s31] =	ssyncadd.s32 $0xFFFFF830  }
0x122: {  	[tilespmem:s30], [sflag:$0x3] =	stream.indirect.gather [hbm4b:s3+s21], $0x1, s29, s21, $0xb8;
	[tilespmem:$0x14050] =	vst v63  }
0x123: {  	_ =	swait.ge [sflag:s7], $0x7D0  }
0x124: {  	[sflag:s7] =	ssyncset.done $0x0  }
0x125: {  	s11 =	simm.s32 @!p0 $0x6;
	[sflag:s7] =	ssyncadd.s32 $0xFFFFF830  }
0x126: {  	_ =	swait.ge @!p0 [sflag:s11], $0x7D0  }
0x127: {  	[sflag:s11] =	ssyncset.done @!p0 $0x0  }
0x128: {  	[sflag:s11] =	ssyncadd.s32 @!p0 $0xFFFFF830;
	s11 =	simm.s32 $0x0  }
0x129: {  	v1 =	vld [tilespmem:s11+$0x128E0]  }
0x12a: {  	v2 =	vld [tilespmem:s11+$0x13880];
	_ =	sdelay $0x2  }
0x12b: {  	s17 =	simm.s32 $0x10;
	v3 =	vld [tilespmem:s11+$0xDAC0]  }
0x12c: {  	v5 =	vld [tilespmem:s17+$0x128E0];
	v1 =	vmul.f32 $1.414213540e+00, v1  }
0x12d: {  	v2 =	vmul.f32 $1.638400000e+04, v2  }
0x12e: {  	v1 =	vmul.f32 $1.310720020e+04, v1  }
0x12f: {  	v2 =	vadd.f32 $5.000000000e-01, v2  }
0x130: {  	vm11 =	vgt.s32 v3, $0x7;
	v1 =	vadd.f32 $5.000000000e-01, v1  }
0x131: {  	v4 =	vld [tilespmem:s17+$0x13880];
	vm12 =	vgt.s32 v3, $0x5;
	v5 =	vmul.f32 $1.414213540e+00, v5;
	v2 =	vtrunc.f32 v2  }
0x132: {  	vm13 =	vgt.s32 v3, $0x6;
	v2 =	vcvt.f32.s32 v2;
	v1 =	vtrunc.f32 v1  }
0x133: {  	v7 =	vsel vm13, $0x1, v0;
	v6 =	vcvt.f32.s32 v1;
	v1 =	vsel vm12, $0x1, v0  }
0x134: {  	s18 =	simm.s32 $0x20;
	v3 =	vsel vm11, $0x1, v0;
	vm14 =	vlt.s32 v2, $0x3FFF;
	v7 =	vadd.s32 v7, v1;
	v1 =	vld [tilespmem:s17+$0xDAC0]  }
0x135: {  	v2 =	vnsel vm14, $0x3FFF, v2;
	vm15 =	vlt.s32 v6, $0xFFFF;
	v7 =	vadd.s32 v3, v7;
	v3 =	vld [tilespmem:s18+$0x13880]  }
0x136: {  	v4 =	vmul.f32 $1.638400000e+04, v4;
	v2 =	vshll.u32 v2, $0x2;
	v6 =	vnsel vm15, $0xFFFF, v6  }
0x137: {  	v5 =	vmul.f32 $1.310720020e+04, v5;
	v7 =	vor.u32 v7, v2;
	v2 =	vld [tilespmem:s18+$0x128E0];
	v6 =	vshll.u32 v6, $0x10  }
0x138: {  	s28 =	simm.s32 $0xC0;
	v4 =	vadd.f32 $5.000000000e-01, v4;
	v6 =	vor.u32 v6, v7  }
.LBB3_14:
0x139: {  	p0 =	sne.s32 s28, $0x1F00;
	vm0 =	vgt.s32 v1, $0x7;
	v5 =	vadd.f32 $5.000000000e-01, v5;
	[tilespmem:s11+$0xEA60] =	vst v6;
	s11 =	smov.u32 s17;
	s17 =	smov.u32 s18  }
0x13a: {  	vm1 =	vgt.s32 v1, $0x5;
	v6 =	vmul.f32 $1.638400000e+04, v3;
	v3 =	vtrunc.f32 v4  }
0x13b: {  	vm2 =	vgt.s32 v1, $0x6;
	v1 =	vtrunc.f32 v5;
	v4 =	vcvt.f32.s32 v3  }
0x13c: {  	v5 =	vmul.f32 $1.414213540e+00, v2;
	v2 =	vsel vm0, $0x1, v0;
	v7 =	vcvt.f32.s32 v1  }
.Ltmp6:
0x13d: {  	s18 =	sshra.s32 s28, $0x2;
	v8 =	vsel vm1, $0x1, v0;
	v9 =	vsel vm2, $0x1, v0;
	v1 =	vld [tilespmem:s17+$0xDAC0];
	vm0 =	vlt.s32 v4, $0x3FFF;
	(pc) =	sbr.rel @p0 .LBB3_14-.Ltmp6, $4  }
0x13e: {  	v8 =	vadd.s32 v9, v8;
	v3 =	vld [tilespmem:s18+$0x13880];
	vm1 =	vlt.s32 v7, $0xFFFF;
	v4 =	vnsel vm0, $0x3FFF, v4  }
0x13f: {  	v8 =	vadd.s32 v2, v8;
	v7 =	vnsel vm1, $0xFFFF, v7;
	v4 =	vshll.u32 v4, $0x2  }
0x140: {  	v5 =	vmul.f32 $1.310720020e+04, v5;
	v2 =	vld [tilespmem:s18+$0x128E0];
	v7 =	vshll.u32 v7, $0x10;
	v8 =	vor.u32 v8, v4  }
0x141: {  	s28 =	sadd.s32 $0x40, s28;
	v4 =	vadd.f32 $5.000000000e-01, v6;
	v6 =	vor.u32 v7, v8  }
0x142: {  	v5 =	vadd.f32 $5.000000000e-01, v5;
	vm0 =	vgt.s32 v1, $0x7;
	vm1 =	vgt.s32 v1, $0x5  }
0x143: {  	vm2 =	vgt.s32 v1, $0x6;
	v3 =	vmul.f32 $1.638400000e+04, v3;
	v4 =	vtrunc.f32 v4  }
0x144: {  	[tilespmem:s11+$0xEA60] =	vst v6;
	v60 =	vsel vm1, $0x1, v0;
	v7 =	vsel vm2, $0x1, v0;
	v5 =	vtrunc.f32 v5  }
0x145: {  	v59 =	vld [tilespmem:s18+$0xDAC0];
	v8 =	vsel vm0, $0x1, v0;
	v1 =	vcvt.f32.s32 v4;
	v2 =	vmul.f32 $1.414213540e+00, v2  }
0x146: {  	v6 =	vadd.s32 v7, v60;
	v58 =	vcvt.f32.s32 v5;
	v3 =	vadd.f32 $5.000000000e-01, v3  }
0x147: {  	v6 =	vadd.s32 v8, v6;
	vm9 =	vlt.s32 v1, $0x3FFF;
	v2 =	vmul.f32 $1.310720020e+04, v2  }
0x148: {  	vm10 =	vlt.s32 v58, $0xFFFF;
	v1 =	vnsel vm9, $0x3FFF, v1;
	v3 =	vtrunc.f32 v3  }
0x149: {  	v4 =	vnsel vm10, $0xFFFF, v58;
	v1 =	vshll.u32 v1, $0x2;
	v2 =	vadd.f32 $5.000000000e-01, v2  }
0x14a: {  	vm11 =	vgt.s32 v59, $0x7;
	vm12 =	vgt.s32 v59, $0x5;
	v3 =	vcvt.f32.s32 v3  }
0x14b: {  	vm13 =	vgt.s32 v59, $0x6;
	v4 =	vshll.u32 v4, $0x10;
	v2 =	vtrunc.f32 v2  }
0x14c: {  	v1 =	vor.u32 v6, v1;
	v61 =	vsel vm11, $0x1, v0;
	v2 =	vcvt.f32.s32 v2  }
0x14d: {  	v62 =	vsel vm12, $0x1, v0;
	v63 =	vsel vm13, $0x1, v0;
	vm14 =	vlt.s32 v3, $0x3FFF  }
0x14e: {  	p0 =	seq.s32 s13, $0xB;
	v6 =	vadd.s32 v63, v62;
	v3 =	vnsel vm14, $0x3FFF, v3;
	vm15 =	vlt.s32 v2, $0xFFFF  }
.Ltmp7:
0x14f: {  	v5 =	vadd.s32 v61, v6;
	v3 =	vshll.u32 v3, $0x2;
	v2 =	vnsel vm15, $0xFFFF, v2;
	(pc) =	sbr.rel @p0 .LBB3_17-.Ltmp7, $4  }
0x150: {  	v1 =	vor.u32 v4, v1;
	v3 =	vor.u32 v5, v3;
	v2 =	vshll.u32 v2, $0x10  }
0x151: {  	[tilespmem:s17+$0xEA60] =	vst v1;
	v1 =	vor.u32 v2, v3  }
0x152: {  	s28 =	sadd.s32 $0x7D0, s26;
	[tilespmem:s18+$0xEA60] =	vst v1  }
0x153: {  	[spmem:s28] =	stream.linear.scatter [tilespmem:s4], [sflag:$0x6], $0x7D0, $0x38;
	[tilespmem:$0x14050] =	vst v63  }
0x154: {  	s11 =	rddreg [dreg:$0x1d]  }
0x155: {  	s11 =	sadd.s32 s23, s11  }
0x156: {  	s17 =	rddreg [dreg:$0x0];
	s11 =	sshrl.u32 s11, $0x3  }
0x157: {  	s17 =	sadd.s32 s17, s11  }
0x158: {  	[tilespmem:s10], [sflag:$0x2] =	stream.linear.gather [hbm4b:s17+s16], $0x7D0, $0x38;
	[tilespmem:$0x14050] =	vst v63  }
.Ltmp8:
0x159: {  	s23 =	rddreg [dreg:$0x1];
	(pc) =	sbr.rel .LBB3_11-.Ltmp8, $4  }
0x15a: {  	s26 =	rddreg [dreg:$0x2];
	s17 =	sadd.s32 s23, s11  }
0x15b: {  	[tilespmem:s12], [sflag:$0x2] =	stream.linear.gather [hbm4b:s17+s16], $0x7D0, $0x38;
	[tilespmem:$0x14050] =	vst v63  }
0x15c: {  	s13 =	sadd.s32 $0x1, s13;
	s28 =	smov.u32 s19;
	s11 =	sadd.s32 s26, s11  }
0x15d: {  	[tilespmem:s0], [sflag:$0x2] =	stream.linear.gather [hbm4b:s11+s16], $0x7D0, $0x38;
	[tilespmem:$0x14050] =	vst v63  }
.LBB3_17:
0x15e: {  	_ =	swait.ge [sflag:s5], $0x7D0  }
0x15f: {  	[sflag:s5] =	ssyncset.done $0x0  }
0x160: {  	s11 =	simm.s32 $0x5;
	[sflag:s5] =	ssyncadd.s32 $0xFFFFF830  }
0x161: {  	_ =	swait.ge [sflag:s11], $0x7D0  }
0x162: {  	[sflag:s11] =	ssyncset.done $0x0  }
0x163: {  	[sflag:s11] =	ssyncadd.s32 $0xFFFFF830;
	s11 =	simm.s32 $0x0  }
0x164: {  	v1 =	vld [tilespmem:s11+$0x12110]  }
0x165: {  	v2 =	vld [tilespmem:s11+$0x130B0];
	_ =	sdelay $0x2  }
0x166: {  	s13 =	simm.s32 $0x10;
	v3 =	vld [tilespmem:s11+$0xD2F0]  }
0x167: {  	v5 =	vld [tilespmem:s13+$0x12110];
	v1 =	vmul.f32 $1.414213540e+00, v1  }
0x168: {  	v2 =	vmul.f32 $1.638400000e+04, v2  }
0x169: {  	v1 =	vmul.f32 $1.310720020e+04, v1  }
0x16a: {  	v2 =	vadd.f32 $5.000000000e-01, v2  }
0x16b: {  	vm0 =	vgt.s32 v3, $0x7;
	v1 =	vadd.f32 $5.000000000e-01, v1  }
0x16c: {  	v4 =	vld [tilespmem:s13+$0x130B0];
	vm1 =	vgt.s32 v3, $0x5;
	v5 =	vmul.f32 $1.414213540e+00, v5;
	v2 =	vtrunc.f32 v2  }
0x16d: {  	vm2 =	vgt.s32 v3, $0x6;
	v2 =	vcvt.f32.s32 v2;
	v1 =	vtrunc.f32 v1  }
0x16e: {  	v7 =	vsel vm2, $0x1, v0;
	v6 =	vcvt.f32.s32 v1;
	v1 =	vsel vm1, $0x1, v0  }
0x16f: {  	s17 =	simm.s32 $0x20;
	v3 =	vsel vm0, $0x1, v0;
	vm14 =	vlt.s32 v2, $0x3FFF;
	v7 =	vadd.s32 v7, v1;
	v1 =	vld [tilespmem:s13+$0xD2F0]  }
0x170: {  	v2 =	vnsel vm14, $0x3FFF, v2;
	vm15 =	vlt.s32 v6, $0xFFFF;
	v7 =	vadd.s32 v3, v7;
	v3 =	vld [tilespmem:s17+$0x130B0]  }
0x171: {  	v4 =	vmul.f32 $1.638400000e+04, v4;
	v2 =	vshll.u32 v2, $0x2;
	v6 =	vnsel vm15, $0xFFFF, v6  }
0x172: {  	v5 =	vmul.f32 $1.310720020e+04, v5;
	v7 =	vor.u32 v7, v2;
	v2 =	vld [tilespmem:s17+$0x12110];
	v6 =	vshll.u32 v6, $0x10  }
0x173: {  	s18 =	simm.s32 $0xC0;
	s28 =	smov.u32 s19;
	v4 =	vadd.f32 $5.000000000e-01, v4;
	v6 =	vor.u32 v6, v7  }
.LBB3_18:
0x174: {  	p0 =	sne.s32 s18, $0x1F00;
	vm0 =	vgt.s32 v1, $0x7;
	v5 =	vadd.f32 $5.000000000e-01, v5;
	[tilespmem:s11+$0xE290] =	vst v6;
	s11 =	smov.u32 s13;
	s13 =	smov.u32 s17  }
0x175: {  	vm1 =	vgt.s32 v1, $0x5;
	v6 =	vmul.f32 $1.638400000e+04, v3;
	v3 =	vtrunc.f32 v4  }
0x176: {  	vm2 =	vgt.s32 v1, $0x6;
	v1 =	vtrunc.f32 v5;
	v4 =	vcvt.f32.s32 v3  }
0x177: {  	v5 =	vmul.f32 $1.414213540e+00, v2;
	v2 =	vsel vm0, $0x1, v0;
	v7 =	vcvt.f32.s32 v1  }
.Ltmp9:
0x178: {  	s17 =	sshra.s32 s18, $0x2;
	v8 =	vsel vm1, $0x1, v0;
	v9 =	vsel vm2, $0x1, v0;
	v1 =	vld [tilespmem:s13+$0xD2F0];
	vm0 =	vlt.s32 v4, $0x3FFF;
	(pc) =	sbr.rel @p0 .LBB3_18-.Ltmp9, $4  }
0x179: {  	v8 =	vadd.s32 v9, v8;
	v3 =	vld [tilespmem:s17+$0x130B0];
	vm1 =	vlt.s32 v7, $0xFFFF;
	v4 =	vnsel vm0, $0x3FFF, v4  }
0x17a: {  	v8 =	vadd.s32 v2, v8;
	v7 =	vnsel vm1, $0xFFFF, v7;
	v4 =	vshll.u32 v4, $0x2  }
0x17b: {  	v5 =	vmul.f32 $1.310720020e+04, v5;
	v2 =	vld [tilespmem:s17+$0x12110];
	v7 =	vshll.u32 v7, $0x10;
	v8 =	vor.u32 v8, v4  }
0x17c: {  	s18 =	sadd.s32 $0x40, s18;
	v4 =	vadd.f32 $5.000000000e-01, v6;
	v6 =	vor.u32 v7, v8  }
0x17d: {  	v5 =	vadd.f32 $5.000000000e-01, v5;
	vm0 =	vgt.s32 v1, $0x7;
	vm1 =	vgt.s32 v1, $0x5  }
0x17e: {  	vm2 =	vgt.s32 v1, $0x6;
	v3 =	vmul.f32 $1.638400000e+04, v3;
	v4 =	vtrunc.f32 v4  }
0x17f: {  	[tilespmem:s11+$0xE290] =	vst v6;
	v60 =	vsel vm1, $0x1, v0;
	v7 =	vsel vm2, $0x1, v0;
	v5 =	vtrunc.f32 v5  }
0x180: {  	v59 =	vld [tilespmem:s17+$0xD2F0];
	v8 =	vsel vm0, $0x1, v0;
	v1 =	vcvt.f32.s32 v4;
	v2 =	vmul.f32 $1.414213540e+00, v2  }
0x181: {  	v6 =	vadd.s32 v7, v60;
	v58 =	vcvt.f32.s32 v5;
	v3 =	vadd.f32 $5.000000000e-01, v3  }
0x182: {  	v6 =	vadd.s32 v8, v6;
	vm9 =	vlt.s32 v1, $0x3FFF;
	v2 =	vmul.f32 $1.310720020e+04, v2  }
0x183: {  	vm10 =	vlt.s32 v58, $0xFFFF;
	v1 =	vnsel vm9, $0x3FFF, v1;
	v3 =	vtrunc.f32 v3  }
0x184: {  	v4 =	vnsel vm10, $0xFFFF, v58;
	v1 =	vshll.u32 v1, $0x2;
	v2 =	vadd.f32 $5.000000000e-01, v2  }
0x185: {  	vm11 =	vgt.s32 v59, $0x7;
	vm12 =	vgt.s32 v59, $0x5;
	v3 =	vcvt.f32.s32 v3  }
0x186: {  	vm13 =	vgt.s32 v59, $0x6;
	v4 =	vshll.u32 v4, $0x10;
	v2 =	vtrunc.f32 v2  }
0x187: {  	v1 =	vor.u32 v6, v1;
	v61 =	vsel vm11, $0x1, v0;
	v2 =	vcvt.f32.s32 v2  }
0x188: {  	v62 =	vsel vm12, $0x1, v0;
	v63 =	vsel vm13, $0x1, v0;
	vm14 =	vlt.s32 v3, $0x3FFF  }
0x189: {  	v6 =	vadd.s32 v63, v62;
	v3 =	vnsel vm14, $0x3FFF, v3;
	vm15 =	vlt.s32 v2, $0xFFFF  }
0x18a: {  	v5 =	vadd.s32 v61, v6;
	v3 =	vshll.u32 v3, $0x2;
	v2 =	vnsel vm15, $0xFFFF, v2  }
0x18b: {  	v1 =	vor.u32 v4, v1;
	v3 =	vor.u32 v5, v3;
	v2 =	vshll.u32 v2, $0x10  }
0x18c: {  	[tilespmem:s13+$0xE290] =	vst v1;
	v1 =	vor.u32 v2, v3  }
0x18d: {  	[tilespmem:s17+$0xE290] =	vst v1;
	s17 =	sld [smem:$0x7FB];
	_ =	sdelay $0x1  }
0x18e: {  	s18 =	simm.s32 $0x6  }
0x18f: {  	[spmem:s17] =	stream.linear.scatter [tilespmem:s24], [sflag:$0x5], $0x7D0, $0x38;
	[tilespmem:$0x14050] =	vst v63  }
0x190: {  	_ =	swait.ge [sflag:s18], $0x7D0  }
0x191: {  	[sflag:s18] =	ssyncset.done $0x0  }
0x192: {  	s19 =	simm.s32 $0x5;
	[sflag:s18] =	ssyncadd.s32 $0xFFFFF830  }
0x193: {  	_ =	swait.ge [sflag:s19], $0x7D0  }
0x194: {  	[sflag:s19] =	ssyncset.done $0x0  }
0x195: {  	[sflag:s19] =	ssyncadd.s32 $0xFFFFF830  }
0x196: {  	[bflag:$0x0] =	sbarrier.arrive $0xFFFF  }
0x197: {  	s23 =	sld [smem:$0x7F2];
	_ =	sdelay $0x1  }
0x198: {  	s13 =	simm.s32 $0x0;
	s26 =	sld [smem:$0x7F3]  }
0x199: {  	[tilespmem:s29], [sflag:$0x1] =	stream.linear.gather [hbm4b:s23+s13], $0x7D0, $0x38;
	[tilespmem:$0x14050] =	vst v63  }
0x19a: {  	s17 =	sld [smem:$0x7F4]  }
0x19b: {  	[tilespmem:s30], [sflag:$0x1] =	stream.linear.gather [hbm4b:s26+s13], $0x7D0, $0x38;
	[tilespmem:$0x14050] =	vst v63  }
0x19c: {  	_ = 	snop  }
0x19d: {  	[tilespmem:s24], [sflag:$0x1] =	stream.linear.gather [hbm4b:s17+s13], $0x7D0, $0x38;
	[tilespmem:$0x14050] =	vst v63  }
0x19e: {  	_ =	swait.ge [sflag:s31], $0x7D0  }
0x19f: {  	[sflag:s31] =	ssyncset.done $0x0  }
0x1a0: {  	[sflag:s31] =	ssyncadd.s32 $0xFFFFF830  }
0x1a1: {  	_ =	swait.ge [sflag:s31], $0x7D0  }
0x1a2: {  	[sflag:s31] =	ssyncset.done $0x0  }
0x1a3: {  	[sflag:s31] =	ssyncadd.s32 $0xFFFFF830  }
0x1a4: {  	_ =	swait.ge [sflag:s31], $0x7D0  }
0x1a5: {  	[sflag:s31] =	ssyncset.done $0x0  }
0x1a6: {  	[sflag:s31] =	ssyncadd.s32 $0xFFFFF830  }
0x1a7: {  	[tilespmem:s6], [sflag:$0x3] =	stream.indirect.gather [spmem:s15], $0x1, s29, s21, $0xb8;
	[tilespmem:$0x14050] =	vst v63  }
0x1a8: {  	s18 =	simm.s32 $0x101D0;
	s19 =	rddreg [dreg:$0x1e]  }
0x1a9: {  	[tilespmem:s18], [sflag:$0x3] =	stream.indirect.gather [spmem:s15], $0x1, s30, s21, $0xb8;
	[tilespmem:$0x14050] =	vst v63  }
0x1aa: {  	s23 =	rddreg [dreg:$0x1f]  }
0x1ab: {  	[tilespmem:s0], [sflag:$0x2] =	stream.linear.gather [hbm4b:s19+s13], $0x7D0, $0x38;
	[tilespmem:$0x14050] =	vst v63  }
0x1ac: {  	s26 =	sld [smem:$0x7F1]  }
0x1ad: {  	[tilespmem:s1], [sflag:$0x2] =	stream.linear.gather [hbm4b:s23+s13], $0x7D0, $0x38;
	[tilespmem:$0x14050] =	vst v63  }
0x1ae: {  	s19 =	rddreg [dreg:$0xa]  }
0x1af: {  	[tilespmem:s4], [sflag:$0x2] =	stream.linear.gather [hbm4b:s26+s13], $0x7D0, $0x38;
	[tilespmem:$0x14050] =	vst v63  }
.LBB3_20:
0x1b0: {  	_ =	swait.ge [sflag:s2], $0x7D0  }
0x1b1: {  	[sflag:s2] =	ssyncset.done $0x0  }
0x1b2: {  	[sflag:s2] =	ssyncadd.s32 $0xFFFFF830  }
0x1b3: {  	_ =	swait.ge [sflag:s2], $0x7D0  }
0x1b4: {  	[sflag:s2] =	ssyncset.done $0x0  }
0x1b5: {  	[sflag:s2] =	ssyncadd.s32 $0xFFFFF830  }
0x1b6: {  	_ =	swait.ge [sflag:s2], $0x7D0  }
0x1b7: {  	[sflag:s2] =	ssyncset.done $0x0  }
0x1b8: {  	[sflag:s2] =	ssyncadd.s32 $0xFFFFF830  }
0x1b9: {  	[tilespmem:s8], [sflag:$0x4] =	stream.indirect.gather [spmem:s15], $0x1, s0, s21, $0xb8;
	[tilespmem:$0x14050] =	vst v63  }
0x1ba: {  	s11 =	simm.s32 $0x109A0  }
0x1bb: {  	[tilespmem:s11], [sflag:$0x4] =	stream.indirect.gather [spmem:s15], $0x1, s1, s21, $0xb8;
	[tilespmem:$0x14050] =	vst v63  }
0x1bc: {  	_ =	swait.ge [sflag:s5], $0x7D0  }
0x1bd: {  	[sflag:s5] =	ssyncset.done $0x0  }
0x1be: {  	[sflag:s5] =	ssyncadd.s32 $0xFFFFF830  }
0x1bf: {  	_ =	swait.ge [sflag:s5], $0x7D0  }
0x1c0: {  	p0 =	seq.s32 s13, $0x0;
	[sflag:s5] =	ssyncset.done $0x0  }
0x1c1: {  	s11 =	simm.s32 @!p0 $0x5;
	[sflag:s5] =	ssyncadd.s32 $0xFFFFF830  }
0x1c2: {  	_ =	swait.ge @!p0 [sflag:s11], $0x7D0  }
0x1c3: {  	[sflag:s11] =	ssyncset.done @!p0 $0x0  }
0x1c4: {  	[sflag:s11] =	ssyncadd.s32 @!p0 $0xFFFFF830  }
0x1c5: {  	_ =	swait.ge @!p0 [sflag:s11], $0x7D0  }
0x1c6: {  	[sflag:s11] =	ssyncset.done @!p0 $0x0  }
0x1c7: {  	[sflag:s11] =	ssyncadd.s32 @!p0 $0xFFFFF830  }
0x1c8: {  	_ =	swait.ge @!p0 [sflag:s11], $0x7D0  }
0x1c9: {  	[sflag:s11] =	ssyncset.done @!p0 $0x0  }
0x1ca: {  	s23 =	simm.s32 $0x0;
	[sflag:s11] =	ssyncadd.s32 @!p0 $0xFFFFF830  }
0x1cb: {  	v1 =	vld [tilespmem:s23+$0xF230]  }
0x1cc: {  	v2 =	vld [tilespmem:s23+$0x101D0];
	_ =	sdelay $0x1  }
0x1cd: {  	v3 =	vld [tilespmem:s23+$0xE290];
	_ =	sdelay $0x1  }
0x1ce: {  	v4 =	vshrl.u32 v1, $0x10;
	v5 =	vand.u32 $0x3, v1  }
0x1cf: {  	s17 =	simm.s32 $0x10;
	v6 =	vshrl.u32 v2, $0x10;
	v1 =	vshrl.u32 v1, $0x2;
	v7 =	vshrl.u32 v2, $0x2  }
0x1d0: {  	v8 =	vld [tilespmem:s17+$0xF230];
	v2 =	vand.u32 $0x3, v2;
	v1 =	vand.u32 $0x3FFF, v1;
	v7 =	vand.u32 $0x3FFF, v7  }
0x1d1: {  	v10 =	vld [tilespmem:s17+$0x101D0];
	v3 =	vmul.u32 $0xA, v3;
	v1 =	vcvt.s32.f32 v1;
	v7 =	vcvt.s32.f32 v7  }
0x1d2: {  	v9 =	vmin.u32 v5, v2;
	v4 =	vcvt.s32.f32 v4;
	v6 =	vcvt.s32.f32 v6  }
0x1d3: {  	v2 =	vmax.u32 v5, v2;
	v11 =	vxor.u32 $0x7, v9;
	v1 =	vmul.f32 v7, v1  }
0x1d4: {  	v2 =	vadd.s32 v2, v3;
	v7 =	vmul.u32 v9, v11;
	v9 =	vadd.f32 v6, v4  }
0x1d5: {  	v6 =	vshrl.u32 v8, $0x10;
	v4 =	vand.u32 $0x3, v8;
	v5 =	vmul.f32 $1.734723480e-18, v1  }
0x1d6: {  	v3 =	vld [tilespmem:s17+$0xE290];
	v8 =	vshrl.u32 v8, $0x2;
	v11 =	vshrl.u32 v10, $0x2;
	v9 =	vmul.f32 $7.629394530e-05, v9  }
0x1d7: {  	v12 =	vand.u32 $0x3FFF, v8;
	v11 =	vand.u32 $0x3FFF, v11;
	[tilespmem:s23+$0x130B0] =	vst v5  }
0x1d8: {  	s18 =	simm.s32 $0x20;
	v8 =	vand.u32 $0x3, v10;
	v1 =	vshrl.u32 v7, $0x1;
	v7 =	vshrl.u32 v10, $0x10;
	[tilespmem:s23+$0x12110] =	vst v9  }
0x1d9: {  	s11 =	simm.s32 $0xC0;
	v11 =	vcvt.s32.f32 v11;
	v10 =	vmin.u32 v4, v8;
	v9 =	vcvt.s32.f32 v12;
	v5 =	vld [tilespmem:s18+$0xF230]  }
.LBB3_21:
0x1da: {  	p1 =	sne.s32 s11, $0x1F00;
	v12 =	vld [tilespmem:s18+$0x101D0];
	v6 =	vcvt.s32.f32 v6;
	v7 =	vcvt.s32.f32 v7;
	v13 =	vxor.u32 $0x7, v10  }
0x1db: {  	v9 =	vmul.f32 v11, v9;
	v10 =	vmul.u32 v10, v13;
	v11 =	vmul.u32 $0xA, v3;
	v3 =	vld [tilespmem:s18+$0xE290]  }
0x1dc: {  	v4 =	vmax.u32 v4, v8;
	v7 =	vadd.f32 v7, v6;
	v6 =	vadd.s32 v1, v2  }
.Ltmp10:
0x1dd: {  	v8 =	vmul.f32 $1.734723480e-18, v9;
	v1 =	vshrl.u32 v10, $0x1;
	v2 =	vadd.s32 v4, v11;
	[tilespmem:s23+$0x11170] =	vst v6;
	s23 =	smov.u32 s17;
	s17 =	smov.u32 s18;
	(pc) =	sbr.rel @p1 .LBB3_21-.Ltmp10, $4  }
0x1de: {  	v6 =	vshrl.u32 v5, $0x10;
	v4 =	vand.u32 $0x3, v5;
	v9 =	vmul.f32 $7.629394530e-05, v7  }
0x1df: {  	v5 =	vshrl.u32 v5, $0x2;
	v7 =	vshrl.u32 v12, $0x10;
	v10 =	vshrl.u32 v12, $0x2;
	[tilespmem:s23+$0x130B0] =	vst v8  }
0x1e0: {  	s18 =	sshra.s32 s11, $0x2;
	v11 =	vand.u32 $0x3FFF, v5;
	v8 =	vand.u32 $0x3, v12;
	v10 =	vand.u32 $0x3FFF, v10;
	[tilespmem:s23+$0x12110] =	vst v9  }
0x1e1: {  	s11 =	sadd.s32 $0x40, s11;
	v9 =	vcvt.s32.f32 v11;
	v5 =	vld [tilespmem:s18+$0xF230];
	v11 =	vcvt.s32.f32 v10;
	v10 =	vmin.u32 v4, v8  }
0x1e2: {  	v6 =	vcvt.s32.f32 v6  }
0x1e3: {  	v12 =	vld [tilespmem:s18+$0x101D0];
	v7 =	vcvt.s32.f32 v7;
	v13 =	vxor.u32 $0x7, v10;
	v3 =	vmul.u32 $0xA, v3  }
0x1e4: {  	v4 =	vmax.u32 v4, v8;
	v9 =	vmul.f32 v11, v9;
	v10 =	vmul.u32 v10, v13  }
0x1e5: {  	v1 =	vadd.s32 v1, v2;
	v6 =	vadd.f32 v7, v6;
	v3 =	vadd.s32 v4, v3  }
0x1e6: {  	v2 =	vmul.f32 $1.734723480e-18, v9;
	v7 =	vshrl.u32 v10, $0x1;
	v8 =	vshrl.u32 v5, $0x10  }
0x1e7: {  	v11 =	vld [tilespmem:s18+$0xE290];
	[tilespmem:s23+$0x11170] =	vst v1;
	v9 =	vand.u32 $0x3, v5;
	v5 =	vshrl.u32 v5, $0x2;
	v1 =	vmul.f32 $7.629394530e-05, v6  }
0x1e8: {  	v10 =	vshrl.u32 v12, $0x2;
	v62 =	vshrl.u32 v12, $0x10;
	v5 =	vand.u32 $0x3FFF, v5  }
0x1e9: {  	v12 =	vand.u32 $0x3, v12;
	v8 =	vcvt.s32.f32 v8;
	v13 =	vcvt.s32.f32 v62  }
0x1ea: {  	v10 =	vand.u32 $0x3FFF, v10;
	v5 =	vcvt.s32.f32 v5;
	v14 =	vmin.u32 v9, v12  }
0x1eb: {  	[tilespmem:s17+$0x130B0] =	vst v2;
	v10 =	vcvt.s32.f32 v10;
	v6 =	vxor.u32 $0x7, v14;
	v4 =	vadd.f32 v13, v8  }
0x1ec: {  	v3 =	vadd.s32 v7, v3;
	[tilespmem:s17+$0x12110] =	vst v1;
	v1 =	vmul.u32 $0xA, v11;
	v2 =	vmul.u32 v14, v6  }
0x1ed: {  	s23 =	smul.u32 $0xFA0, s13;
	[tilespmem:s17+$0x11170] =	vst v3;
	v6 =	vmax.u32 v9, v12;
	v5 =	vmul.f32 v10, v5;
	v3 =	vmul.f32 $7.629394530e-05, v4  }
0x1ee: {  	v1 =	vadd.s32 v6, v1;
	v2 =	vshrl.u32 v2, $0x1  }
0x1ef: {  	s11 =	sadd.s32 s25, s23;
	v5 =	vmul.f32 $1.734723480e-18, v5;
	v1 =	vadd.s32 v2, v1;
	[tilespmem:s18+$0x12110] =	vst v3  }
0x1f0: {  	s11 =	sshrl.u32 s11, $0x3;
	[tilespmem:s18+$0x11170] =	vst v1  }
0x1f1: {  	s17 =	sld [smem:$0x7FC];
	[tilespmem:s18+$0x130B0] =	vst v5;
	s18 =	sadd.s32 s28, s11  }
0x1f2: {  	[hbm4b:s18+s16] =	stream.linear.scatter [tilespmem:s20], [sflag:$0x5], $0x7D0, $0x38;
	[tilespmem:$0x14050] =	vst v63  }
0x1f3: {  	s26 =	sadd.s32 s19, s11;
	s18 =	rddreg [dreg:$0xb]  }
0x1f4: {  	[hbm4b:s26+s16] =	stream.linear.scatter [tilespmem:s9], [sflag:$0x5], $0x7D0, $0x38;
	[tilespmem:$0x14050] =	vst v63  }
0x1f5: {  	s11 =	sadd.s32 s18, s11;
	s26 =	simm.s32 $0x11170  }
0x1f6: {  	[hbm4b:s11+s16] =	stream.linear.scatter [tilespmem:s26], [sflag:$0x5], $0x7D0, $0x38;
	[tilespmem:$0x14050] =	vst v63  }
0x1f7: {  	s11 =	sadd.s32 s23, s17  }
0x1f8: {  	s18 =	rddreg [dreg:$0x5];
	s11 =	sshrl.u32 s11, $0x3  }
0x1f9: {  	s26 =	rddreg [dreg:$0x6];
	s17 =	sadd.s32 s18, s11  }
0x1fa: {  	[tilespmem:s29], [sflag:$0x1] =	stream.linear.gather [hbm4b:s17+s16], $0x7D0, $0x38;
	[tilespmem:$0x14050] =	vst v63  }
0x1fb: {  	s18 =	rddreg [dreg:$0x4];
	s17 =	sadd.s32 s26, s11  }
0x1fc: {  	[tilespmem:s30], [sflag:$0x1] =	stream.linear.gather [hbm4b:s17+s16], $0x7D0, $0x38;
	[tilespmem:$0x14050] =	vst v63  }
0x1fd: {  	s11 =	sadd.s32 s18, s11  }
0x1fe: {  	[tilespmem:s24], [sflag:$0x1] =	stream.linear.gather [hbm4b:s11+s16], $0x7D0, $0x38;
	[tilespmem:$0x14050] =	vst v63  }
0x1ff: {  	_ =	swait.ge [sflag:s31], $0x7D0  }
0x200: {  	[sflag:s31] =	ssyncset.done $0x0  }
0x201: {  	[sflag:s31] =	ssyncadd.s32 $0xFFFFF830  }
0x202: {  	_ =	swait.ge [sflag:s31], $0x7D0  }
0x203: {  	[sflag:s31] =	ssyncset.done $0x0  }
0x204: {  	[sflag:s31] =	ssyncadd.s32 $0xFFFFF830  }
0x205: {  	_ =	swait.ge [sflag:s31], $0x7D0  }
0x206: {  	[sflag:s31] =	ssyncset.done $0x0  }
0x207: {  	[sflag:s31] =	ssyncadd.s32 $0xFFFFF830  }
0x208: {  	[tilespmem:s6], [sflag:$0x3] =	stream.indirect.gather [spmem:s15], $0x1, s29, s21, $0xb8;
	[tilespmem:$0x14050] =	vst v63  }
0x209: {  	s26 =	simm.s32 $0x101D0  }
0x20a: {  	[tilespmem:s26], [sflag:$0x3] =	stream.indirect.gather [spmem:s15], $0x1, s30, s21, $0xb8;
	[tilespmem:$0x14050] =	vst v63  }
0x20b: {  	_ =	swait.ge [sflag:s7], $0x7D0  }
0x20c: {  	[sflag:s7] =	ssyncset.done $0x0  }
0x20d: {  	[sflag:s7] =	ssyncadd.s32 $0xFFFFF830  }
0x20e: {  	_ =	swait.ge [sflag:s7], $0x7D0  }
0x20f: {  	[sflag:s7] =	ssyncset.done $0x0  }
0x210: {  	s11 =	simm.s32 @!p0 $0x6;
	[sflag:s7] =	ssyncadd.s32 $0xFFFFF830  }
0x211: {  	_ =	swait.ge @!p0 [sflag:s11], $0x7D0  }
0x212: {  	[sflag:s11] =	ssyncset.done @!p0 $0x0  }
0x213: {  	[sflag:s11] =	ssyncadd.s32 @!p0 $0xFFFFF830  }
0x214: {  	_ =	swait.ge @!p0 [sflag:s11], $0x7D0  }
0x215: {  	[sflag:s11] =	ssyncset.done @!p0 $0x0  }
0x216: {  	[sflag:s11] =	ssyncadd.s32 @!p0 $0xFFFFF830  }
0x217: {  	_ =	swait.ge @!p0 [sflag:s11], $0x7D0  }
0x218: {  	[sflag:s11] =	ssyncset.done @!p0 $0x0  }
0x219: {  	s26 =	simm.s32 $0x0;
	[sflag:s11] =	ssyncadd.s32 @!p0 $0xFFFFF830  }
0x21a: {  	v1 =	vld [tilespmem:s26+$0xFA00]  }
0x21b: {  	v2 =	vld [tilespmem:s26+$0x109A0];
	_ =	sdelay $0x1  }
0x21c: {  	v3 =	vld [tilespmem:s26+$0xEA60];
	_ =	sdelay $0x1  }
0x21d: {  	v4 =	vshrl.u32 v1, $0x10;
	v5 =	vand.u32 $0x3, v1  }
0x21e: {  	s17 =	simm.s32 $0x10;
	v6 =	vshrl.u32 v2, $0x10;
	v1 =	vshrl.u32 v1, $0x2;
	v7 =	vshrl.u32 v2, $0x2  }
0x21f: {  	v8 =	vld [tilespmem:s17+$0xFA00];
	v2 =	vand.u32 $0x3, v2;
	v1 =	vand.u32 $0x3FFF, v1;
	v7 =	vand.u32 $0x3FFF, v7  }
0x220: {  	v10 =	vld [tilespmem:s17+$0x109A0];
	v3 =	vmul.u32 $0xA, v3;
	v1 =	vcvt.s32.f32 v1;
	v7 =	vcvt.s32.f32 v7  }
0x221: {  	v9 =	vmin.u32 v5, v2;
	v4 =	vcvt.s32.f32 v4;
	v6 =	vcvt.s32.f32 v6  }
0x222: {  	v2 =	vmax.u32 v5, v2;
	v11 =	vxor.u32 $0x7, v9;
	v1 =	vmul.f32 v7, v1  }
0x223: {  	v2 =	vadd.s32 v2, v3;
	v7 =	vmul.u32 v9, v11;
	v9 =	vadd.f32 v6, v4  }
0x224: {  	v6 =	vshrl.u32 v8, $0x10;
	v4 =	vand.u32 $0x3, v8;
	v5 =	vmul.f32 $1.734723480e-18, v1  }
0x225: {  	v3 =	vld [tilespmem:s17+$0xEA60];
	v8 =	vshrl.u32 v8, $0x2;
	v11 =	vshrl.u32 v10, $0x2;
	v9 =	vmul.f32 $7.629394530e-05, v9  }
0x226: {  	v63 =	vand.u32 $0x3FFF, v8;
	v11 =	vand.u32 $0x3FFF, v11;
	[tilespmem:s26+$0x13880] =	vst v5  }
0x227: {  	s18 =	simm.s32 $0x20;
	v8 =	vand.u32 $0x3, v10;
	v1 =	vshrl.u32 v7, $0x1;
	v7 =	vshrl.u32 v10, $0x10;
	[tilespmem:s26+$0x128E0] =	vst v9  }
0x228: {  	s11 =	simm.s32 $0xC0;
	v11 =	vcvt.s32.f32 v11;
	v10 =	vmin.u32 v4, v8;
	v9 =	vcvt.s32.f32 v63;
	v5 =	vld [tilespmem:s18+$0xFA00]  }
.LBB3_23:
0x229: {  	p0 =	sne.s32 s11, $0x1F00;
	v12 =	vld [tilespmem:s18+$0x109A0];
	v6 =	vcvt.s32.f32 v6;
	v7 =	vcvt.s32.f32 v7;
	v13 =	vxor.u32 $0x7, v10  }
0x22a: {  	v9 =	vmul.f32 v11, v9;
	v10 =	vmul.u32 v10, v13;
	v11 =	vmul.u32 $0xA, v3;
	v3 =	vld [tilespmem:s18+$0xEA60]  }
0x22b: {  	v4 =	vmax.u32 v4, v8;
	v7 =	vadd.f32 v7, v6;
	v6 =	vadd.s32 v1, v2  }
.Ltmp11:
0x22c: {  	v8 =	vmul.f32 $1.734723480e-18, v9;
	v1 =	vshrl.u32 v10, $0x1;
	v2 =	vadd.s32 v4, v11;
	[tilespmem:s26+$0x11940] =	vst v6;
	s26 =	smov.u32 s17;
	s17 =	smov.u32 s18;
	(pc) =	sbr.rel @p0 .LBB3_23-.Ltmp11, $4  }
0x22d: {  	v6 =	vshrl.u32 v5, $0x10;
	v4 =	vand.u32 $0x3, v5;
	v9 =	vmul.f32 $7.629394530e-05, v7  }
0x22e: {  	v5 =	vshrl.u32 v5, $0x2;
	v7 =	vshrl.u32 v12, $0x10;
	v10 =	vshrl.u32 v12, $0x2;
	[tilespmem:s26+$0x13880] =	vst v8  }
0x22f: {  	s18 =	sshra.s32 s11, $0x2;
	v11 =	vand.u32 $0x3FFF, v5;
	v8 =	vand.u32 $0x3, v12;
	v10 =	vand.u32 $0x3FFF, v10;
	[tilespmem:s26+$0x128E0] =	vst v9  }
0x230: {  	s11 =	sadd.s32 $0x40, s11;
	v9 =	vcvt.s32.f32 v11;
	v5 =	vld [tilespmem:s18+$0xFA00];
	v11 =	vcvt.s32.f32 v10;
	v10 =	vmin.u32 v4, v8  }
0x231: {  	v6 =	vcvt.s32.f32 v6  }
0x232: {  	v12 =	vld [tilespmem:s18+$0x109A0];
	v7 =	vcvt.s32.f32 v7;
	v13 =	vxor.u32 $0x7, v10;
	v3 =	vmul.u32 $0xA, v3  }
0x233: {  	v4 =	vmax.u32 v4, v8;
	v9 =	vmul.f32 v11, v9;
	v10 =	vmul.u32 v10, v13  }
0x234: {  	v1 =	vadd.s32 v1, v2;
	v6 =	vadd.f32 v7, v6;
	v3 =	vadd.s32 v4, v3  }
0x235: {  	v2 =	vmul.f32 $1.734723480e-18, v9;
	v54 =	vshrl.u32 v10, $0x1;
	v55 =	vshrl.u32 v5, $0x10  }
0x236: {  	v59 =	vld [tilespmem:s18+$0xEA60];
	[tilespmem:s26+$0x11940] =	vst v1;
	v56 =	vand.u32 $0x3, v5;
	v57 =	vshrl.u32 v5, $0x2;
	v1 =	vmul.f32 $7.629394530e-05, v6  }
0x237: {  	v58 =	vshrl.u32 v12, $0x2;
	v60 =	vshrl.u32 v12, $0x10;
	v5 =	vand.u32 $0x3FFF, v57  }
0x238: {  	v12 =	vand.u32 $0x3, v12;
	v8 =	vcvt.s32.f32 v55;
	v13 =	vcvt.s32.f32 v60  }
0x239: {  	v10 =	vand.u32 $0x3FFF, v58;
	v5 =	vcvt.s32.f32 v5;
	v14 =	vmin.u32 v56, v12  }
0x23a: {  	[tilespmem:s17+$0x13880] =	vst v2;
	v10 =	vcvt.s32.f32 v10;
	v61 =	vxor.u32 $0x7, v14;
	v62 =	vadd.f32 v13, v8  }
0x23b: {  	v3 =	vadd.s32 v54, v3;
	[tilespmem:s17+$0x128E0] =	vst v1;
	v1 =	vmul.u32 $0xA, v59;
	v2 =	vmul.u32 v14, v61  }
0x23c: {  	[tilespmem:s17+$0x11940] =	vst v3;
	v63 =	vmax.u32 v56, v12;
	v5 =	vmul.f32 v10, v5;
	v3 =	vmul.f32 $7.629394530e-05, v62  }
0x23d: {  	s11 =	rddreg [dreg:$0x1b];
	v1 =	vadd.s32 v63, v1;
	v2 =	vshrl.u32 v2, $0x1  }
0x23e: {  	s11 =	sadd.s32 s23, s11;
	v5 =	vmul.f32 $1.734723480e-18, v5;
	v1 =	vadd.s32 v2, v1;
	[tilespmem:s18+$0x128E0] =	vst v3  }
0x23f: {  	s11 =	sshrl.u32 s11, $0x3;
	[tilespmem:s18+$0x11940] =	vst v1  }
0x240: {  	p0 =	seq.s32 s13, $0xB;
	[tilespmem:s18+$0x13880] =	vst v5;
	s18 =	sadd.s32 s28, s11  }
0x241: {  	[hbm4b:s18+s16] =	stream.linear.scatter [tilespmem:s10], [sflag:$0x6], $0x7D0, $0x38;
	[tilespmem:$0x14050] =	vst v63  }
.Ltmp12:
0x242: {  	_ = 	snop;
	(pc) =	sbr.rel @p0 .LBB3_26-.Ltmp12, $4  }
0x243: {  	s26 =	sadd.s32 s19, s11;
	s18 =	rddreg [dreg:$0xb]  }
0x244: {  	[hbm4b:s26+s16] =	stream.linear.scatter [tilespmem:s12], [sflag:$0x6], $0x7D0, $0x38;
	[tilespmem:$0x14050] =	vst v63  }
0x245: {  	s11 =	sadd.s32 s18, s11;
	s26 =	simm.s32 $0x11940  }
0x246: {  	[hbm4b:s11+s16] =	stream.linear.scatter [tilespmem:s26], [sflag:$0x6], $0x7D0, $0x38;
	[tilespmem:$0x14050] =	vst v63  }
0x247: {  	s11 =	sld [smem:$0x7FD];
	_ =	sdelay $0x2  }
0x248: {  	s11 =	sadd.s32 s23, s11  }
0x249: {  	s17 =	rddreg [dreg:$0x5];
	s11 =	sshrl.u32 s11, $0x3  }
0x24a: {  	s17 =	sadd.s32 s17, s11  }
0x24b: {  	[tilespmem:s0], [sflag:$0x2] =	stream.linear.gather [hbm4b:s17+s16], $0x7D0, $0x38;
	[tilespmem:$0x14050] =	vst v63  }
.Ltmp13:
0x24c: {  	s23 =	rddreg [dreg:$0x6];
	(pc) =	sbr.rel .LBB3_20-.Ltmp13, $4  }
0x24d: {  	s26 =	rddreg [dreg:$0x4];
	s17 =	sadd.s32 s23, s11  }
0x24e: {  	[tilespmem:s1], [sflag:$0x2] =	stream.linear.gather [hbm4b:s17+s16], $0x7D0, $0x38;
	[tilespmem:$0x14050] =	vst v63  }
0x24f: {  	s13 =	sadd.s32 $0x1, s13;
	s11 =	sadd.s32 s26, s11  }
0x250: {  	[tilespmem:s4], [sflag:$0x2] =	stream.linear.gather [hbm4b:s11+s16], $0x7D0, $0x38;
	[tilespmem:$0x14050] =	vst v63  }
.LBB3_26:
0x251: {  	_ =	swait.ge [sflag:s5], $0x7D0  }
0x252: {  	[sflag:s5] =	ssyncset.done $0x0  }
0x253: {  	[sflag:s5] =	ssyncadd.s32 $0xFFFFF830  }
0x254: {  	_ =	swait.ge [sflag:s5], $0x7D0  }
0x255: {  	[sflag:s5] =	ssyncset.done $0x0  }
0x256: {  	s11 =	simm.s32 $0x5;
	[sflag:s5] =	ssyncadd.s32 $0xFFFFF830  }
0x257: {  	_ =	swait.ge [sflag:s11], $0x7D0  }
0x258: {  	[sflag:s11] =	ssyncset.done $0x0  }
0x259: {  	[sflag:s11] =	ssyncadd.s32 $0xFFFFF830  }
0x25a: {  	_ =	swait.ge [sflag:s11], $0x7D0  }
0x25b: {  	[sflag:s11] =	ssyncset.done $0x0  }
0x25c: {  	[sflag:s11] =	ssyncadd.s32 $0xFFFFF830  }
0x25d: {  	_ =	swait.ge [sflag:s11], $0x7D0  }
0x25e: {  	[sflag:s11] =	ssyncset.done $0x0  }
0x25f: {  	s17 =	simm.s32 $0x0;
	[sflag:s11] =	ssyncadd.s32 $0xFFFFF830  }
0x260: {  	v1 =	vld [tilespmem:s17+$0xF230]  }
0x261: {  	v2 =	vld [tilespmem:s17+$0x101D0];
	_ =	sdelay $0x1  }
0x262: {  	v3 =	vld [tilespmem:s17+$0xE290];
	_ =	sdelay $0x1  }
0x263: {  	v4 =	vshrl.u32 v1, $0x10;
	v5 =	vand.u32 $0x3, v1  }
0x264: {  	s13 =	simm.s32 $0x10;
	v6 =	vshrl.u32 v2, $0x10;
	v1 =	vshrl.u32 v1, $0x2;
	v7 =	vshrl.u32 v2, $0x2  }
0x265: {  	v8 =	vld [tilespmem:s13+$0xF230];
	v2 =	vand.u32 $0x3, v2;
	v1 =	vand.u32 $0x3FFF, v1;
	v7 =	vand.u32 $0x3FFF, v7  }
0x266: {  	v10 =	vld [tilespmem:s13+$0x101D0];
	v3 =	vmul.u32 $0xA, v3;
	v1 =	vcvt.s32.f32 v1;
	v7 =	vcvt.s32.f32 v7  }
0x267: {  	v9 =	vmin.u32 v5, v2;
	v4 =	vcvt.s32.f32 v4;
	v6 =	vcvt.s32.f32 v6  }
0x268: {  	v2 =	vmax.u32 v5, v2;
	v11 =	vxor.u32 $0x7, v9;
	v1 =	vmul.f32 v7, v1  }
0x269: {  	v2 =	vadd.s32 v2, v3;
	v7 =	vmul.u32 v9, v11;
	v9 =	vadd.f32 v6, v4  }
0x26a: {  	v6 =	vshrl.u32 v8, $0x10;
	v4 =	vand.u32 $0x3, v8;
	v5 =	vmul.f32 $1.734723480e-18, v1  }
0x26b: {  	v3 =	vld [tilespmem:s13+$0xE290];
	v8 =	vshrl.u32 v8, $0x2;
	v11 =	vshrl.u32 v10, $0x2;
	v9 =	vmul.f32 $7.629394530e-05, v9  }
0x26c: {  	v12 =	vand.u32 $0x3FFF, v8;
	v11 =	vand.u32 $0x3FFF, v11;
	[tilespmem:s17+$0x130B0] =	vst v5  }
0x26d: {  	s11 =	simm.s32 $0x20;
	v8 =	vand.u32 $0x3, v10;
	v1 =	vshrl.u32 v7, $0x1;
	v7 =	vshrl.u32 v10, $0x10;
	[tilespmem:s17+$0x12110] =	vst v9  }
0x26e: {  	s18 =	simm.s32 $0xC0;
	v11 =	vcvt.s32.f32 v11;
	v10 =	vmin.u32 v4, v8;
	v9 =	vcvt.s32.f32 v12;
	v5 =	vld [tilespmem:s11+$0xF230]  }
.LBB3_27:
0x26f: {  	p0 =	sne.s32 s18, $0x1F00;
	v12 =	vld [tilespmem:s11+$0x101D0];
	v6 =	vcvt.s32.f32 v6;
	v7 =	vcvt.s32.f32 v7;
	v13 =	vxor.u32 $0x7, v10  }
0x270: {  	v9 =	vmul.f32 v11, v9;
	v10 =	vmul.u32 v10, v13;
	v11 =	vmul.u32 $0xA, v3;
	v3 =	vld [tilespmem:s11+$0xE290]  }
0x271: {  	v4 =	vmax.u32 v4, v8;
	v7 =	vadd.f32 v7, v6;
	v6 =	vadd.s32 v1, v2  }
.Ltmp14:
0x272: {  	v8 =	vmul.f32 $1.734723480e-18, v9;
	v1 =	vshrl.u32 v10, $0x1;
	v2 =	vadd.s32 v4, v11;
	[tilespmem:s17+$0x11170] =	vst v6;
	s17 =	smov.u32 s13;
	s13 =	smov.u32 s11;
	(pc) =	sbr.rel @p0 .LBB3_27-.Ltmp14, $4  }
0x273: {  	v6 =	vshrl.u32 v5, $0x10;
	v4 =	vand.u32 $0x3, v5;
	v9 =	vmul.f32 $7.629394530e-05, v7  }
0x274: {  	v5 =	vshrl.u32 v5, $0x2;
	v7 =	vshrl.u32 v12, $0x10;
	v10 =	vshrl.u32 v12, $0x2;
	[tilespmem:s17+$0x130B0] =	vst v8  }
0x275: {  	s11 =	sshra.s32 s18, $0x2;
	v11 =	vand.u32 $0x3FFF, v5;
	v8 =	vand.u32 $0x3, v12;
	v10 =	vand.u32 $0x3FFF, v10;
	[tilespmem:s17+$0x12110] =	vst v9  }
0x276: {  	s18 =	sadd.s32 $0x40, s18;
	v9 =	vcvt.s32.f32 v11;
	v5 =	vld [tilespmem:s11+$0xF230];
	v11 =	vcvt.s32.f32 v10;
	v10 =	vmin.u32 v4, v8  }
0x277: {  	v6 =	vcvt.s32.f32 v6  }
0x278: {  	v12 =	vld [tilespmem:s11+$0x101D0];
	v7 =	vcvt.s32.f32 v7;
	v13 =	vxor.u32 $0x7, v10;
	v3 =	vmul.u32 $0xA, v3  }
0x279: {  	v4 =	vmax.u32 v4, v8;
	v9 =	vmul.f32 v11, v9;
	v10 =	vmul.u32 v10, v13  }
0x27a: {  	v1 =	vadd.s32 v1, v2;
	v6 =	vadd.f32 v7, v6;
	v3 =	vadd.s32 v4, v3  }
0x27b: {  	v2 =	vmul.f32 $1.734723480e-18, v9;
	v54 =	vshrl.u32 v10, $0x1;
	v55 =	vshrl.u32 v5, $0x10  }
0x27c: {  	v59 =	vld [tilespmem:s11+$0xE290];
	[tilespmem:s17+$0x11170] =	vst v1;
	v56 =	vand.u32 $0x3, v5;
	v57 =	vshrl.u32 v5, $0x2;
	v1 =	vmul.f32 $7.629394530e-05, v6  }
0x27d: {  	v58 =	vshrl.u32 v12, $0x2;
	v60 =	vshrl.u32 v12, $0x10;
	v5 =	vand.u32 $0x3FFF, v57  }
0x27e: {  	v12 =	vand.u32 $0x3, v12;
	v8 =	vcvt.s32.f32 v55;
	v13 =	vcvt.s32.f32 v60  }
0x27f: {  	v10 =	vand.u32 $0x3FFF, v58;
	v5 =	vcvt.s32.f32 v5;
	v14 =	vmin.u32 v56, v12  }
0x280: {  	[tilespmem:s13+$0x130B0] =	vst v2;
	v10 =	vcvt.s32.f32 v10;
	v61 =	vxor.u32 $0x7, v14;
	v62 =	vadd.f32 v13, v8  }
0x281: {  	v3 =	vadd.s32 v54, v3;
	[tilespmem:s13+$0x12110] =	vst v1;
	v1 =	vmul.u32 $0xA, v59;
	v2 =	vmul.u32 v14, v61  }
0x282: {  	[tilespmem:s13+$0x11170] =	vst v3;
	v63 =	vmax.u32 v56, v12;
	v5 =	vmul.f32 v10, v5;
	v3 =	vmul.f32 $7.629394530e-05, v62  }
0x283: {  	v1 =	vadd.s32 v63, v1;
	v2 =	vshrl.u32 v2, $0x1  }
0x284: {  	s23 =	sld [smem:$0x7F5];
	v5 =	vmul.f32 $1.734723480e-18, v5;
	v1 =	vadd.s32 v2, v1;
	[tilespmem:s11+$0x12110] =	vst v3  }
0x285: {  	[tilespmem:s11+$0x11170] =	vst v1  }
0x286: {  	s26 =	sld [smem:$0x7F6];
	[tilespmem:s11+$0x130B0] =	vst v5  }
0x287: {  	[hbm4b:s23+s16] =	stream.linear.scatter [tilespmem:s20], [sflag:$0x5], $0x7D0, $0x38;
	[tilespmem:$0x14050] =	vst v63  }
0x288: {  	s13 =	sld [smem:$0x7F7]  }
0x289: {  	[hbm4b:s26+s16] =	stream.linear.scatter [tilespmem:s9], [sflag:$0x5], $0x7D0, $0x38;
	[tilespmem:$0x14050] =	vst v63  }
0x28a: {  	s18 =	simm.s32 $0x6;
	s17 =	simm.s32 $0x11170  }
0x28b: {  	[hbm4b:s13+s16] =	stream.linear.scatter [tilespmem:s17], [sflag:$0x5], $0x7D0, $0x38;
	[tilespmem:$0x14050] =	vst v63  }
0x28c: {  	_ =	swait.ge [sflag:s18], $0x7D0  }
0x28d: {  	[sflag:s18] =	ssyncset.done $0x0  }
0x28e: {  	[sflag:s18] =	ssyncadd.s32 $0xFFFFF830  }
0x28f: {  	_ =	swait.ge [sflag:s18], $0x7D0  }
0x290: {  	[sflag:s18] =	ssyncset.done $0x0  }
0x291: {  	[sflag:s18] =	ssyncadd.s32 $0xFFFFF830  }
0x292: {  	_ =	swait.ge [sflag:s18], $0x7D0  }
0x293: {  	[sflag:s18] =	ssyncset.done $0x0  }
0x294: {  	s19 =	simm.s32 $0x5;
	[sflag:s18] =	ssyncadd.s32 $0xFFFFF830  }
0x295: {  	_ =	swait.ge [sflag:s19], $0x7D0  }
0x296: {  	[sflag:s19] =	ssyncset.done $0x0  }
0x297: {  	[sflag:s19] =	ssyncadd.s32 $0xFFFFF830  }
0x298: {  	_ =	swait.ge [sflag:s19], $0x7D0  }
0x299: {  	[sflag:s19] =	ssyncset.done $0x0  }
0x29a: {  	[sflag:s19] =	ssyncadd.s32 $0xFFFFF830  }
0x29b: {  	_ =	swait.ge [sflag:s19], $0x7D0  }
0x29c: {  	s23 =	sld [smem:$0x7F0]  }
0x29d: {  	s26 =	sld [smem:$0x7F8];
	_ =	sdelay $0x1  }
0x29e: {  	s17 =	sadd.s32 $0x1, s23  }
0x29f: {  	p0 =	sne.s32 s17, s26  }
.Ltmp15:
0x2a0: {  	_ = 	snop;
	(pc) =	sbr.rel @p0 .LBB3_1-.Ltmp15, $4  }
0x2a1: {  	_ = 	snop  }
0x2a2: {  	[sflag:s19] =	ssyncset.done $0x0  }
0x2a3: {  	[sflag:s19] =	ssyncadd.s32 $0xFFFFF830  }
0x2a4: {  	s19 =	rddreg [dreg:$0xc]  }
0x2a5: {  	_ =	sfence.sel $0x180000  }
0x2a6: {  	[bflag:$0x0] =	sbarrier.arrive $0xFFFF  }
0x2a7: {  	_ =	strace $0x90000047  }
0x2a8: {  	s0 =	stileid.u32;
	[bflag:$0x2] =	sbarrier.arrive $0xFFFF  }
0x2a9: {  	p0 =	sne.s32 s0, $0x0;
	s0 =	rddreg [dreg:$0xe]  }
0x2aa: {  	s0 =	sadd.s32 @!p0 $0x100000, s0  }
0x2ab: {  	[sflag:s0] =	ssyncadd.tile.s32 @!p0 $0x1;
	_ =	shalt  }
.Lfunc_end3:
_tile_overlayer_lowered:
.L_overlay_start_3:
0x2ac: {  	(tag) =	ssettag $0x3  }
0x2ad: {  	s0 =	rddreg [dreg:$0x0];
	s2 =	stileid.u32  }
0x2ae: {  	s1 =	rddreg [dreg:$0x1];
	p0 =	sne.s32 s2, $0x0  }
0x2af: {  	s3 =	rddreg [dreg:$0x2];
	[bflag:$0x3] =	sbarrier.arrive $0xFFFF;
	s2 =	simm.s32 @!p0 $0x1C07  }
0x2b0: {  	[timem:s3], [sflag:s2] =	dma.local @!p0 [hbm:s0], s1  }
0x2b1: {  	s0 =	simm.s32 @!p0 $0x7  }
0x2b2: {  	_ =	swait.ge @!p0 [sflag:s0], s1  }
0x2b3: {  	s1 =	ssub.s32 @!p0 $0x0, s1;
	[sflag:s0] =	ssyncset.done @!p0 $0x0  }
0x2b4: {  	[sflag:s0] =	ssyncadd.s32 @!p0 s1  }
0x2b5: {  	[bflag:$0x3] =	sbarrier.arrive $0xFFFF  }
0x2b6: {  	_ =	shalt  }

</sc_bundles>
